<compile_context>
chip_gen: v7x
topology: tpu7x:2x2x1
jax: 0.10.2.dev20260603
libtpu: 0.0.44.dev20260713+nightly
codegen_flags: <defaults>
</compile_context>

<pallas_src>
import functools

import jax
import jax.numpy as jnp
import numpy as np
from jax import lax
from jax.experimental import pallas as pl
from jax.experimental.pallas import tpu as pltpu
from jax.experimental.pallas import tpu_sc as plsc

N = 10000
E = 320000
K = 100000
G = 256
H = 128

NC, NS = 2, 16
NW = NC * NS
CH = 128

E_CHUNKS = 80
E_PAD = NW * E_CHUNKS * CH
KC2 = 98
K_PAD = NW * KC2 * (CH // 4)

ACC_ROWS = 10112
ZROWS = ACC_ROWS // NS
OROWS = ZROWS
DCH = CH // 4

_mesh = plsc.VectorSubcoreMesh(core_axis_name="c", subcore_axis_name="s", num_cores=NC, num_subcores=NS)

_INV2PI = 0.15915494309189535
_MAGIC = 12582912.0
_C1 = 6.28125
_C2 = 0.0019353072
_C3 = 1.0253132e-11
_PI = 3.14159265358979
_HPI = 1.5707963267948966
_S1 = 9.9999998166e-01
_S3 = -1.6666650734e-01
_S5 = 8.3329497688e-03
_S7 = -1.9803826284e-04
_S9 = 2.5961359807e-06


def _sin16(x):
    r = x * _INV2PI
    k = (r + _MAGIC) - _MAGIC
    t = x - k * _C1
    t = t - k * _C2
    t = t - k * _C3
    t = jnp.where(t > _HPI, _PI - t, t)
    t = jnp.where(t < -_HPI, -_PI - t, t)
    t2 = t * t
    p = _S9
    p = p * t2 + _S7
    p = p * t2 + _S5
    p = p * t2 + _S3
    p = p * t2 + _S1
    return t * p



def _iloop(n, body, ctr, slot, start, step):
    ctr[slot] = start

    def _body(_, carry):
        i = ctr[slot]
        body(i)
        ctr[slot] = lax.add(i, np.int32(step))
        return carry

    lax.fori_loop(0, n, _body, None)



def _embed_body(x_ref, wn_ref, bn_ref, wm_ref, h_ref, hw_ref):
    h = jnp.maximum(jnp.dot(x_ref[...], wn_ref[...],
                            preferred_element_type=jnp.float32,
                     precision=lax.Precision.HIGHEST) + bn_ref[...], 0.0)
    h_ref[...] = h
    hw_ref[...] = jnp.dot(h, wm_ref[...], preferred_element_type=jnp.float32,
                     precision=lax.Precision.HIGHEST)


def _embed(x, W_node, b_node, Wm0):
    BN = 2000
    return pl.pallas_call(
        _embed_body,
        grid=(N // BN,),
        in_specs=[
            pl.BlockSpec((BN, H), lambda i: (i, np.int32(0))),
            pl.BlockSpec((H, H), lambda i: (np.int32(0), np.int32(0))),
            pl.BlockSpec((1, H), lambda i: (np.int32(0), np.int32(0))),
            pl.BlockSpec((H, H), lambda i: (np.int32(0), np.int32(0))),
        ],
        out_specs=[
            pl.BlockSpec((BN, H), lambda i: (i, np.int32(0))),
            pl.BlockSpec((BN, H), lambda i: (i, np.int32(0))),
        ],
        out_shape=[
            jax.ShapeDtypeStruct((N, H), jnp.float32),
            jax.ShapeDtypeStruct((N, H), jnp.float32),
        ],
    )(x, W_node, b_node, Wm0)


def _edge_ew_body(ea_ref, we_ref, be_ref, wm_ref, bm_ref, out_ref):
    e = jnp.maximum(jnp.dot(ea_ref[...], we_ref[...],
                            preferred_element_type=jnp.float32,
                     precision=lax.Precision.HIGHEST) + be_ref[...], 0.0)
    for l in range(3):
        out_ref[l] = jnp.dot(e, wm_ref[l], preferred_element_type=jnp.float32,
                     precision=lax.Precision.HIGHEST) + bm_ref[l]


def _edge_ew(edge_attr, W_edge, b_edge, Wm_e, b_msg):
    BE = 512
    return pl.pallas_call(
        _edge_ew_body,
        grid=(E_PAD // BE,),
        in_specs=[
            pl.BlockSpec((BE, 16), lambda i: (i, np.int32(0))),
            pl.BlockSpec((16, H), lambda i: (np.int32(0), np.int32(0))),
            pl.BlockSpec((1, H), lambda i: (np.int32(0), np.int32(0))),
            pl.BlockSpec((3, H, H), lambda i: (np.int32(0), np.int32(0), np.int32(0))),
            pl.BlockSpec((3, 1, H), lambda i: (np.int32(0), np.int32(0), np.int32(0))),
        ],
        out_specs=pl.BlockSpec((3, BE, H), lambda i: (np.int32(0), i, np.int32(0))),
        out_shape=jax.ShapeDtypeStruct((3, E_PAD, H), jnp.float32),
    )(edge_attr, W_edge, b_edge, Wm_e, b_msg)


def _update_body(h_ref, agg_ref, wt_ref, wb_ref, bu_ref, wn_ref, h_out, hw_out):
    agg = agg_ref[0] + agg_ref[1]
    hn = jnp.maximum(
        jnp.dot(h_ref[...], wt_ref[...], preferred_element_type=jnp.float32,
                     precision=lax.Precision.HIGHEST)
        + jnp.dot(agg, wb_ref[...], preferred_element_type=jnp.float32,
                     precision=lax.Precision.HIGHEST)
        + bu_ref[...], 0.0)
    h_out[...] = hn
    hw_out[...] = jnp.dot(hn, wn_ref[...], preferred_element_type=jnp.float32,
                     precision=lax.Precision.HIGHEST)


def _update(h, aggp, Wu_top, Wu_bot, bu, Wnext):
    BN = 2000
    M = Wnext.shape[1]
    return pl.pallas_call(
        _update_body,
        grid=(N // BN,),
        in_specs=[
            pl.BlockSpec((BN, H), lambda i: (i, np.int32(0))),
            pl.BlockSpec((NC, BN, H), lambda i: (np.int32(0), i, np.int32(0))),
            pl.BlockSpec((H, H), lambda i: (np.int32(0), np.int32(0))),
            pl.BlockSpec((H, H), lambda i: (np.int32(0), np.int32(0))),
            pl.BlockSpec((1, H), lambda i: (np.int32(0), np.int32(0))),
            pl.BlockSpec((H, M), lambda i: (np.int32(0), np.int32(0))),
        ],
        out_specs=[
            pl.BlockSpec((BN, H), lambda i: (i, np.int32(0))),
            pl.BlockSpec((BN, M), lambda i: (i, np.int32(0))),
        ],
        out_shape=[
            jax.ShapeDtypeStruct((N, H), jnp.float32),
            jax.ShapeDtypeStruct((N, M), jnp.float32),
        ],
    )(h, aggp, Wu_top, Wu_bot, bu, Wnext)


def _readout_body(h_ref, ch_ref, b_ref, wo_ref, bo_ref, out_ref, acc_ref):
    i = pl.program_id(0)
    hf = h_ref[...] + ch_ref[0] + ch_ref[1]
    bvec = b_ref[0]
    gids = lax.broadcasted_iota(jnp.int32, (G, bvec.shape[1]), 0)
    ind = (gids == bvec).astype(jnp.float32)
    part = jnp.dot(ind, hf, preferred_element_type=jnp.float32,
                     precision=lax.Precision.HIGHEST)

    @pl.when(i == 0)
    def _():
        acc_ref[...] = part

    @pl.when(i > 0)
    def _():
        acc_ref[...] = acc_ref[...] + part

    @pl.when(i == pl.num_programs(0) - 1)
    def _():
        out_ref[...] = jnp.dot(acc_ref[...], wo_ref[...],
                               preferred_element_type=jnp.float32,
                     precision=lax.Precision.HIGHEST) + bo_ref[...]


def _readout(h, chp, batch3d, W_out, b_out):
    BN = 2000
    return pl.pallas_call(
        _readout_body,
        grid=(N // BN,),
        in_specs=[
            pl.BlockSpec((BN, H), lambda i: (i, np.int32(0))),
            pl.BlockSpec((NC, BN, H), lambda i: (np.int32(0), i, np.int32(0))),
            pl.BlockSpec((1, 1, BN), lambda i: (i, np.int32(0), np.int32(0))),
            pl.BlockSpec((H, 1), lambda i: (np.int32(0), np.int32(0))),
            pl.BlockSpec((1, 1), lambda i: (np.int32(0), np.int32(0))),
        ],
        out_specs=pl.BlockSpec((G, 1), lambda i: (np.int32(0), np.int32(0))),
        out_shape=jax.ShapeDtypeStruct((G, 1), jnp.float32),
        scratch_shapes=[pltpu.VMEM((G, H), jnp.float32)],
    )(h, chp, batch3d, W_out, b_out)



@functools.partial(
    pl.kernel,
    mesh=_mesh,
    out_type=jax.ShapeDtypeStruct((NC, ACC_ROWS, H), jnp.float32),
    scratch_types=[
        pltpu.VMEM((CH,), jnp.int32),
        pltpu.VMEM((CH,), jnp.int32),
        pltpu.VMEM((CH, H), jnp.float32),
        pltpu.VMEM((CH * H,), jnp.float32),
        pltpu.VMEM_SHARED((ACC_ROWS, H), jnp.float32),
        pltpu.SMEM((2,), jnp.int32),
        pltpu.SemaphoreType.DMA,
    ],
)
def _edge_sc(hw_hbm, ew_hbm, src_hbm, dst_hbm, zeros_hbm, out_hbm,
             s_v, d_v, rows_v, ew_v, agg_sh, ctr, sem_g):
    c = lax.axis_index("c")
    s = lax.axis_index("s")
    w = c * np.int32(NS) + s
    pltpu.sync_copy(zeros_hbm, agg_sh.at[pl.ds(s * np.int32(ZROWS), ZROWS), :])
    plsc.subcore_barrier()

    base_c = w * np.int32(E_CHUNKS)

    def chunk(cid):
        crow = lax.add(base_c, cid)
        off = pl.multiple_of(lax.mul(crow, np.int32(CH)), 8)
        pltpu.sync_copy(src_hbm.at[pl.ds(off, CH)], s_v)
        pltpu.sync_copy(dst_hbm.at[pl.ds(off, CH)], d_v)
        pltpu.async_copy(hw_hbm.at[s_v], rows_v, sem_g).wait()
        offe = pl.multiple_of(lax.mul(crow, np.int32(CH * H)), 8)
        pltpu.sync_copy(ew_hbm.at[pl.ds(offe, CH * H)], ew_v)

        def row(r):
            ro = lax.mul(r, np.int32(H))
            for j in range(H // 16):
                v = rows_v[r, pl.ds(j * 16, 16)]
                ev = ew_v[pl.ds(lax.add(ro, np.int32(j * 16)), 16)]
                rows_v[r, pl.ds(j * 16, 16)] = jnp.maximum(v + ev, 0.0)

        _iloop(CH, row, ctr, 1, np.int32(0), 1)
        pltpu.sync_copy(rows_v, agg_sh.at[d_v], add=True)

    _iloop(E_CHUNKS, chunk, ctr, 0, np.int32(0), 1)
    plsc.subcore_barrier()
    pltpu.sync_copy(agg_sh.at[pl.ds(s * np.int32(OROWS), OROWS), :],
                    out_hbm.at[c, pl.ds(s * np.int32(OROWS), OROWS), :])


@functools.partial(
    pl.kernel,
    mesh=_mesh,
    out_type=jax.ShapeDtypeStruct((NC, ACC_ROWS, H), jnp.float32),
    scratch_types=[
        pltpu.VMEM((CH,), jnp.int32),
        pltpu.VMEM((DCH,), jnp.int32),
        pltpu.VMEM((CH, H), jnp.float32),
        pltpu.VMEM((DCH, H), jnp.float32),
        pltpu.VMEM_SHARED((ACC_ROWS, H), jnp.float32),
        pltpu.SMEM((2,), jnp.int32),
        pltpu.SemaphoreType.DMA,
    ],
)
def _dih_sc(hAr_hbm, dcat_hbm, d1_hbm, zeros_hbm, out_hbm,
            dc_v, d1s_v, rows_v, sb_v, ch_sh, ctr, sem_g):
    c = lax.axis_index("c")
    s = lax.axis_index("s")
    w = c * np.int32(NS) + s
    pltpu.sync_copy(zeros_hbm, ch_sh.at[pl.ds(s * np.int32(ZROWS), ZROWS), :])
    plsc.subcore_barrier()

    base_row = w * np.int32(KC2)

    def chunk(cid):
        crow = lax.add(base_row, cid)
        offc = pl.multiple_of(lax.mul(crow, np.int32(CH)), 8)
        pltpu.sync_copy(dcat_hbm.at[pl.ds(offc, CH)], dc_v)
        offk = pl.multiple_of(lax.mul(crow, np.int32(DCH)), 8)
        pltpu.sync_copy(d1_hbm.at[pl.ds(offk, DCH)], d1s_v)
        pltpu.async_copy(hAr_hbm.at[dc_v], rows_v, sem_g).wait()

        def row_fn(r):
            r1 = lax.add(r, np.int32(DCH))
            r2 = lax.add(r, np.int32(2 * DCH))
            r3 = lax.add(r, np.int32(3 * DCH))
            for j in range(H // 16):
                sl = pl.ds(j * 16, 16)
                ph = rows_v[r, sl] + rows_v[r1, sl] + rows_v[r2, sl] + rows_v[r3, sl]
                sb_v[r, sl] = _sin16(ph)

        _iloop(DCH, row_fn, ctr, 1, np.int32(0), 1)
        pltpu.sync_copy(sb_v, ch_sh.at[d1s_v], add=True)

    _iloop(KC2, chunk, ctr, 0, np.int32(0), 1)
    plsc.subcore_barrier()
    pltpu.sync_copy(ch_sh.at[pl.ds(s * np.int32(OROWS), OROWS), :],
                    out_hbm.at[c, pl.ds(s * np.int32(OROWS), OROWS), :])



def kernel(x, edge_index, edge_attr, dihedral_angle_index, batch_vec, y,
           W_node, b_node, W_edge, b_edge, W_msg, b_msg, W_upd, b_upd,
           W_alpha, W_out, b_out):
    f32 = jnp.float32
    W_node = W_node.astype(f32)
    W_edge = W_edge.astype(f32)
    W_msg = W_msg.astype(f32)
    W_upd = W_upd.astype(f32)
    W_alpha = W_alpha.astype(f32)
    W_out = W_out.astype(f32)
    b_node = b_node.astype(f32)
    b_edge = b_edge.astype(f32)
    b_msg = b_msg.astype(f32)
    b_upd = b_upd.astype(f32)
    b_out = b_out.astype(f32)

    i32 = jnp.int32
    src = edge_index[0].astype(i32)
    dst = edge_index[1].astype(i32)
    pe = E_PAD - E
    trash_e = (N + (jnp.arange(pe, dtype=i32) % (ACC_ROWS - N))).astype(i32)
    src_p = jnp.concatenate([src, jnp.zeros((pe,), i32)])
    dst_p = jnp.concatenate([dst, trash_e])


    dd = dihedral_angle_index.astype(i32)
    pk = K_PAD - K
    trash_k = (N + (jnp.arange(pk, dtype=i32) % (ACC_ROWS - N))).astype(i32)
    zpk = jnp.zeros((pk,), i32)
    d0 = jnp.concatenate([dd[0], zpk])
    d1 = jnp.concatenate([dd[1], trash_k])
    d2 = jnp.concatenate([dd[2], zpk])
    d3 = jnp.concatenate([dd[3], zpk])

    batch3d = batch_vec.astype(i32).reshape(N // 2000, 1, 2000)
    zeros_init = jnp.zeros((ZROWS, H), jnp.float32)

    ea_p = jnp.concatenate(
        [edge_attr, jnp.zeros((E_PAD - E, edge_attr.shape[1]), jnp.float32)])
    h, hw = _embed(x, W_node, b_node.reshape(1, H), W_msg[0, :H])
    ewp = _edge_ew(ea_p, W_edge, b_edge.reshape(1, H),
                   W_msg[:, H:], b_msg.reshape(3, 1, H))

    Wa_cat = W_alpha.reshape(4, H, H).transpose(1, 0, 2).reshape(H, 4 * H)
    for l in range(3):
        aggp = _edge_sc(hw, ewp[l].reshape(-1), src_p, dst_p, zeros_init)
        Wnext = W_msg[l + 1, :H] if l < 2 else Wa_cat
        h, hw = _update(h, aggp, W_upd[l, :H], W_upd[l, H:],
                        b_upd[l].reshape(1, H), Wnext)

    hAr = hw.reshape(N, 4, H).transpose(1, 0, 2).reshape(4 * N, H)
    dcat = jnp.stack([d0, d1 + np.int32(N), d2 + np.int32(2 * N),
                      d3 + np.int32(3 * N)])
    dcat = dcat.reshape(4, K_PAD // DCH, DCH).transpose(1, 0, 2).reshape(
        K_PAD // DCH, 4 * DCH)
    dcat = jnp.concatenate([dcat, jnp.zeros((1, 4 * DCH), i32)])
    dcat = jnp.concatenate(
        [dcat, jnp.zeros((K_PAD // DCH + 1, 128 - 4 * DCH), i32)],
        axis=1).reshape(-1)
    d1s = jnp.concatenate([d1, jnp.full((DCH,), N, i32)])
    chp = _dih_sc(hAr, dcat, d1s, zeros_init)

    out = _readout(h, chp, batch3d, W_out, b_out.reshape(1, 1))
    return (out.astype(jnp.float64), y)

# --- scband reference (transcript-rebuilt; emitter-appended) ---
"""Pipeline reference for scband-ch-iro-19421842112970 (READ-ONLY COPY).

The authoritative reference and input builder live on the scoring server;
editing this copy changes nothing except your own understanding.
"""

import jax, jax.numpy as jnp
import numpy as np
jax.config.update('jax_enable_x64', True)

N, E, K, G = 10000, 320000, 100000, 256
D_IN, D_EDGE, H, L, D_OUT = 128, 16, 128, 3, 1


def setup_inputs(seed: int = 0) -> dict:
    key = jax.random.key(seed)
    ks = jax.random.split(key, 24)
    inp = {}
    inp['x'] = jax.random.normal(ks[0], (N, D_IN), dtype=jnp.float32)
    inp['edge_index'] = jax.random.randint(ks[1], (2, E), 0, N, dtype=jnp.int64)
    inp['edge_attr'] = jax.random.normal(ks[2], (E, D_EDGE), dtype=jnp.float32)
    inp['dihedral_angle_index'] = jax.random.randint(ks[3], (4, K), 0, N, dtype=jnp.int64)
    inp['batch_vec'] = jnp.sort(jax.random.randint(ks[4], (N,), 0, G, dtype=jnp.int64))
    inp['y'] = jax.random.normal(ks[5], (G, D_OUT), dtype=jnp.float32)
    inp['W_node'] = jax.random.normal(ks[6], (D_IN, H), dtype=jnp.float32) / np.sqrt(D_IN)
    inp['b_node'] = jnp.zeros((H,), dtype=jnp.float32)
    inp['W_edge'] = jax.random.normal(ks[7], (D_EDGE, H), dtype=jnp.float32) / np.sqrt(D_EDGE)
    inp['b_edge'] = jnp.zeros((H,), dtype=jnp.float32)
    inp['W_msg'] = jax.random.normal(ks[8], (L, 2 * H, H), dtype=jnp.float32) / np.sqrt(2 * H)
    inp['b_msg'] = jnp.zeros((L, H), dtype=jnp.float32)
    inp['W_upd'] = jax.random.normal(ks[9], (L, 2 * H, H), dtype=jnp.float32) / np.sqrt(2 * H)
    inp['b_upd'] = jnp.zeros((L, H), dtype=jnp.float32)
    inp['W_alpha'] = jax.random.normal(ks[10], (4 * H, H), dtype=jnp.float32) / np.sqrt(4 * H)
    inp['W_out'] = jax.random.normal(ks[11], (H, D_OUT), dtype=jnp.float32) / np.sqrt(H)
    inp['b_out'] = jnp.zeros((D_OUT,), dtype=jnp.float32)
    return inp


def get_local_structure_map(dihedral_angle_index, n_nodes):
    # map each torsion to its central bond (atoms 1,2); deduplicate bonds
    pair_key = dihedral_angle_index[1] * n_nodes + dihedral_angle_index[2]
    uniq, LS_map = jnp.unique(pair_key, return_inverse=True,
                              size=pair_key.shape[0], fill_value=0)
    alpha_indices = jnp.stack([uniq // n_nodes, uniq % n_nodes], axis=0)
    return LS_map.reshape(-1), alpha_indices


def reference(x, edge_index, edge_attr, dihedral_angle_index, batch_vec, y,
              W_node, b_node, W_edge, b_edge, W_msg, b_msg, W_upd, b_upd,
              W_alpha, W_out, b_out):
    n_nodes = x.shape[0]
    LS_map, alpha_indices = get_local_structure_map(dihedral_angle_index, n_nodes)
    num_LS = alpha_indices.shape[1]

    # embed node / edge features
    h = jax.nn.relu(x @ W_node + b_node)
    e = jax.nn.relu(edge_attr @ W_edge + b_edge)

    src, dst = edge_index[0], edge_index[1]
    for l in range(W_msg.shape[0]):
        m = jax.nn.relu(jnp.concatenate([h[src], e], axis=1) @ W_msg[l] + b_msg[l])
        agg = jax.ops.segment_sum(m, dst, num_segments=n_nodes)
        h = jax.nn.relu(jnp.concatenate([h, agg], axis=1) @ W_upd[l] + b_upd[l])

    # chirality / torsion pathway: gather the 4 atoms of each dihedral,
    # compute sinusoidal phase embedding, pool per local structure (central bond),
    # scatter back onto central atoms
    z = jnp.concatenate([h[dihedral_angle_index[i]] for i in range(4)], axis=1)
    phase = z @ W_alpha
    s = jnp.sin(phase)
    ls = jax.ops.segment_sum(s, LS_map, num_segments=num_LS)
    h_chiral = jnp.zeros_like(h).at[alpha_indices[0]].add(ls)
    h = h + h_chiral

    # graph-level readout
    g = jax.ops.segment_sum(h, batch_vec, num_segments=G)
    out = g @ W_out + b_out
    return (out, y)

if __name__ == "__main__":
    import jax
    _d = setup_inputs()
    print(jax.jit(kernel)(*tuple(_d.values())))

</pallas_src>

<mosaic_0001>
#map = affine_map<(d0, d1) -> (0, 0)>
#map1 = affine_map<(d0, d1) -> (0)>
#map2 = affine_map<(d0, d1) -> (0, 0, 0)>
module attributes {stable_mosaic.version = 14 : i64} {
  func.func @_edge_sc(%arg0: i32, %arg1: i32, %arg2: memref<10000x128xf32, #tpu.memory_space<hbm>>, %arg3: memref<41943040xf32, #tpu.memory_space<hbm>>, %arg4: memref<327680xi32, #tpu.memory_space<hbm>>, %arg5: memref<327680xi32, #tpu.memory_space<hbm>>, %arg6: memref<632x128xf32, #tpu.memory_space<hbm>>, %arg7: memref<2x10112x128xf32, #tpu.memory_space<hbm>>, %arg8: memref<128xi32, #tpu.memory_space<vmem>>, %arg9: memref<128xi32, #tpu.memory_space<vmem>>, %arg10: memref<128x128xf32, #tpu.memory_space<vmem>>, %arg11: memref<16384xf32, #tpu.memory_space<vmem>>, %arg12: memref<10112x128xf32, #tpu.memory_space<vmem_shared>>, %arg13: memref<2xi32, #tpu.memory_space<smem>>, %arg14: memref<!tpu.dma_semaphore, #tpu.memory_space<semaphore_mem>>) attributes {dimension_semantics = [#tpu.dimension_semantics<core_parallel>, #tpu.dimension_semantics<subcore_parallel>], iteration_bounds = array<i64: 2, 16>, scalar_prefetch = 0 : i64, scratch_operands = 7 : i64, tpu.core_type = #tpu.core_type<sc_vector_subcore>, window_params = [{transform_indices = #map}, {transform_indices = #map1}, {transform_indices = #map1}, {transform_indices = #map1}, {transform_indices = #map}, {transform_indices = #map2}]} {
    %mul3A = arith.constant 16 : i32
    %mul3A_0 = arith.muli %arg0, %mul3A : i32
    %add3A = arith.addi %mul3A_0, %arg1 : i32
    %mul3A_1 = arith.constant 632 : i32
    %mul3A_2 = arith.muli %arg1, %mul3A_1 : i32
    "tpu.region"() ({
      %run_scoped3A = tpu.sem_alloc : memref<!tpu.dma_semaphore, #tpu.memory_space<semaphore_mem>>
      %dma_start3A = arith.constant 0 : i32
      %dma_start3A_17 = tpu.memref_slice %arg12[%mul3A_2, %dma_start3A] : memref<10112x128xf32, #tpu.memory_space<vmem_shared>> -> memref<632x128xf32, #tpu.memory_space<vmem_shared>>
      tpu.enqueue_dma source(%arg6 : memref<632x128xf32, #tpu.memory_space<hbm>>) target(%dma_start3A_17 : memref<632x128xf32, #tpu.memory_space<vmem_shared>>) target_semaphore(%run_scoped3A : memref<!tpu.dma_semaphore, #tpu.memory_space<semaphore_mem>>)
      %dma_wait3A = arith.constant 0 : i32
      %dma_wait3A_18 = tpu.memref_slice %arg12[%mul3A_2, %dma_wait3A] : memref<10112x128xf32, #tpu.memory_space<vmem_shared>> -> memref<632x128xf32, #tpu.memory_space<vmem_shared>>
      tpu.wait_dma2 semaphore(%run_scoped3A : memref<!tpu.dma_semaphore, #tpu.memory_space<semaphore_mem>>) src(%arg6 : memref<632x128xf32, #tpu.memory_space<hbm>>) dst(%dma_wait3A_18 : memref<632x128xf32, #tpu.memory_space<vmem_shared>>)
      tpu.yield
    }) : () -> ()
    %barrier3A = arith.constant 0 : index
    tpu.barrier barrier_id(%barrier3A)
    %mul3A_3 = arith.constant 80 : i32
    %mul3A_4 = arith.muli %add3A, %mul3A_3 : i32
    %swap3A = arith.constant 0 : i32
    %swap3A_5 = arith.constant 0 : i64
    %swap3A_6 = arith.index_cast %swap3A_5 : i64 to index
    %swap3A_7 = memref.load %arg13[%swap3A_6] : memref<2xi32, #tpu.memory_space<smem>>
    memref.store %swap3A, %arg13[%swap3A_6] : memref<2xi32, #tpu.memory_space<smem>>
    %scan3A = arith.constant 0 : i32
    %scan3A_8 = arith.constant 80 : i32
    %scan3A_9 = arith.addi %scan3A, %scan3A_8 : i32
    %scan3A_10 = arith.constant 1 : i32
    scf.for %scan3A_17 = %scan3A to %scan3A_9 step %scan3A_10  : i32 {
      %get3A = arith.constant 0 : i64
      %get3A_18 = arith.index_cast %get3A : i64 to index
      %get3A_19 = memref.load %arg13[%get3A_18] : memref<2xi32, #tpu.memory_space<smem>>
      %add3A_20 = arith.addi %mul3A_4, %get3A_19 : i32
      %mul3A_21 = arith.constant 128 : i32
      %mul3A_22 = arith.muli %add3A_20, %mul3A_21 : i32
      %multiple_of3A = tpu.assume_multiple %mul3A_22, 8 : i32
      "tpu.region"() ({
        %run_scoped3A = tpu.sem_alloc : memref<!tpu.dma_semaphore, #tpu.memory_space<semaphore_mem>>
        %dma_start3A_44 = tpu.memref_slice %arg4[%multiple_of3A] : memref<327680xi32, #tpu.memory_space<hbm>> -> memref<128xi32, #tpu.memory_space<hbm>>
        %dma_start3A_45 = tpu.memref_slice %arg4[%multiple_of3A] : memref<327680xi32, #tpu.memory_space<hbm>> -> memref<128xi32, #tpu.memory_space<hbm>>
        tpu.enqueue_dma source(%dma_start3A_45 : memref<128xi32, #tpu.memory_space<hbm>>) target(%arg8 : memref<128xi32, #tpu.memory_space<vmem>>) target_semaphore(%run_scoped3A : memref<!tpu.dma_semaphore, #tpu.memory_space<semaphore_mem>>)
        %dma_wait3A_46 = tpu.memref_slice %arg4[%multiple_of3A] : memref<327680xi32, #tpu.memory_space<hbm>> -> memref<128xi32, #tpu.memory_space<hbm>>
        %dma_wait3A_47 = tpu.memref_slice %arg4[%multiple_of3A] : memref<327680xi32, #tpu.memory_space<hbm>> -> memref<128xi32, #tpu.memory_space<hbm>>
        tpu.wait_dma2 semaphore(%run_scoped3A : memref<!tpu.dma_semaphore, #tpu.memory_space<semaphore_mem>>) src(%dma_wait3A_47 : memref<128xi32, #tpu.memory_space<hbm>>) dst(%arg8 : memref<128xi32, #tpu.memory_space<vmem>>)
        tpu.yield
      }) : () -> ()
      "tpu.region"() ({
        %run_scoped3A = tpu.sem_alloc : memref<!tpu.dma_semaphore, #tpu.memory_space<semaphore_mem>>
        %dma_start3A_44 = tpu.memref_slice %arg5[%multiple_of3A] : memref<327680xi32, #tpu.memory_space<hbm>> -> memref<128xi32, #tpu.memory_space<hbm>>
        %dma_start3A_45 = tpu.memref_slice %arg5[%multiple_of3A] : memref<327680xi32, #tpu.memory_space<hbm>> -> memref<128xi32, #tpu.memory_space<hbm>>
        tpu.enqueue_dma source(%dma_start3A_45 : memref<128xi32, #tpu.memory_space<hbm>>) target(%arg9 : memref<128xi32, #tpu.memory_space<vmem>>) target_semaphore(%run_scoped3A : memref<!tpu.dma_semaphore, #tpu.memory_space<semaphore_mem>>)
        %dma_wait3A_46 = tpu.memref_slice %arg5[%multiple_of3A] : memref<327680xi32, #tpu.memory_space<hbm>> -> memref<128xi32, #tpu.memory_space<hbm>>
        %dma_wait3A_47 = tpu.memref_slice %arg5[%multiple_of3A] : memref<327680xi32, #tpu.memory_space<hbm>> -> memref<128xi32, #tpu.memory_space<hbm>>
        tpu.wait_dma2 semaphore(%run_scoped3A : memref<!tpu.dma_semaphore, #tpu.memory_space<semaphore_mem>>) src(%dma_wait3A_47 : memref<128xi32, #tpu.memory_space<hbm>>) dst(%arg9 : memref<128xi32, #tpu.memory_space<vmem>>)
        tpu.yield
      }) : () -> ()
      %dma_start3A = arith.constant 0 : i32
      %dma_start3A_23 = arith.constant 0 : i32
      %dma_start3A_24 = tpu.memref_slice %arg2[%dma_start3A, %dma_start3A_23] : memref<10000x128xf32, #tpu.memory_space<hbm>> -> memref<10000x128xf32, #tpu.memory_space<hbm>>
      tpu.enqueue_indirect_dma source(%dma_start3A_24 : memref<10000x128xf32, #tpu.memory_space<hbm>>) target(%arg10 : memref<128x128xf32, #tpu.memory_space<vmem>>) offsets(%arg8 : memref<128xi32, #tpu.memory_space<vmem>>) semaphore(%arg14 : memref<!tpu.dma_semaphore, #tpu.memory_space<semaphore_mem>>)
      %dma_wait3A = arith.constant 0 : i32
      %dma_wait3A_25 = arith.constant 0 : i32
      %dma_wait3A_26 = tpu.memref_slice %arg2[%dma_wait3A, %dma_wait3A_25] : memref<10000x128xf32, #tpu.memory_space<hbm>> -> memref<10000x128xf32, #tpu.memory_space<hbm>>
      tpu.wait_indirect_dma semaphore(%arg14 : memref<!tpu.dma_semaphore, #tpu.memory_space<semaphore_mem>>) src(%dma_wait3A_26 : memref<10000x128xf32, #tpu.memory_space<hbm>>) dst(%arg10 : memref<128x128xf32, #tpu.memory_space<vmem>>)
      %mul3A_27 = arith.constant 16384 : i32
      %mul3A_28 = arith.muli %add3A_20, %mul3A_27 : i32
      %multiple_of3A_29 = tpu.assume_multiple %mul3A_28, 8 : i32
      "tpu.region"() ({
        %run_scoped3A = tpu.sem_alloc : memref<!tpu.dma_semaphore, #tpu.memory_space<semaphore_mem>>
        %dma_start3A_44 = tpu.memref_slice %arg3[%multiple_of3A_29] : memref<41943040xf32, #tpu.memory_space<hbm>> -> memref<16384xf32, #tpu.memory_space<hbm>>
        %dma_start3A_45 = tpu.memref_slice %arg3[%multiple_of3A_29] : memref<41943040xf32, #tpu.memory_space<hbm>> -> memref<16384xf32, #tpu.memory_space<hbm>>
        tpu.enqueue_dma source(%dma_start3A_45 : memref<16384xf32, #tpu.memory_space<hbm>>) target(%arg11 : memref<16384xf32, #tpu.memory_space<vmem>>) target_semaphore(%run_scoped3A : memref<!tpu.dma_semaphore, #tpu.memory_space<semaphore_mem>>)
        %dma_wait3A_46 = tpu.memref_slice %arg3[%multiple_of3A_29] : memref<41943040xf32, #tpu.memory_space<hbm>> -> memref<16384xf32, #tpu.memory_space<hbm>>
        %dma_wait3A_47 = tpu.memref_slice %arg3[%multiple_of3A_29] : memref<41943040xf32, #tpu.memory_space<hbm>> -> memref<16384xf32, #tpu.memory_space<hbm>>
        tpu.wait_dma2 semaphore(%run_scoped3A : memref<!tpu.dma_semaphore, #tpu.memory_space<semaphore_mem>>) src(%dma_wait3A_47 : memref<16384xf32, #tpu.memory_space<hbm>>) dst(%arg11 : memref<16384xf32, #tpu.memory_space<vmem>>)
        tpu.yield
      }) : () -> ()
      %swap3A_30 = arith.constant 0 : i32
      %swap3A_31 = arith.constant 1 : i64
      %swap3A_32 = arith.index_cast %swap3A_31 : i64 to index
      %swap3A_33 = memref.load %arg13[%swap3A_32] : memref<2xi32, #tpu.memory_space<smem>>
      memref.store %swap3A_30, %arg13[%swap3A_32] : memref<2xi32, #tpu.memory_space<smem>>
      %scan3A_34 = arith.constant 0 : i32
      %scan3A_35 = arith.constant 128 : i32
      %scan3A_36 = arith.addi %scan3A_34, %scan3A_35 : i32
      %scan3A_37 = arith.constant 1 : i32
      scf.for %scan3A_44 = %scan3A_34 to %scan3A_36 step %scan3A_37  : i32 {
        %get3A_45 = arith.constant 1 : i64
        %get3A_46 = arith.index_cast %get3A_45 : i64 to index
        %get3A_47 = memref.load %arg13[%get3A_46] : memref<2xi32, #tpu.memory_space<smem>>
        %mul3A_48 = arith.constant 128 : i32
        %mul3A_49 = arith.muli %get3A_47, %mul3A_48 : i32
        %get3A_50 = arith.index_cast %get3A_47 : i32 to index
        %get3A_51 = arith.constant 0 : index
        %get3A_52 = tpu.vector_load %arg10[%get3A_50, %get3A_51] {strides = array<i32>} : memref<128x128xf32, #tpu.memory_space<vmem>>, vector<1x16xf32>,
        %get3A_53 = vector.shape_cast %get3A_52 : vector<1x16xf32> to vector<16xf32>
        %add3A_54 = arith.constant 0 : i32
        %add3A_55 = arith.addi %mul3A_49, %add3A_54 : i32
        %get3A_56 = arith.index_cast %add3A_55 : i32 to index
        %get3A_57 = tpu.vector_load %arg11[%get3A_56] {strides = array<i32>} : memref<16384xf32, #tpu.memory_space<vmem>>, vector<16xf32>,
        %get3A_58 = vector.shape_cast %get3A_57 : vector<16xf32> to vector<16xf32>
        %add3A_59 = arith.addf %get3A_53, %get3A_58 : vector<16xf32>
        %max3A = arith.constant 0.000000e+00 : f32
        %max3A_60 = vector.broadcast %max3A : f32 to vector<16xf32>
        %max3A_61 = arith.maximumf %add3A_59, %max3A_60 : vector<16xf32>
        %swap3A_62 = arith.index_cast %get3A_47 : i32 to index
        %swap3A_63 = arith.constant 0 : index
        %swap3A_64 = tpu.vector_load %arg10[%swap3A_62, %swap3A_63] {strides = array<i32>} : memref<128x128xf32, #tpu.memory_space<vmem>>, vector<1x16xf32>,
        %swap3A_65 = vector.shape_cast %swap3A_64 : vector<1x16xf32> to vector<16xf32>
        %swap3A_66 = vector.shape_cast %max3A_61 : vector<16xf32> to vector<1x16xf32>
        tpu.vector_store %arg10[%swap3A_62, %swap3A_63], %swap3A_66 {strides = array<i32>} : memref<128x128xf32, #tpu.memory_space<vmem>>, vector<1x16xf32>,
        %get3A_67 = arith.index_cast %get3A_47 : i32 to index
        %get3A_68 = arith.constant 16 : index
        %get3A_69 = tpu.vector_load %arg10[%get3A_67, %get3A_68] {strides = array<i32>} : memref<128x128xf32, #tpu.memory_space<vmem>>, vector<1x16xf32>,
        %get3A_70 = vector.shape_cast %get3A_69 : vector<1x16xf32> to vector<16xf32>
        %add3A_71 = arith.constant 16 : i32
        %add3A_72 = arith.addi %mul3A_49, %add3A_71 : i32
        %get3A_73 = arith.index_cast %add3A_72 : i32 to index
        %get3A_74 = tpu.vector_load %arg11[%get3A_73] {strides = array<i32>} : memref<16384xf32, #tpu.memory_space<vmem>>, vector<16xf32>,
        %get3A_75 = vector.shape_cast %get3A_74 : vector<16xf32> to vector<16xf32>
        %add3A_76 = arith.addf %get3A_70, %get3A_75 : vector<16xf32>
        %max3A_77 = arith.constant 0.000000e+00 : f32
        %max3A_78 = vector.broadcast %max3A_77 : f32 to vector<16xf32>
        %max3A_79 = arith.maximumf %add3A_76, %max3A_78 : vector<16xf32>
        %swap3A_80 = arith.index_cast %get3A_47 : i32 to index
        %swap3A_81 = arith.constant 16 : index
        %swap3A_82 = tpu.vector_load %arg10[%swap3A_80, %swap3A_81] {strides = array<i32>} : memref<128x128xf32, #tpu.memory_space<vmem>>, vector<1x16xf32>,
        %swap3A_83 = vector.shape_cast %swap3A_82 : vector<1x16xf32> to vector<16xf32>
        %swap3A_84 = vector.shape_cast %max3A_79 : vector<16xf32> to vector<1x16xf32>
        tpu.vector_store %arg10[%swap3A_80, %swap3A_81], %swap3A_84 {strides = array<i32>} : memref<128x128xf32, #tpu.memory_space<vmem>>, vector<1x16xf32>,
        %get3A_85 = arith.index_cast %get3A_47 : i32 to index
        %get3A_86 = arith.constant 32 : index
        %get3A_87 = tpu.vector_load %arg10[%get3A_85, %get3A_86] {strides = array<i32>} : memref<128x128xf32, #tpu.memory_space<vmem>>, vector<1x16xf32>,
        %get3A_88 = vector.shape_cast %get3A_87 : vector<1x16xf32> to vector<16xf32>
        %add3A_89 = arith.constant 32 : i32
        %add3A_90 = arith.addi %mul3A_49, %add3A_89 : i32
        %get3A_91 = arith.index_cast %add3A_90 : i32 to index
        %get3A_92 = tpu.vector_load %arg11[%get3A_91] {strides = array<i32>} : memref<16384xf32, #tpu.memory_space<vmem>>, vector<16xf32>,
        %get3A_93 = vector.shape_cast %get3A_92 : vector<16xf32> to vector<16xf32>
        %add3A_94 = arith.addf %get3A_88, %get3A_93 : vector<16xf32>
        %max3A_95 = arith.constant 0.000000e+00 : f32
        %max3A_96 = vector.broadcast %max3A_95 : f32 to vector<16xf32>
        %max3A_97 = arith.maximumf %add3A_94, %max3A_96 : vector<16xf32>
        %swap3A_98 = arith.index_cast %get3A_47 : i32 to index
        %swap3A_99 = arith.constant 32 : index
        %swap3A_100 = tpu.vector_load %arg10[%swap3A_98, %swap3A_99] {strides = array<i32>} : memref<128x128xf32, #tpu.memory_space<vmem>>, vector<1x16xf32>,
        %swap3A_101 = vector.shape_cast %swap3A_100 : vector<1x16xf32> to vector<16xf32>
        %swap3A_102 = vector.shape_cast %max3A_97 : vector<16xf32> to vector<1x16xf32>
        tpu.vector_store %arg10[%swap3A_98, %swap3A_99], %swap3A_102 {strides = array<i32>} : memref<128x128xf32, #tpu.memory_space<vmem>>, vector<1x16xf32>,
        %get3A_103 = arith.index_cast %get3A_47 : i32 to index
        %get3A_104 = arith.constant 48 : index
        %get3A_105 = tpu.vector_load %arg10[%get3A_103, %get3A_104] {strides = array<i32>} : memref<128x128xf32, #tpu.memory_space<vmem>>, vector<1x16xf32>,
        %get3A_106 = vector.shape_cast %get3A_105 : vector<1x16xf32> to vector<16xf32>
        %add3A_107 = arith.constant 48 : i32
        %add3A_108 = arith.addi %mul3A_49, %add3A_107 : i32
        %get3A_109 = arith.index_cast %add3A_108 : i32 to index
        %get3A_110 = tpu.vector_load %arg11[%get3A_109] {strides = array<i32>} : memref<16384xf32, #tpu.memory_space<vmem>>, vector<16xf32>,
        %get3A_111 = vector.shape_cast %get3A_110 : vector<16xf32> to vector<16xf32>
        %add3A_112 = arith.addf %get3A_106, %get3A_111 : vector<16xf32>
        %max3A_113 = arith.constant 0.000000e+00 : f32
        %max3A_114 = vector.broadcast %max3A_113 : f32 to vector<16xf32>
        %max3A_115 = arith.maximumf %add3A_112, %max3A_114 : vector<16xf32>
        %swap3A_116 = arith.index_cast %get3A_47 : i32 to index
        %swap3A_117 = arith.constant 48 : index
        %swap3A_118 = tpu.vector_load %arg10[%swap3A_116, %swap3A_117] {strides = array<i32>} : memref<128x128xf32, #tpu.memory_space<vmem>>, vector<1x16xf32>,
        %swap3A_119 = vector.shape_cast %swap3A_118 : vector<1x16xf32> to vector<16xf32>
        %swap3A_120 = vector.shape_cast %max3A_115 : vector<16xf32> to vector<1x16xf32>
        tpu.vector_store %arg10[%swap3A_116, %swap3A_117], %swap3A_120 {strides = array<i32>} : memref<128x128xf32, #tpu.memory_space<vmem>>, vector<1x16xf32>,
        %get3A_121 = arith.index_cast %get3A_47 : i32 to index
        %get3A_122 = arith.constant 64 : index
        %get3A_123 = tpu.vector_load %arg10[%get3A_121, %get3A_122] {strides = array<i32>} : memref<128x128xf32, #tpu.memory_space<vmem>>, vector<1x16xf32>,
        %get3A_124 = vector.shape_cast %get3A_123 : vector<1x16xf32> to vector<16xf32>
        %add3A_125 = arith.constant 64 : i32
        %add3A_126 = arith.addi %mul3A_49, %add3A_125 : i32
        %get3A_127 = arith.index_cast %add3A_126 : i32 to index
        %get3A_128 = tpu.vector_load %arg11[%get3A_127] {strides = array<i32>} : memref<16384xf32, #tpu.memory_space<vmem>>, vector<16xf32>,
        %get3A_129 = vector.shape_cast %get3A_128 : vector<16xf32> to vector<16xf32>
        %add3A_130 = arith.addf %get3A_124, %get3A_129 : vector<16xf32>
        %max3A_131 = arith.constant 0.000000e+00 : f32
        %max3A_132 = vector.broadcast %max3A_131 : f32 to vector<16xf32>
        %max3A_133 = arith.maximumf %add3A_130, %max3A_132 : vector<16xf32>
        %swap3A_134 = arith.index_cast %get3A_47 : i32 to index
        %swap3A_135 = arith.constant 64 : index
        %swap3A_136 = tpu.vector_load %arg10[%swap3A_134, %swap3A_135] {strides = array<i32>} : memref<128x128xf32, #tpu.memory_space<vmem>>, vector<1x16xf32>,
        %swap3A_137 = vector.shape_cast %swap3A_136 : vector<1x16xf32> to vector<16xf32>
        %swap3A_138 = vector.shape_cast %max3A_133 : vector<16xf32> to vector<1x16xf32>
        tpu.vector_store %arg10[%swap3A_134, %swap3A_135], %swap3A_138 {strides = array<i32>} : memref<128x128xf32, #tpu.memory_space<vmem>>, vector<1x16xf32>,
        %get3A_139 = arith.index_cast %get3A_47 : i32 to index
        %get3A_140 = arith.constant 80 : index
        %get3A_141 = tpu.vector_load %arg10[%get3A_139, %get3A_140] {strides = array<i32>} : memref<128x128xf32, #tpu.memory_space<vmem>>, vector<1x16xf32>,
        %get3A_142 = vector.shape_cast %get3A_141 : vector<1x16xf32> to vector<16xf32>
        %add3A_143 = arith.constant 80 : i32
        %add3A_144 = arith.addi %mul3A_49, %add3A_143 : i32
        %get3A_145 = arith.index_cast %add3A_144 : i32 to index
        %get3A_146 = tpu.vector_load %arg11[%get3A_145] {strides = array<i32>} : memref<16384xf32, #tpu.memory_space<vmem>>, vector<16xf32>,
        %get3A_147 = vector.shape_cast %get3A_146 : vector<16xf32> to vector<16xf32>
        %add3A_148 = arith.addf %get3A_142, %get3A_147 : vector<16xf32>
        %max3A_149 = arith.constant 0.000000e+00 : f32
        %max3A_150 = vector.broadcast %max3A_149 : f32 to vector<16xf32>
        %max3A_151 = arith.maximumf %add3A_148, %max3A_150 : vector<16xf32>
        %swap3A_152 = arith.index_cast %get3A_47 : i32 to index
        %swap3A_153 = arith.constant 80 : index
        %swap3A_154 = tpu.vector_load %arg10[%swap3A_152, %swap3A_153] {strides = array<i32>} : memref<128x128xf32, #tpu.memory_space<vmem>>, vector<1x16xf32>,
        %swap3A_155 = vector.shape_cast %swap3A_154 : vector<1x16xf32> to vector<16xf32>
        %swap3A_156 = vector.shape_cast %max3A_151 : vector<16xf32> to vector<1x16xf32>
        tpu.vector_store %arg10[%swap3A_152, %swap3A_153], %swap3A_156 {strides = array<i32>} : memref<128x128xf32, #tpu.memory_space<vmem>>, vector<1x16xf32>,
        %get3A_157 = arith.index_cast %get3A_47 : i32 to index
        %get3A_158 = arith.constant 96 : index
        %get3A_159 = tpu.vector_load %arg10[%get3A_157, %get3A_158] {strides = array<i32>} : memref<128x128xf32, #tpu.memory_space<vmem>>, vector<1x16xf32>,
        %get3A_160 = vector.shape_cast %get3A_159 : vector<1x16xf32> to vector<16xf32>
        %add3A_161 = arith.constant 96 : i32
        %add3A_162 = arith.addi %mul3A_49, %add3A_161 : i32
        %get3A_163 = arith.index_cast %add3A_162 : i32 to index
        %get3A_164 = tpu.vector_load %arg11[%get3A_163] {strides = array<i32>} : memref<16384xf32, #tpu.memory_space<vmem>>, vector<16xf32>,
        %get3A_165 = vector.shape_cast %get3A_164 : vector<16xf32> to vector<16xf32>
        %add3A_166 = arith.addf %get3A_160, %get3A_165 : vector<16xf32>
        %max3A_167 = arith.constant 0.000000e+00 : f32
        %max3A_168 = vector.broadcast %max3A_167 : f32 to vector<16xf32>
        %max3A_169 = arith.maximumf %add3A_166, %max3A_168 : vector<16xf32>
        %swap3A_170 = arith.index_cast %get3A_47 : i32 to index
        %swap3A_171 = arith.constant 96 : index
        %swap3A_172 = tpu.vector_load %arg10[%swap3A_170, %swap3A_171] {strides = array<i32>} : memref<128x128xf32, #tpu.memory_space<vmem>>, vector<1x16xf32>,
        %swap3A_173 = vector.shape_cast %swap3A_172 : vector<1x16xf32> to vector<16xf32>
        %swap3A_174 = vector.shape_cast %max3A_169 : vector<16xf32> to vector<1x16xf32>
        tpu.vector_store %arg10[%swap3A_170, %swap3A_171], %swap3A_174 {strides = array<i32>} : memref<128x128xf32, #tpu.memory_space<vmem>>, vector<1x16xf32>,
        %get3A_175 = arith.index_cast %get3A_47 : i32 to index
        %get3A_176 = arith.constant 112 : index
        %get3A_177 = tpu.vector_load %arg10[%get3A_175, %get3A_176] {strides = array<i32>} : memref<128x128xf32, #tpu.memory_space<vmem>>, vector<1x16xf32>,
        %get3A_178 = vector.shape_cast %get3A_177 : vector<1x16xf32> to vector<16xf32>
        %add3A_179 = arith.constant 112 : i32
        %add3A_180 = arith.addi %mul3A_49, %add3A_179 : i32
        %get3A_181 = arith.index_cast %add3A_180 : i32 to index
        %get3A_182 = tpu.vector_load %arg11[%get3A_181] {strides = array<i32>} : memref<16384xf32, #tpu.memory_space<vmem>>, vector<16xf32>,
        %get3A_183 = vector.shape_cast %get3A_182 : vector<16xf32> to vector<16xf32>
        %add3A_184 = arith.addf %get3A_178, %get3A_183 : vector<16xf32>
        %max3A_185 = arith.constant 0.000000e+00 : f32
        %max3A_186 = vector.broadcast %max3A_185 : f32 to vector<16xf32>
        %max3A_187 = arith.maximumf %add3A_184, %max3A_186 : vector<16xf32>
        %swap3A_188 = arith.index_cast %get3A_47 : i32 to index
        %swap3A_189 = arith.constant 112 : index
        %swap3A_190 = tpu.vector_load %arg10[%swap3A_188, %swap3A_189] {strides = array<i32>} : memref<128x128xf32, #tpu.memory_space<vmem>>, vector<1x16xf32>,
        %swap3A_191 = vector.shape_cast %swap3A_190 : vector<1x16xf32> to vector<16xf32>
        %swap3A_192 = vector.shape_cast %max3A_187 : vector<16xf32> to vector<1x16xf32>
        tpu.vector_store %arg10[%swap3A_188, %swap3A_189], %swap3A_192 {strides = array<i32>} : memref<128x128xf32, #tpu.memory_space<vmem>>, vector<1x16xf32>,
        %add3A_193 = arith.constant 1 : i32
        %add3A_194 = arith.addi %get3A_47, %add3A_193 : i32
        %swap3A_195 = arith.constant 1 : i64
        %swap3A_196 = arith.index_cast %swap3A_195 : i64 to index
        %swap3A_197 = memref.load %arg13[%swap3A_196] : memref<2xi32, #tpu.memory_space<smem>>
        memref.store %add3A_194, %arg13[%swap3A_196] : memref<2xi32, #tpu.memory_space<smem>>
      }
      %scan3A_38 = arith.constant 128 : i32
      "tpu.region"() ({
        %run_scoped3A = tpu.sem_alloc : memref<!tpu.dma_semaphore, #tpu.memory_space<semaphore_mem>>
        %dma_start3A_44 = arith.constant 0 : i32
        %dma_start3A_45 = arith.constant 0 : i32
        %dma_start3A_46 = tpu.memref_slice %arg12[%dma_start3A_44, %dma_start3A_45] : memref<10112x128xf32, #tpu.memory_space<vmem_shared>> -> memref<10112x128xf32, #tpu.memory_space<vmem_shared>>
        tpu.enqueue_indirect_dma source(%arg10 : memref<128x128xf32, #tpu.memory_space<vmem>>) target(%dma_start3A_46 : memref<10112x128xf32, #tpu.memory_space<vmem_shared>>) offsets(%arg9 : memref<128xi32, #tpu.memory_space<vmem>>) semaphore(%run_scoped3A : memref<!tpu.dma_semaphore, #tpu.memory_space<semaphore_mem>>) {add = true}
        %dma_wait3A_47 = arith.constant 0 : i32
        %dma_wait3A_48 = arith.constant 0 : i32
        %dma_wait3A_49 = tpu.memref_slice %arg12[%dma_wait3A_47, %dma_wait3A_48] : memref<10112x128xf32, #tpu.memory_space<vmem_shared>> -> memref<10112x128xf32, #tpu.memory_space<vmem_shared>>
        tpu.wait_indirect_dma semaphore(%run_scoped3A : memref<!tpu.dma_semaphore, #tpu.memory_space<semaphore_mem>>) src(%arg10 : memref<128x128xf32, #tpu.memory_space<vmem>>) dst(%dma_wait3A_49 : memref<10112x128xf32, #tpu.memory_space<vmem_shared>>)
        tpu.yield
      }) : () -> ()
      %add3A_39 = arith.constant 1 : i32
      %add3A_40 = arith.addi %get3A_19, %add3A_39 : i32
      %swap3A_41 = arith.constant 0 : i64
      %swap3A_42 = arith.index_cast %swap3A_41 : i64 to index
      %swap3A_43 = memref.load %arg13[%swap3A_42] : memref<2xi32, #tpu.memory_space<smem>>
      memref.store %add3A_40, %arg13[%swap3A_42] : memref<2xi32, #tpu.memory_space<smem>>
    }
    %scan3A_11 = arith.constant 80 : i32
    %barrier3A_12 = arith.constant 0 : index
    tpu.barrier barrier_id(%barrier3A_12)
    %mul3A_13 = arith.constant 632 : i32
    %mul3A_14 = arith.muli %arg1, %mul3A_13 : i32
    %mul3A_15 = arith.constant 632 : i32
    %mul3A_16 = arith.muli %arg1, %mul3A_15 : i32
    "tpu.region"() ({
      %run_scoped3A = tpu.sem_alloc : memref<!tpu.dma_semaphore, #tpu.memory_space<semaphore_mem>>
      %dma_start3A = arith.constant 0 : i32
      %dma_start3A_17 = tpu.memref_slice %arg7[%arg0, %mul3A_16, %dma_start3A] : memref<2x10112x128xf32, #tpu.memory_space<hbm>> -> memref<1x632x128xf32, #tpu.memory_space<hbm>>
      %dma_start3A_18 = tpu.memref_squeeze %dma_start3A_17 : memref<1x632x128xf32, #tpu.memory_space<hbm>> -> memref<632x128xf32, #tpu.memory_space<hbm>>
      %dma_start3A_19 = arith.constant 0 : i32
      %dma_start3A_20 = tpu.memref_slice %arg12[%mul3A_14, %dma_start3A_19] : memref<10112x128xf32, #tpu.memory_space<vmem_shared>> -> memref<632x128xf32, #tpu.memory_space<vmem_shared>>
      tpu.enqueue_dma source(%dma_start3A_20 : memref<632x128xf32, #tpu.memory_space<vmem_shared>>) target(%dma_start3A_18 : memref<632x128xf32, #tpu.memory_space<hbm>>) target_semaphore(%run_scoped3A : memref<!tpu.dma_semaphore, #tpu.memory_space<semaphore_mem>>)
      %dma_wait3A = arith.constant 0 : i32
      %dma_wait3A_21 = tpu.memref_slice %arg7[%arg0, %mul3A_16, %dma_wait3A] : memref<2x10112x128xf32, #tpu.memory_space<hbm>> -> memref<1x632x128xf32, #tpu.memory_space<hbm>>
      %dma_wait3A_22 = tpu.memref_squeeze %dma_wait3A_21 : memref<1x632x128xf32, #tpu.memory_space<hbm>> -> memref<632x128xf32, #tpu.memory_space<hbm>>
      %dma_wait3A_23 = arith.constant 0 : i32
      %dma_wait3A_24 = tpu.memref_slice %arg12[%mul3A_14, %dma_wait3A_23] : memref<10112x128xf32, #tpu.memory_space<vmem_shared>> -> memref<632x128xf32, #tpu.memory_space<vmem_shared>>
      tpu.wait_dma2 semaphore(%run_scoped3A : memref<!tpu.dma_semaphore, #tpu.memory_space<semaphore_mem>>) src(%dma_wait3A_24 : memref<632x128xf32, #tpu.memory_space<vmem_shared>>) dst(%dma_wait3A_22 : memref<632x128xf32, #tpu.memory_space<hbm>>)
      tpu.yield
    }) : () -> ()
    return
  }
}

#map = affine_map<(d0, d1) -> (0, 0)>
#map1 = affine_map<(d0, d1) -> (0)>
#map2 = affine_map<(d0, d1) -> (0, 0, 0)>
module attributes {stable_mosaic.version = 14 : i64} {
  func.func @_dih_sc(%arg0: i32, %arg1: i32, %arg2: memref<40000x128xf32, #tpu.memory_space<hbm>>, %arg3: memref<401536xi32, #tpu.memory_space<hbm>>, %arg4: memref<100384xi32, #tpu.memory_space<hbm>>, %arg5: memref<632x128xf32, #tpu.memory_space<hbm>>, %arg6: memref<2x10112x128xf32, #tpu.memory_space<hbm>>, %arg7: memref<128xi32, #tpu.memory_space<vmem>>, %arg8: memref<32xi32, #tpu.memory_space<vmem>>, %arg9: memref<128x128xf32, #tpu.memory_space<vmem>>, %arg10: memref<32x128xf32, #tpu.memory_space<vmem>>, %arg11: memref<10112x128xf32, #tpu.memory_space<vmem_shared>>, %arg12: memref<2xi32, #tpu.memory_space<smem>>, %arg13: memref<!tpu.dma_semaphore, #tpu.memory_space<semaphore_mem>>) attributes {dimension_semantics = [#tpu.dimension_semantics<core_parallel>, #tpu.dimension_semantics<subcore_parallel>], iteration_bounds = array<i64: 2, 16>, scalar_prefetch = 0 : i64, scratch_operands = 7 : i64, tpu.core_type = #tpu.core_type<sc_vector_subcore>, window_params = [{transform_indices = #map}, {transform_indices = #map1}, {transform_indices = #map1}, {transform_indices = #map}, {transform_indices = #map2}]} {
    %mul3A = arith.constant 16 : i32
    %mul3A_0 = arith.muli %arg0, %mul3A : i32
    %add3A = arith.addi %mul3A_0, %arg1 : i32
    %mul3A_1 = arith.constant 632 : i32
    %mul3A_2 = arith.muli %arg1, %mul3A_1 : i32
    "tpu.region"() ({
      %run_scoped3A = tpu.sem_alloc : memref<!tpu.dma_semaphore, #tpu.memory_space<semaphore_mem>>
      %dma_start3A = arith.constant 0 : i32
      %dma_start3A_17 = tpu.memref_slice %arg11[%mul3A_2, %dma_start3A] : memref<10112x128xf32, #tpu.memory_space<vmem_shared>> -> memref<632x128xf32, #tpu.memory_space<vmem_shared>>
      tpu.enqueue_dma source(%arg5 : memref<632x128xf32, #tpu.memory_space<hbm>>) target(%dma_start3A_17 : memref<632x128xf32, #tpu.memory_space<vmem_shared>>) target_semaphore(%run_scoped3A : memref<!tpu.dma_semaphore, #tpu.memory_space<semaphore_mem>>)
      %dma_wait3A = arith.constant 0 : i32
      %dma_wait3A_18 = tpu.memref_slice %arg11[%mul3A_2, %dma_wait3A] : memref<10112x128xf32, #tpu.memory_space<vmem_shared>> -> memref<632x128xf32, #tpu.memory_space<vmem_shared>>
      tpu.wait_dma2 semaphore(%run_scoped3A : memref<!tpu.dma_semaphore, #tpu.memory_space<semaphore_mem>>) src(%arg5 : memref<632x128xf32, #tpu.memory_space<hbm>>) dst(%dma_wait3A_18 : memref<632x128xf32, #tpu.memory_space<vmem_shared>>)
      tpu.yield
    }) : () -> ()
    %barrier3A = arith.constant 0 : index
    tpu.barrier barrier_id(%barrier3A)
    %mul3A_3 = arith.constant 98 : i32
    %mul3A_4 = arith.muli %add3A, %mul3A_3 : i32
    %swap3A = arith.constant 0 : i32
    %swap3A_5 = arith.constant 0 : i64
    %swap3A_6 = arith.index_cast %swap3A_5 : i64 to index
    %swap3A_7 = memref.load %arg12[%swap3A_6] : memref<2xi32, #tpu.memory_space<smem>>
    memref.store %swap3A, %arg12[%swap3A_6] : memref<2xi32, #tpu.memory_space<smem>>
    %scan3A = arith.constant 0 : i32
    %scan3A_8 = arith.constant 98 : i32
    %scan3A_9 = arith.addi %scan3A, %scan3A_8 : i32
    %scan3A_10 = arith.constant 1 : i32
    scf.for %scan3A_17 = %scan3A to %scan3A_9 step %scan3A_10  : i32 {
      %get3A = arith.constant 0 : i64
      %get3A_18 = arith.index_cast %get3A : i64 to index
      %get3A_19 = memref.load %arg12[%get3A_18] : memref<2xi32, #tpu.memory_space<smem>>
      %add3A_20 = arith.addi %mul3A_4, %get3A_19 : i32
      %mul3A_21 = arith.constant 128 : i32
      %mul3A_22 = arith.muli %add3A_20, %mul3A_21 : i32
      %multiple_of3A = tpu.assume_multiple %mul3A_22, 8 : i32
      "tpu.region"() ({
        %run_scoped3A = tpu.sem_alloc : memref<!tpu.dma_semaphore, #tpu.memory_space<semaphore_mem>>
        %dma_start3A_44 = tpu.memref_slice %arg3[%multiple_of3A] : memref<401536xi32, #tpu.memory_space<hbm>> -> memref<128xi32, #tpu.memory_space<hbm>>
        %dma_start3A_45 = tpu.memref_slice %arg3[%multiple_of3A] : memref<401536xi32, #tpu.memory_space<hbm>> -> memref<128xi32, #tpu.memory_space<hbm>>
        tpu.enqueue_dma source(%dma_start3A_45 : memref<128xi32, #tpu.memory_space<hbm>>) target(%arg7 : memref<128xi32, #tpu.memory_space<vmem>>) target_semaphore(%run_scoped3A : memref<!tpu.dma_semaphore, #tpu.memory_space<semaphore_mem>>)
        %dma_wait3A_46 = tpu.memref_slice %arg3[%multiple_of3A] : memref<401536xi32, #tpu.memory_space<hbm>> -> memref<128xi32, #tpu.memory_space<hbm>>
        %dma_wait3A_47 = tpu.memref_slice %arg3[%multiple_of3A] : memref<401536xi32, #tpu.memory_space<hbm>> -> memref<128xi32, #tpu.memory_space<hbm>>
        tpu.wait_dma2 semaphore(%run_scoped3A : memref<!tpu.dma_semaphore, #tpu.memory_space<semaphore_mem>>) src(%dma_wait3A_47 : memref<128xi32, #tpu.memory_space<hbm>>) dst(%arg7 : memref<128xi32, #tpu.memory_space<vmem>>)
        tpu.yield
      }) : () -> ()
      %mul3A_23 = arith.constant 32 : i32
      %mul3A_24 = arith.muli %add3A_20, %mul3A_23 : i32
      %multiple_of3A_25 = tpu.assume_multiple %mul3A_24, 8 : i32
      "tpu.region"() ({
        %run_scoped3A = tpu.sem_alloc : memref<!tpu.dma_semaphore, #tpu.memory_space<semaphore_mem>>
        %dma_start3A_44 = tpu.memref_slice %arg4[%multiple_of3A_25] : memref<100384xi32, #tpu.memory_space<hbm>> -> memref<32xi32, #tpu.memory_space<hbm>>
        %dma_start3A_45 = tpu.memref_slice %arg4[%multiple_of3A_25] : memref<100384xi32, #tpu.memory_space<hbm>> -> memref<32xi32, #tpu.memory_space<hbm>>
        tpu.enqueue_dma source(%dma_start3A_45 : memref<32xi32, #tpu.memory_space<hbm>>) target(%arg8 : memref<32xi32, #tpu.memory_space<vmem>>) target_semaphore(%run_scoped3A : memref<!tpu.dma_semaphore, #tpu.memory_space<semaphore_mem>>)
        %dma_wait3A_46 = tpu.memref_slice %arg4[%multiple_of3A_25] : memref<100384xi32, #tpu.memory_space<hbm>> -> memref<32xi32, #tpu.memory_space<hbm>>
        %dma_wait3A_47 = tpu.memref_slice %arg4[%multiple_of3A_25] : memref<100384xi32, #tpu.memory_space<hbm>> -> memref<32xi32, #tpu.memory_space<hbm>>
        tpu.wait_dma2 semaphore(%run_scoped3A : memref<!tpu.dma_semaphore, #tpu.memory_space<semaphore_mem>>) src(%dma_wait3A_47 : memref<32xi32, #tpu.memory_space<hbm>>) dst(%arg8 : memref<32xi32, #tpu.memory_space<vmem>>)
        tpu.yield
      }) : () -> ()
      %dma_start3A = arith.constant 0 : i32
      %dma_start3A_26 = arith.constant 0 : i32
      %dma_start3A_27 = tpu.memref_slice %arg2[%dma_start3A, %dma_start3A_26] : memref<40000x128xf32, #tpu.memory_space<hbm>> -> memref<40000x128xf32, #tpu.memory_space<hbm>>
      tpu.enqueue_indirect_dma source(%dma_start3A_27 : memref<40000x128xf32, #tpu.memory_space<hbm>>) target(%arg9 : memref<128x128xf32, #tpu.memory_space<vmem>>) offsets(%arg7 : memref<128xi32, #tpu.memory_space<vmem>>) semaphore(%arg13 : memref<!tpu.dma_semaphore, #tpu.memory_space<semaphore_mem>>)
      %dma_wait3A = arith.constant 0 : i32
      %dma_wait3A_28 = arith.constant 0 : i32
      %dma_wait3A_29 = tpu.memref_slice %arg2[%dma_wait3A, %dma_wait3A_28] : memref<40000x128xf32, #tpu.memory_space<hbm>> -> memref<40000x128xf32, #tpu.memory_space<hbm>>
      tpu.wait_indirect_dma semaphore(%arg13 : memref<!tpu.dma_semaphore, #tpu.memory_space<semaphore_mem>>) src(%dma_wait3A_29 : memref<40000x128xf32, #tpu.memory_space<hbm>>) dst(%arg9 : memref<128x128xf32, #tpu.memory_space<vmem>>)
      %swap3A_30 = arith.constant 0 : i32
      %swap3A_31 = arith.constant 1 : i64
      %swap3A_32 = arith.index_cast %swap3A_31 : i64 to index
      %swap3A_33 = memref.load %arg12[%swap3A_32] : memref<2xi32, #tpu.memory_space<smem>>
      memref.store %swap3A_30, %arg12[%swap3A_32] : memref<2xi32, #tpu.memory_space<smem>>
      %scan3A_34 = arith.constant 0 : i32
      %scan3A_35 = arith.constant 32 : i32
      %scan3A_36 = arith.addi %scan3A_34, %scan3A_35 : i32
      %scan3A_37 = arith.constant 1 : i32
      scf.for %scan3A_44 = %scan3A_34 to %scan3A_36 step %scan3A_37  : i32 {
        %get3A_45 = arith.constant 1 : i64
        %get3A_46 = arith.index_cast %get3A_45 : i64 to index
        %get3A_47 = memref.load %arg12[%get3A_46] : memref<2xi32, #tpu.memory_space<smem>>
        %add3A_48 = arith.constant 32 : i32
        %add3A_49 = arith.addi %get3A_47, %add3A_48 : i32
        %add3A_50 = arith.constant 64 : i32
        %add3A_51 = arith.addi %get3A_47, %add3A_50 : i32
        %add3A_52 = arith.constant 96 : i32
        %add3A_53 = arith.addi %get3A_47, %add3A_52 : i32
        %get3A_54 = arith.index_cast %get3A_47 : i32 to index
        %get3A_55 = arith.constant 0 : index
        %get3A_56 = tpu.vector_load %arg9[%get3A_54, %get3A_55] {strides = array<i32>} : memref<128x128xf32, #tpu.memory_space<vmem>>, vector<1x16xf32>,
        %get3A_57 = vector.shape_cast %get3A_56 : vector<1x16xf32> to vector<16xf32>
        %get3A_58 = arith.index_cast %add3A_49 : i32 to index
        %get3A_59 = arith.constant 0 : index
        %get3A_60 = tpu.vector_load %arg9[%get3A_58, %get3A_59] {strides = array<i32>} : memref<128x128xf32, #tpu.memory_space<vmem>>, vector<1x16xf32>,
        %get3A_61 = vector.shape_cast %get3A_60 : vector<1x16xf32> to vector<16xf32>
        %add3A_62 = arith.addf %get3A_57, %get3A_61 : vector<16xf32>
        %get3A_63 = arith.index_cast %add3A_51 : i32 to index
        %get3A_64 = arith.constant 0 : index
        %get3A_65 = tpu.vector_load %arg9[%get3A_63, %get3A_64] {strides = array<i32>} : memref<128x128xf32, #tpu.memory_space<vmem>>, vector<1x16xf32>,
        %get3A_66 = vector.shape_cast %get3A_65 : vector<1x16xf32> to vector<16xf32>
        %add3A_67 = arith.addf %add3A_62, %get3A_66 : vector<16xf32>
        %get3A_68 = arith.index_cast %add3A_53 : i32 to index
        %get3A_69 = arith.constant 0 : index
        %get3A_70 = tpu.vector_load %arg9[%get3A_68, %get3A_69] {strides = array<i32>} : memref<128x128xf32, #tpu.memory_space<vmem>>, vector<1x16xf32>,
        %get3A_71 = vector.shape_cast %get3A_70 : vector<1x16xf32> to vector<16xf32>
        %add3A_72 = arith.addf %add3A_67, %get3A_71 : vector<16xf32>
        %mul3A_73 = arith.constant 0.159154937 : f32
        %mul3A_74 = vector.broadcast %mul3A_73 : f32 to vector<16xf32>
        %mul3A_75 = arith.mulf %add3A_72, %mul3A_74 : vector<16xf32>
        %add3A_76 = arith.constant 0x4B400000 : f32
        %add3A_77 = vector.broadcast %add3A_76 : f32 to vector<16xf32>
        %add3A_78 = arith.addf %mul3A_75, %add3A_77 : vector<16xf32>
        %sub3A = arith.constant 0x4B400000 : f32
        %sub3A_79 = vector.broadcast %sub3A : f32 to vector<16xf32>
        %sub3A_80 = arith.subf %add3A_78, %sub3A_79 : vector<16xf32>
        %mul3A_81 = arith.constant 6.281250e+00 : f32
        %mul3A_82 = vector.broadcast %mul3A_81 : f32 to vector<16xf32>
        %mul3A_83 = arith.mulf %sub3A_80, %mul3A_82 : vector<16xf32>
        %sub3A_84 = arith.subf %add3A_72, %mul3A_83 : vector<16xf32>
        %mul3A_85 = arith.constant 0.00193530717 : f32
        %mul3A_86 = vector.broadcast %mul3A_85 : f32 to vector<16xf32>
        %mul3A_87 = arith.mulf %sub3A_80, %mul3A_86 : vector<16xf32>
        %sub3A_88 = arith.subf %sub3A_84, %mul3A_87 : vector<16xf32>
        %mul3A_89 = arith.constant 1.02531317E-11 : f32
        %mul3A_90 = vector.broadcast %mul3A_89 : f32 to vector<16xf32>
        %mul3A_91 = arith.mulf %sub3A_80, %mul3A_90 : vector<16xf32>
        %sub3A_92 = arith.subf %sub3A_88, %mul3A_91 : vector<16xf32>
        %gt3A = arith.constant 1.57079637 : f32
        %gt3A_93 = vector.broadcast %gt3A : f32 to vector<16xf32>
        %gt3A_94 = arith.cmpf ogt, %sub3A_92, %gt3A_93 : vector<16xf32>
        %sub3A_95 = arith.constant 3.14159274 : f32
        %sub3A_96 = vector.broadcast %sub3A_95 : f32 to vector<16xf32>
        %sub3A_97 = arith.subf %sub3A_96, %sub3A_92 : vector<16xf32>
        %select_n3A = arith.select %gt3A_94, %sub3A_97, %sub3A_92 : vector<16xi1>, vector<16xf32>
        %lt3A = arith.constant -1.57079637 : f32
        %lt3A_98 = vector.broadcast %lt3A : f32 to vector<16xf32>
        %lt3A_99 = arith.cmpf olt, %select_n3A, %lt3A_98 : vector<16xf32>
        %sub3A_100 = arith.constant -3.14159274 : f32
        %sub3A_101 = vector.broadcast %sub3A_100 : f32 to vector<16xf32>
        %sub3A_102 = arith.subf %sub3A_101, %select_n3A : vector<16xf32>
        %select_n3A_103 = arith.select %lt3A_99, %sub3A_102, %select_n3A : vector<16xi1>, vector<16xf32>
        %mul3A_104 = arith.mulf %select_n3A_103, %select_n3A_103 : vector<16xf32>
        %mul3A_105 = arith.constant 2.59613603E-6 : f32
        %mul3A_106 = vector.broadcast %mul3A_105 : f32 to vector<16xf32>
        %mul3A_107 = arith.mulf %mul3A_106, %mul3A_104 : vector<16xf32>
        %add3A_108 = arith.constant -1.98038266E-4 : f32
        %add3A_109 = vector.broadcast %add3A_108 : f32 to vector<16xf32>
        %add3A_110 = arith.addf %mul3A_107, %add3A_109 : vector<16xf32>
        %mul3A_111 = arith.mulf %add3A_110, %mul3A_104 : vector<16xf32>
        %add3A_112 = arith.constant 8.332950e-03 : f32
        %add3A_113 = vector.broadcast %add3A_112 : f32 to vector<16xf32>
        %add3A_114 = arith.addf %mul3A_111, %add3A_113 : vector<16xf32>
        %mul3A_115 = arith.mulf %add3A_114, %mul3A_104 : vector<16xf32>
        %add3A_116 = arith.constant -0.166666508 : f32
        %add3A_117 = vector.broadcast %add3A_116 : f32 to vector<16xf32>
        %add3A_118 = arith.addf %mul3A_115, %add3A_117 : vector<16xf32>
        %mul3A_119 = arith.mulf %add3A_118, %mul3A_104 : vector<16xf32>
        %add3A_120 = arith.constant 1.000000e+00 : f32
        %add3A_121 = vector.broadcast %add3A_120 : f32 to vector<16xf32>
        %add3A_122 = arith.addf %mul3A_119, %add3A_121 : vector<16xf32>
        %mul3A_123 = arith.mulf %select_n3A_103, %add3A_122 : vector<16xf32>
        %swap3A_124 = arith.index_cast %get3A_47 : i32 to index
        %swap3A_125 = arith.constant 0 : index
        %swap3A_126 = tpu.vector_load %arg10[%swap3A_124, %swap3A_125] {strides = array<i32>} : memref<32x128xf32, #tpu.memory_space<vmem>>, vector<1x16xf32>,
        %swap3A_127 = vector.shape_cast %swap3A_126 : vector<1x16xf32> to vector<16xf32>
        %swap3A_128 = vector.shape_cast %mul3A_123 : vector<16xf32> to vector<1x16xf32>
        tpu.vector_store %arg10[%swap3A_124, %swap3A_125], %swap3A_128 {strides = array<i32>} : memref<32x128xf32, #tpu.memory_space<vmem>>, vector<1x16xf32>,
        %get3A_129 = arith.index_cast %get3A_47 : i32 to index
        %get3A_130 = arith.constant 16 : index
        %get3A_131 = tpu.vector_load %arg9[%get3A_129, %get3A_130] {strides = array<i32>} : memref<128x128xf32, #tpu.memory_space<vmem>>, vector<1x16xf32>,
        %get3A_132 = vector.shape_cast %get3A_131 : vector<1x16xf32> to vector<16xf32>
        %get3A_133 = arith.index_cast %add3A_49 : i32 to index
        %get3A_134 = arith.constant 16 : index
        %get3A_135 = tpu.vector_load %arg9[%get3A_133, %get3A_134] {strides = array<i32>} : memref<128x128xf32, #tpu.memory_space<vmem>>, vector<1x16xf32>,
        %get3A_136 = vector.shape_cast %get3A_135 : vector<1x16xf32> to vector<16xf32>
        %add3A_137 = arith.addf %get3A_132, %get3A_136 : vector<16xf32>
        %get3A_138 = arith.index_cast %add3A_51 : i32 to index
        %get3A_139 = arith.constant 16 : index
        %get3A_140 = tpu.vector_load %arg9[%get3A_138, %get3A_139] {strides = array<i32>} : memref<128x128xf32, #tpu.memory_space<vmem>>, vector<1x16xf32>,
        %get3A_141 = vector.shape_cast %get3A_140 : vector<1x16xf32> to vector<16xf32>
        %add3A_142 = arith.addf %add3A_137, %get3A_141 : vector<16xf32>
        %get3A_143 = arith.index_cast %add3A_53 : i32 to index
        %get3A_144 = arith.constant 16 : index
        %get3A_145 = tpu.vector_load %arg9[%get3A_143, %get3A_144] {strides = array<i32>} : memref<128x128xf32, #tpu.memory_space<vmem>>, vector<1x16xf32>,
        %get3A_146 = vector.shape_cast %get3A_145 : vector<1x16xf32> to vector<16xf32>
        %add3A_147 = arith.addf %add3A_142, %get3A_146 : vector<16xf32>
        %mul3A_148 = arith.constant 0.159154937 : f32
        %mul3A_149 = vector.broadcast %mul3A_148 : f32 to vector<16xf32>
        %mul3A_150 = arith.mulf %add3A_147, %mul3A_149 : vector<16xf32>
        %add3A_151 = arith.constant 0x4B400000 : f32
        %add3A_152 = vector.broadcast %add3A_151 : f32 to vector<16xf32>
        %add3A_153 = arith.addf %mul3A_150, %add3A_152 : vector<16xf32>
        %sub3A_154 = arith.constant 0x4B400000 : f32
        %sub3A_155 = vector.broadcast %sub3A_154 : f32 to vector<16xf32>
        %sub3A_156 = arith.subf %add3A_153, %sub3A_155 : vector<16xf32>
        %mul3A_157 = arith.constant 6.281250e+00 : f32
        %mul3A_158 = vector.broadcast %mul3A_157 : f32 to vector<16xf32>
        %mul3A_159 = arith.mulf %sub3A_156, %mul3A_158 : vector<16xf32>
        %sub3A_160 = arith.subf %add3A_147, %mul3A_159 : vector<16xf32>
        %mul3A_161 = arith.constant 0.00193530717 : f32
        %mul3A_162 = vector.broadcast %mul3A_161 : f32 to vector<16xf32>
        %mul3A_163 = arith.mulf %sub3A_156, %mul3A_162 : vector<16xf32>
        %sub3A_164 = arith.subf %sub3A_160, %mul3A_163 : vector<16xf32>
        %mul3A_165 = arith.constant 1.02531317E-11 : f32
        %mul3A_166 = vector.broadcast %mul3A_165 : f32 to vector<16xf32>
        %mul3A_167 = arith.mulf %sub3A_156, %mul3A_166 : vector<16xf32>
        %sub3A_168 = arith.subf %sub3A_164, %mul3A_167 : vector<16xf32>
        %gt3A_169 = arith.constant 1.57079637 : f32
        %gt3A_170 = vector.broadcast %gt3A_169 : f32 to vector<16xf32>
        %gt3A_171 = arith.cmpf ogt, %sub3A_168, %gt3A_170 : vector<16xf32>
        %sub3A_172 = arith.constant 3.14159274 : f32
        %sub3A_173 = vector.broadcast %sub3A_172 : f32 to vector<16xf32>
        %sub3A_174 = arith.subf %sub3A_173, %sub3A_168 : vector<16xf32>
        %select_n3A_175 = arith.select %gt3A_171, %sub3A_174, %sub3A_168 : vector<16xi1>, vector<16xf32>
        %lt3A_176 = arith.constant -1.57079637 : f32
        %lt3A_177 = vector.broadcast %lt3A_176 : f32 to vector<16xf32>
        %lt3A_178 = arith.cmpf olt, %select_n3A_175, %lt3A_177 : vector<16xf32>
        %sub3A_179 = arith.constant -3.14159274 : f32
        %sub3A_180 = vector.broadcast %sub3A_179 : f32 to vector<16xf32>
        %sub3A_181 = arith.subf %sub3A_180, %select_n3A_175 : vector<16xf32>
        %select_n3A_182 = arith.select %lt3A_178, %sub3A_181, %select_n3A_175 : vector<16xi1>, vector<16xf32>
        %mul3A_183 = arith.mulf %select_n3A_182, %select_n3A_182 : vector<16xf32>
        %mul3A_184 = arith.constant 2.59613603E-6 : f32
        %mul3A_185 = vector.broadcast %mul3A_184 : f32 to vector<16xf32>
        %mul3A_186 = arith.mulf %mul3A_185, %mul3A_183 : vector<16xf32>
        %add3A_187 = arith.constant -1.98038266E-4 : f32
        %add3A_188 = vector.broadcast %add3A_187 : f32 to vector<16xf32>
        %add3A_189 = arith.addf %mul3A_186, %add3A_188 : vector<16xf32>
        %mul3A_190 = arith.mulf %add3A_189, %mul3A_183 : vector<16xf32>
        %add3A_191 = arith.constant 8.332950e-03 : f32
        %add3A_192 = vector.broadcast %add3A_191 : f32 to vector<16xf32>
        %add3A_193 = arith.addf %mul3A_190, %add3A_192 : vector<16xf32>
        %mul3A_194 = arith.mulf %add3A_193, %mul3A_183 : vector<16xf32>
        %add3A_195 = arith.constant -0.166666508 : f32
        %add3A_196 = vector.broadcast %add3A_195 : f32 to vector<16xf32>
        %add3A_197 = arith.addf %mul3A_194, %add3A_196 : vector<16xf32>
        %mul3A_198 = arith.mulf %add3A_197, %mul3A_183 : vector<16xf32>
        %add3A_199 = arith.constant 1.000000e+00 : f32
        %add3A_200 = vector.broadcast %add3A_199 : f32 to vector<16xf32>
        %add3A_201 = arith.addf %mul3A_198, %add3A_200 : vector<16xf32>
        %mul3A_202 = arith.mulf %select_n3A_182, %add3A_201 : vector<16xf32>
        %swap3A_203 = arith.index_cast %get3A_47 : i32 to index
        %swap3A_204 = arith.constant 16 : index
        %swap3A_205 = tpu.vector_load %arg10[%swap3A_203, %swap3A_204] {strides = array<i32>} : memref<32x128xf32, #tpu.memory_space<vmem>>, vector<1x16xf32>,
        %swap3A_206 = vector.shape_cast %swap3A_205 : vector<1x16xf32> to vector<16xf32>
        %swap3A_207 = vector.shape_cast %mul3A_202 : vector<16xf32> to vector<1x16xf32>
        tpu.vector_store %arg10[%swap3A_203, %swap3A_204], %swap3A_207 {strides = array<i32>} : memref<32x128xf32, #tpu.memory_space<vmem>>, vector<1x16xf32>,
        %get3A_208 = arith.index_cast %get3A_47 : i32 to index
        %get3A_209 = arith.constant 32 : index
        %get3A_210 = tpu.vector_load %arg9[%get3A_208, %get3A_209] {strides = array<i32>} : memref<128x128xf32, #tpu.memory_space<vmem>>, vector<1x16xf32>,
        %get3A_211 = vector.shape_cast %get3A_210 : vector<1x16xf32> to vector<16xf32>
        %get3A_212 = arith.index_cast %add3A_49 : i32 to index
        %get3A_213 = arith.constant 32 : index
        %get3A_214 = tpu.vector_load %arg9[%get3A_212, %get3A_213] {strides = array<i32>} : memref<128x128xf32, #tpu.memory_space<vmem>>, vector<1x16xf32>,
        %get3A_215 = vector.shape_cast %get3A_214 : vector<1x16xf32> to vector<16xf32>
        %add3A_216 = arith.addf %get3A_211, %get3A_215 : vector<16xf32>
        %get3A_217 = arith.index_cast %add3A_51 : i32 to index
        %get3A_218 = arith.constant 32 : index
        %get3A_219 = tpu.vector_load %arg9[%get3A_217, %get3A_218] {strides = array<i32>} : memref<128x128xf32, #tpu.memory_space<vmem>>, vector<1x16xf32>,
        %get3A_220 = vector.shape_cast %get3A_219 : vector<1x16xf32> to vector<16xf32>
        %add3A_221 = arith.addf %add3A_216, %get3A_220 : vector<16xf32>
        %get3A_222 = arith.index_cast %add3A_53 : i32 to index
        %get3A_223 = arith.constant 32 : index
        %get3A_224 = tpu.vector_load %arg9[%get3A_222, %get3A_223] {strides = array<i32>} : memref<128x128xf32, #tpu.memory_space<vmem>>, vector<1x16xf32>,
        %get3A_225 = vector.shape_cast %get3A_224 : vector<1x16xf32> to vector<16xf32>
        %add3A_226 = arith.addf %add3A_221, %get3A_225 : vector<16xf32>
        %mul3A_227 = arith.constant 0.159154937 : f32
        %mul3A_228 = vector.broadcast %mul3A_227 : f32 to vector<16xf32>
        %mul3A_229 = arith.mulf %add3A_226, %mul3A_228 : vector<16xf32>
        %add3A_230 = arith.constant 0x4B400000 : f32
        %add3A_231 = vector.broadcast %add3A_230 : f32 to vector<16xf32>
        %add3A_232 = arith.addf %mul3A_229, %add3A_231 : vector<16xf32>
        %sub3A_233 = arith.constant 0x4B400000 : f32
        %sub3A_234 = vector.broadcast %sub3A_233 : f32 to vector<16xf32>
        %sub3A_235 = arith.subf %add3A_232, %sub3A_234 : vector<16xf32>
        %mul3A_236 = arith.constant 6.281250e+00 : f32
        %mul3A_237 = vector.broadcast %mul3A_236 : f32 to vector<16xf32>
        %mul3A_238 = arith.mulf %sub3A_235, %mul3A_237 : vector<16xf32>
        %sub3A_239 = arith.subf %add3A_226, %mul3A_238 : vector<16xf32>
        %mul3A_240 = arith.constant 0.00193530717 : f32
        %mul3A_241 = vector.broadcast %mul3A_240 : f32 to vector<16xf32>
        %mul3A_242 = arith.mulf %sub3A_235, %mul3A_241 : vector<16xf32>
        %sub3A_243 = arith.subf %sub3A_239, %mul3A_242 : vector<16xf32>
        %mul3A_244 = arith.constant 1.02531317E-11 : f32
        %mul3A_245 = vector.broadcast %mul3A_244 : f32 to vector<16xf32>
        %mul3A_246 = arith.mulf %sub3A_235, %mul3A_245 : vector<16xf32>
        %sub3A_247 = arith.subf %sub3A_243, %mul3A_246 : vector<16xf32>
        %gt3A_248 = arith.constant 1.57079637 : f32
        %gt3A_249 = vector.broadcast %gt3A_248 : f32 to vector<16xf32>
        %gt3A_250 = arith.cmpf ogt, %sub3A_247, %gt3A_249 : vector<16xf32>
        %sub3A_251 = arith.constant 3.14159274 : f32
        %sub3A_252 = vector.broadcast %sub3A_251 : f32 to vector<16xf32>
        %sub3A_253 = arith.subf %sub3A_252, %sub3A_247 : vector<16xf32>
        %select_n3A_254 = arith.select %gt3A_250, %sub3A_253, %sub3A_247 : vector<16xi1>, vector<16xf32>
        %lt3A_255 = arith.constant -1.57079637 : f32
        %lt3A_256 = vector.broadcast %lt3A_255 : f32 to vector<16xf32>
        %lt3A_257 = arith.cmpf olt, %select_n3A_254, %lt3A_256 : vector<16xf32>
        %sub3A_258 = arith.constant -3.14159274 : f32
        %sub3A_259 = vector.broadcast %sub3A_258 : f32 to vector<16xf32>
        %sub3A_260 = arith.subf %sub3A_259, %select_n3A_254 : vector<16xf32>
        %select_n3A_261 = arith.select %lt3A_257, %sub3A_260, %select_n3A_254 : vector<16xi1>, vector<16xf32>
        %mul3A_262 = arith.mulf %select_n3A_261, %select_n3A_261 : vector<16xf32>
        %mul3A_263 = arith.constant 2.59613603E-6 : f32
        %mul3A_264 = vector.broadcast %mul3A_263 : f32 to vector<16xf32>
        %mul3A_265 = arith.mulf %mul3A_264, %mul3A_262 : vector<16xf32>
        %add3A_266 = arith.constant -1.98038266E-4 : f32
        %add3A_267 = vector.broadcast %add3A_266 : f32 to vector<16xf32>
        %add3A_268 = arith.addf %mul3A_265, %add3A_267 : vector<16xf32>
        %mul3A_269 = arith.mulf %add3A_268, %mul3A_262 : vector<16xf32>
        %add3A_270 = arith.constant 8.332950e-03 : f32
        %add3A_271 = vector.broadcast %add3A_270 : f32 to vector<16xf32>
        %add3A_272 = arith.addf %mul3A_269, %add3A_271 : vector<16xf32>
        %mul3A_273 = arith.mulf %add3A_272, %mul3A_262 : vector<16xf32>
        %add3A_274 = arith.constant -0.166666508 : f32
        %add3A_275 = vector.broadcast %add3A_274 : f32 to vector<16xf32>
        %add3A_276 = arith.addf %mul3A_273, %add3A_275 : vector<16xf32>
        %mul3A_277 = arith.mulf %add3A_276, %mul3A_262 : vector<16xf32>
        %add3A_278 = arith.constant 1.000000e+00 : f32
        %add3A_279 = vector.broadcast %add3A_278 : f32 to vector<16xf32>
        %add3A_280 = arith.addf %mul3A_277, %add3A_279 : vector<16xf32>
        %mul3A_281 = arith.mulf %select_n3A_261, %add3A_280 : vector<16xf32>
        %swap3A_282 = arith.index_cast %get3A_47 : i32 to index
        %swap3A_283 = arith.constant 32 : index
        %swap3A_284 = tpu.vector_load %arg10[%swap3A_282, %swap3A_283] {strides = array<i32>} : memref<32x128xf32, #tpu.memory_space<vmem>>, vector<1x16xf32>,
        %swap3A_285 = vector.shape_cast %swap3A_284 : vector<1x16xf32> to vector<16xf32>
        %swap3A_286 = vector.shape_cast %mul3A_281 : vector<16xf32> to vector<1x16xf32>
        tpu.vector_store %arg10[%swap3A_282, %swap3A_283], %swap3A_286 {strides = array<i32>} : memref<32x128xf32, #tpu.memory_space<vmem>>, vector<1x16xf32>,
        %get3A_287 = arith.index_cast %get3A_47 : i32 to index
        %get3A_288 = arith.constant 48 : index
        %get3A_289 = tpu.vector_load %arg9[%get3A_287, %get3A_288] {strides = array<i32>} : memref<128x128xf32, #tpu.memory_space<vmem>>, vector<1x16xf32>,
        %get3A_290 = vector.shape_cast %get3A_289 : vector<1x16xf32> to vector<16xf32>
        %get3A_291 = arith.index_cast %add3A_49 : i32 to index
        %get3A_292 = arith.constant 48 : index
        %get3A_293 = tpu.vector_load %arg9[%get3A_291, %get3A_292] {strides = array<i32>} : memref<128x128xf32, #tpu.memory_space<vmem>>, vector<1x16xf32>,
        %get3A_294 = vector.shape_cast %get3A_293 : vector<1x16xf32> to vector<16xf32>
        %add3A_295 = arith.addf %get3A_290, %get3A_294 : vector<16xf32>
        %get3A_296 = arith.index_cast %add3A_51 : i32 to index
        %get3A_297 = arith.constant 48 : index
        %get3A_298 = tpu.vector_load %arg9[%get3A_296, %get3A_297] {strides = array<i32>} : memref<128x128xf32, #tpu.memory_space<vmem>>, vector<1x16xf32>,
        %get3A_299 = vector.shape_cast %get3A_298 : vector<1x16xf32> to vector<16xf32>
        %add3A_300 = arith.addf %add3A_295, %get3A_299 : vector<16xf32>
        %get3A_301 = arith.index_cast %add3A_53 : i32 to index
        %get3A_302 = arith.constant 48 : index
        %get3A_303 = tpu.vector_load %arg9[%get3A_301, %get3A_302] {strides = array<i32>} : memref<128x128xf32, #tpu.memory_space<vmem>>, vector<1x16xf32>,
        %get3A_304 = vector.shape_cast %get3A_303 : vector<1x16xf32> to vector<16xf32>
        %add3A_305 = arith.addf %add3A_300, %get3A_304 : vector<16xf32>
        %mul3A_306 = arith.constant 0.159154937 : f32
        %mul3A_307 = vector.broadcast %mul3A_306 : f32 to vector<16xf32>
        %mul3A_308 = arith.mulf %add3A_305, %mul3A_307 : vector<16xf32>
        %add3A_309 = arith.constant 0x4B400000 : f32
        %add3A_310 = vector.broadcast %add3A_309 : f32 to vector<16xf32>
        %add3A_311 = arith.addf %mul3A_308, %add3A_310 : vector<16xf32>
        %sub3A_312 = arith.constant 0x4B400000 : f32
        %sub3A_313 = vector.broadcast %sub3A_312 : f32 to vector<16xf32>
        %sub3A_314 = arith.subf %add3A_311, %sub3A_313 : vector<16xf32>
        %mul3A_315 = arith.constant 6.281250e+00 : f32
        %mul3A_316 = vector.broadcast %mul3A_315 : f32 to vector<16xf32>
        %mul3A_317 = arith.mulf %sub3A_314, %mul3A_316 : vector<16xf32>
        %sub3A_318 = arith.subf %add3A_305, %mul3A_317 : vector<16xf32>
        %mul3A_319 = arith.constant 0.00193530717 : f32
        %mul3A_320 = vector.broadcast %mul3A_319 : f32 to vector<16xf32>
        %mul3A_321 = arith.mulf %sub3A_314, %mul3A_320 : vector<16xf32>
        %sub3A_322 = arith.subf %sub3A_318, %mul3A_321 : vector<16xf32>
        %mul3A_323 = arith.constant 1.02531317E-11 : f32
        %mul3A_324 = vector.broadcast %mul3A_323 : f32 to vector<16xf32>
        %mul3A_325 = arith.mulf %sub3A_314, %mul3A_324 : vector<16xf32>
        %sub3A_326 = arith.subf %sub3A_322, %mul3A_325 : vector<16xf32>
        %gt3A_327 = arith.constant 1.57079637 : f32
        %gt3A_328 = vector.broadcast %gt3A_327 : f32 to vector<16xf32>
        %gt3A_329 = arith.cmpf ogt, %sub3A_326, %gt3A_328 : vector<16xf32>
        %sub3A_330 = arith.constant 3.14159274 : f32
        %sub3A_331 = vector.broadcast %sub3A_330 : f32 to vector<16xf32>
        %sub3A_332 = arith.subf %sub3A_331, %sub3A_326 : vector<16xf32>
        %select_n3A_333 = arith.select %gt3A_329, %sub3A_332, %sub3A_326 : vector<16xi1>, vector<16xf32>
        %lt3A_334 = arith.constant -1.57079637 : f32
        %lt3A_335 = vector.broadcast %lt3A_334 : f32 to vector<16xf32>
        %lt3A_336 = arith.cmpf olt, %select_n3A_333, %lt3A_335 : vector<16xf32>
        %sub3A_337 = arith.constant -3.14159274 : f32
        %sub3A_338 = vector.broadcast %sub3A_337 : f32 to vector<16xf32>
        %sub3A_339 = arith.subf %sub3A_338, %select_n3A_333 : vector<16xf32>
        %select_n3A_340 = arith.select %lt3A_336, %sub3A_339, %select_n3A_333 : vector<16xi1>, vector<16xf32>
        %mul3A_341 = arith.mulf %select_n3A_340, %select_n3A_340 : vector<16xf32>
        %mul3A_342 = arith.constant 2.59613603E-6 : f32
        %mul3A_343 = vector.broadcast %mul3A_342 : f32 to vector<16xf32>
        %mul3A_344 = arith.mulf %mul3A_343, %mul3A_341 : vector<16xf32>
        %add3A_345 = arith.constant -1.98038266E-4 : f32
        %add3A_346 = vector.broadcast %add3A_345 : f32 to vector<16xf32>
        %add3A_347 = arith.addf %mul3A_344, %add3A_346 : vector<16xf32>
        %mul3A_348 = arith.mulf %add3A_347, %mul3A_341 : vector<16xf32>
        %add3A_349 = arith.constant 8.332950e-03 : f32
        %add3A_350 = vector.broadcast %add3A_349 : f32 to vector<16xf32>
        %add3A_351 = arith.addf %mul3A_348, %add3A_350 : vector<16xf32>
        %mul3A_352 = arith.mulf %add3A_351, %mul3A_341 : vector<16xf32>
        %add3A_353 = arith.constant -0.166666508 : f32
        %add3A_354 = vector.broadcast %add3A_353 : f32 to vector<16xf32>
        %add3A_355 = arith.addf %mul3A_352, %add3A_354 : vector<16xf32>
        %mul3A_356 = arith.mulf %add3A_355, %mul3A_341 : vector<16xf32>
        %add3A_357 = arith.constant 1.000000e+00 : f32
        %add3A_358 = vector.broadcast %add3A_357 : f32 to vector<16xf32>
        %add3A_359 = arith.addf %mul3A_356, %add3A_358 : vector<16xf32>
        %mul3A_360 = arith.mulf %select_n3A_340, %add3A_359 : vector<16xf32>
        %swap3A_361 = arith.index_cast %get3A_47 : i32 to index
        %swap3A_362 = arith.constant 48 : index
        %swap3A_363 = tpu.vector_load %arg10[%swap3A_361, %swap3A_362] {strides = array<i32>} : memref<32x128xf32, #tpu.memory_space<vmem>>, vector<1x16xf32>,
        %swap3A_364 = vector.shape_cast %swap3A_363 : vector<1x16xf32> to vector<16xf32>
        %swap3A_365 = vector.shape_cast %mul3A_360 : vector<16xf32> to vector<1x16xf32>
        tpu.vector_store %arg10[%swap3A_361, %swap3A_362], %swap3A_365 {strides = array<i32>} : memref<32x128xf32, #tpu.memory_space<vmem>>, vector<1x16xf32>,
        %get3A_366 = arith.index_cast %get3A_47 : i32 to index
        %get3A_367 = arith.constant 64 : index
        %get3A_368 = tpu.vector_load %arg9[%get3A_366, %get3A_367] {strides = array<i32>} : memref<128x128xf32, #tpu.memory_space<vmem>>, vector<1x16xf32>,
        %get3A_369 = vector.shape_cast %get3A_368 : vector<1x16xf32> to vector<16xf32>
        %get3A_370 = arith.index_cast %add3A_49 : i32 to index
        %get3A_371 = arith.constant 64 : index
        %get3A_372 = tpu.vector_load %arg9[%get3A_370, %get3A_371] {strides = array<i32>} : memref<128x128xf32, #tpu.memory_space<vmem>>, vector<1x16xf32>,
        %get3A_373 = vector.shape_cast %get3A_372 : vector<1x16xf32> to vector<16xf32>
        %add3A_374 = arith.addf %get3A_369, %get3A_373 : vector<16xf32>
        %get3A_375 = arith.index_cast %add3A_51 : i32 to index
        %get3A_376 = arith.constant 64 : index
        %get3A_377 = tpu.vector_load %arg9[%get3A_375, %get3A_376] {strides = array<i32>} : memref<128x128xf32, #tpu.memory_space<vmem>>, vector<1x16xf32>,
        %get3A_378 = vector.shape_cast %get3A_377 : vector<1x16xf32> to vector<16xf32>
        %add3A_379 = arith.addf %add3A_374, %get3A_378 : vector<16xf32>
        %get3A_380 = arith.index_cast %add3A_53 : i32 to index
        %get3A_381 = arith.constant 64 : index
        %get3A_382 = tpu.vector_load %arg9[%get3A_380, %get3A_381] {strides = array<i32>} : memref<128x128xf32, #tpu.memory_space<vmem>>, vector<1x16xf32>,
        %get3A_383 = vector.shape_cast %get3A_382 : vector<1x16xf32> to vector<16xf32>
        %add3A_384 = arith.addf %add3A_379, %get3A_383 : vector<16xf32>
        %mul3A_385 = arith.constant 0.159154937 : f32
        %mul3A_386 = vector.broadcast %mul3A_385 : f32 to vector<16xf32>
        %mul3A_387 = arith.mulf %add3A_384, %mul3A_386 : vector<16xf32>
        %add3A_388 = arith.constant 0x4B400000 : f32
        %add3A_389 = vector.broadcast %add3A_388 : f32 to vector<16xf32>
        %add3A_390 = arith.addf %mul3A_387, %add3A_389 : vector<16xf32>
        %sub3A_391 = arith.constant 0x4B400000 : f32
        %sub3A_392 = vector.broadcast %sub3A_391 : f32 to vector<16xf32>
        %sub3A_393 = arith.subf %add3A_390, %sub3A_392 : vector<16xf32>
        %mul3A_394 = arith.constant 6.281250e+00 : f32
        %mul3A_395 = vector.broadcast %mul3A_394 : f32 to vector<16xf32>
        %mul3A_396 = arith.mulf %sub3A_393, %mul3A_395 : vector<16xf32>
        %sub3A_397 = arith.subf %add3A_384, %mul3A_396 : vector<16xf32>
        %mul3A_398 = arith.constant 0.00193530717 : f32
        %mul3A_399 = vector.broadcast %mul3A_398 : f32 to vector<16xf32>
        %mul3A_400 = arith.mulf %sub3A_393, %mul3A_399 : vector<16xf32>
        %sub3A_401 = arith.subf %sub3A_397, %mul3A_400 : vector<16xf32>
        %mul3A_402 = arith.constant 1.02531317E-11 : f32
        %mul3A_403 = vector.broadcast %mul3A_402 : f32 to vector<16xf32>
        %mul3A_404 = arith.mulf %sub3A_393, %mul3A_403 : vector<16xf32>
        %sub3A_405 = arith.subf %sub3A_401, %mul3A_404 : vector<16xf32>
        %gt3A_406 = arith.constant 1.57079637 : f32
        %gt3A_407 = vector.broadcast %gt3A_406 : f32 to vector<16xf32>
        %gt3A_408 = arith.cmpf ogt, %sub3A_405, %gt3A_407 : vector<16xf32>
        %sub3A_409 = arith.constant 3.14159274 : f32
        %sub3A_410 = vector.broadcast %sub3A_409 : f32 to vector<16xf32>
        %sub3A_411 = arith.subf %sub3A_410, %sub3A_405 : vector<16xf32>
        %select_n3A_412 = arith.select %gt3A_408, %sub3A_411, %sub3A_405 : vector<16xi1>, vector<16xf32>
        %lt3A_413 = arith.constant -1.57079637 : f32
        %lt3A_414 = vector.broadcast %lt3A_413 : f32 to vector<16xf32>
        %lt3A_415 = arith.cmpf olt, %select_n3A_412, %lt3A_414 : vector<16xf32>
        %sub3A_416 = arith.constant -3.14159274 : f32
        %sub3A_417 = vector.broadcast %sub3A_416 : f32 to vector<16xf32>
        %sub3A_418 = arith.subf %sub3A_417, %select_n3A_412 : vector<16xf32>
        %select_n3A_419 = arith.select %lt3A_415, %sub3A_418, %select_n3A_412 : vector<16xi1>, vector<16xf32>
        %mul3A_420 = arith.mulf %select_n3A_419, %select_n3A_419 : vector<16xf32>
        %mul3A_421 = arith.constant 2.59613603E-6 : f32
        %mul3A_422 = vector.broadcast %mul3A_421 : f32 to vector<16xf32>
        %mul3A_423 = arith.mulf %mul3A_422, %mul3A_420 : vector<16xf32>
        %add3A_424 = arith.constant -1.98038266E-4 : f32
        %add3A_425 = vector.broadcast %add3A_424 : f32 to vector<16xf32>
        %add3A_426 = arith.addf %mul3A_423, %add3A_425 : vector<16xf32>
        %mul3A_427 = arith.mulf %add3A_426, %mul3A_420 : vector<16xf32>
        %add3A_428 = arith.constant 8.332950e-03 : f32
        %add3A_429 = vector.broadcast %add3A_428 : f32 to vector<16xf32>
        %add3A_430 = arith.addf %mul3A_427, %add3A_429 : vector<16xf32>
        %mul3A_431 = arith.mulf %add3A_430, %mul3A_420 : vector<16xf32>
        %add3A_432 = arith.constant -0.166666508 : f32
        %add3A_433 = vector.broadcast %add3A_432 : f32 to vector<16xf32>
        %add3A_434 = arith.addf %mul3A_431, %add3A_433 : vector<16xf32>
        %mul3A_435 = arith.mulf %add3A_434, %mul3A_420 : vector<16xf32>
        %add3A_436 = arith.constant 1.000000e+00 : f32
        %add3A_437 = vector.broadcast %add3A_436 : f32 to vector<16xf32>
        %add3A_438 = arith.addf %mul3A_435, %add3A_437 : vector<16xf32>
        %mul3A_439 = arith.mulf %select_n3A_419, %add3A_438 : vector<16xf32>
        %swap3A_440 = arith.index_cast %get3A_47 : i32 to index
        %swap3A_441 = arith.constant 64 : index
        %swap3A_442 = tpu.vector_load %arg10[%swap3A_440, %swap3A_441] {strides = array<i32>} : memref<32x128xf32, #tpu.memory_space<vmem>>, vector<1x16xf32>,
        %swap3A_443 = vector.shape_cast %swap3A_442 : vector<1x16xf32> to vector<16xf32>
        %swap3A_444 = vector.shape_cast %mul3A_439 : vector<16xf32> to vector<1x16xf32>
        tpu.vector_store %arg10[%swap3A_440, %swap3A_441], %swap3A_444 {strides = array<i32>} : memref<32x128xf32, #tpu.memory_space<vmem>>, vector<1x16xf32>,
        %get3A_445 = arith.index_cast %get3A_47 : i32 to index
        %get3A_446 = arith.constant 80 : index
        %get3A_447 = tpu.vector_load %arg9[%get3A_445, %get3A_446] {strides = array<i32>} : memref<128x128xf32, #tpu.memory_space<vmem>>, vector<1x16xf32>,
        %get3A_448 = vector.shape_cast %get3A_447 : vector<1x16xf32> to vector<16xf32>
        %get3A_449 = arith.index_cast %add3A_49 : i32 to index
        %get3A_450 = arith.constant 80 : index
        %get3A_451 = tpu.vector_load %arg9[%get3A_449, %get3A_450] {strides = array<i32>} : memref<128x128xf32, #tpu.memory_space<vmem>>, vector<1x16xf32>,
        %get3A_452 = vector.shape_cast %get3A_451 : vector<1x16xf32> to vector<16xf32>
        %add3A_453 = arith.addf %get3A_448, %get3A_452 : vector<16xf32>
        %get3A_454 = arith.index_cast %add3A_51 : i32 to index
        %get3A_455 = arith.constant 80 : index
        %get3A_456 = tpu.vector_load %arg9[%get3A_454, %get3A_455] {strides = array<i32>} : memref<128x128xf32, #tpu.memory_space<vmem>>, vector<1x16xf32>,
        %get3A_457 = vector.shape_cast %get3A_456 : vector<1x16xf32> to vector<16xf32>
        %add3A_458 = arith.addf %add3A_453, %get3A_457 : vector<16xf32>
        %get3A_459 = arith.index_cast %add3A_53 : i32 to index
        %get3A_460 = arith.constant 80 : index
        %get3A_461 = tpu.vector_load %arg9[%get3A_459, %get3A_460] {strides = array<i32>} : memref<128x128xf32, #tpu.memory_space<vmem>>, vector<1x16xf32>,
        %get3A_462 = vector.shape_cast %get3A_461 : vector<1x16xf32> to vector<16xf32>
        %add3A_463 = arith.addf %add3A_458, %get3A_462 : vector<16xf32>
        %mul3A_464 = arith.constant 0.159154937 : f32
        %mul3A_465 = vector.broadcast %mul3A_464 : f32 to vector<16xf32>
        %mul3A_466 = arith.mulf %add3A_463, %mul3A_465 : vector<16xf32>
        %add3A_467 = arith.constant 0x4B400000 : f32
        %add3A_468 = vector.broadcast %add3A_467 : f32 to vector<16xf32>
        %add3A_469 = arith.addf %mul3A_466, %add3A_468 : vector<16xf32>
        %sub3A_470 = arith.constant 0x4B400000 : f32
        %sub3A_471 = vector.broadcast %sub3A_470 : f32 to vector<16xf32>
        %sub3A_472 = arith.subf %add3A_469, %sub3A_471 : vector<16xf32>
        %mul3A_473 = arith.constant 6.281250e+00 : f32
        %mul3A_474 = vector.broadcast %mul3A_473 : f32 to vector<16xf32>
        %mul3A_475 = arith.mulf %sub3A_472, %mul3A_474 : vector<16xf32>
        %sub3A_476 = arith.subf %add3A_463, %mul3A_475 : vector<16xf32>
        %mul3A_477 = arith.constant 0.00193530717 : f32
        %mul3A_478 = vector.broadcast %mul3A_477 : f32 to vector<16xf32>
        %mul3A_479 = arith.mulf %sub3A_472, %mul3A_478 : vector<16xf32>
        %sub3A_480 = arith.subf %sub3A_476, %mul3A_479 : vector<16xf32>
        %mul3A_481 = arith.constant 1.02531317E-11 : f32
        %mul3A_482 = vector.broadcast %mul3A_481 : f32 to vector<16xf32>
        %mul3A_483 = arith.mulf %sub3A_472, %mul3A_482 : vector<16xf32>
        %sub3A_484 = arith.subf %sub3A_480, %mul3A_483 : vector<16xf32>
        %gt3A_485 = arith.constant 1.57079637 : f32
        %gt3A_486 = vector.broadcast %gt3A_485 : f32 to vector<16xf32>
        %gt3A_487 = arith.cmpf ogt, %sub3A_484, %gt3A_486 : vector<16xf32>
        %sub3A_488 = arith.constant 3.14159274 : f32
        %sub3A_489 = vector.broadcast %sub3A_488 : f32 to vector<16xf32>
        %sub3A_490 = arith.subf %sub3A_489, %sub3A_484 : vector<16xf32>
        %select_n3A_491 = arith.select %gt3A_487, %sub3A_490, %sub3A_484 : vector<16xi1>, vector<16xf32>
        %lt3A_492 = arith.constant -1.57079637 : f32
        %lt3A_493 = vector.broadcast %lt3A_492 : f32 to vector<16xf32>
        %lt3A_494 = arith.cmpf olt, %select_n3A_491, %lt3A_493 : vector<16xf32>
        %sub3A_495 = arith.constant -3.14159274 : f32
        %sub3A_496 = vector.broadcast %sub3A_495 : f32 to vector<16xf32>
        %sub3A_497 = arith.subf %sub3A_496, %select_n3A_491 : vector<16xf32>
        %select_n3A_498 = arith.select %lt3A_494, %sub3A_497, %select_n3A_491 : vector<16xi1>, vector<16xf32>
        %mul3A_499 = arith.mulf %select_n3A_498, %select_n3A_498 : vector<16xf32>
        %mul3A_500 = arith.constant 2.59613603E-6 : f32
        %mul3A_501 = vector.broadcast %mul3A_500 : f32 to vector<16xf32>
        %mul3A_502 = arith.mulf %mul3A_501, %mul3A_499 : vector<16xf32>
        %add3A_503 = arith.constant -1.98038266E-4 : f32
        %add3A_504 = vector.broadcast %add3A_503 : f32 to vector<16xf32>
        %add3A_505 = arith.addf %mul3A_502, %add3A_504 : vector<16xf32>
        %mul3A_506 = arith.mulf %add3A_505, %mul3A_499 : vector<16xf32>
        %add3A_507 = arith.constant 8.332950e-03 : f32
        %add3A_508 = vector.broadcast %add3A_507 : f32 to vector<16xf32>
        %add3A_509 = arith.addf %mul3A_506, %add3A_508 : vector<16xf32>
        %mul3A_510 = arith.mulf %add3A_509, %mul3A_499 : vector<16xf32>
        %add3A_511 = arith.constant -0.166666508 : f32
        %add3A_512 = vector.broadcast %add3A_511 : f32 to vector<16xf32>
        %add3A_513 = arith.addf %mul3A_510, %add3A_512 : vector<16xf32>
        %mul3A_514 = arith.mulf %add3A_513, %mul3A_499 : vector<16xf32>
        %add3A_515 = arith.constant 1.000000e+00 : f32
        %add3A_516 = vector.broadcast %add3A_515 : f32 to vector<16xf32>
        %add3A_517 = arith.addf %mul3A_514, %add3A_516 : vector<16xf32>
        %mul3A_518 = arith.mulf %select_n3A_498, %add3A_517 : vector<16xf32>
        %swap3A_519 = arith.index_cast %get3A_47 : i32 to index
        %swap3A_520 = arith.constant 80 : index
        %swap3A_521 = tpu.vector_load %arg10[%swap3A_519, %swap3A_520] {strides = array<i32>} : memref<32x128xf32, #tpu.memory_space<vmem>>, vector<1x16xf32>,
        %swap3A_522 = vector.shape_cast %swap3A_521 : vector<1x16xf32> to vector<16xf32>
        %swap3A_523 = vector.shape_cast %mul3A_518 : vector<16xf32> to vector<1x16xf32>
        tpu.vector_store %arg10[%swap3A_519, %swap3A_520], %swap3A_523 {strides = array<i32>} : memref<32x128xf32, #tpu.memory_space<vmem>>, vector<1x16xf32>,
        %get3A_524 = arith.index_cast %get3A_47 : i32 to index
        %get3A_525 = arith.constant 96 : index
        %get3A_526 = tpu.vector_load %arg9[%get3A_524, %get3A_525] {strides = array<i32>} : memref<128x128xf32, #tpu.memory_space<vmem>>, vector<1x16xf32>,
        %get3A_527 = vector.shape_cast %get3A_526 : vector<1x16xf32> to vector<16xf32>
        %get3A_528 = arith.index_cast %add3A_49 : i32 to index
        %get3A_529 = arith.constant 96 : index
        %get3A_530 = tpu.vector_load %arg9[%get3A_528, %get3A_529] {strides = array<i32>} : memref<128x128xf32, #tpu.memory_space<vmem>>, vector<1x16xf32>,
        %get3A_531 = vector.shape_cast %get3A_530 : vector<1x16xf32> to vector<16xf32>
        %add3A_532 = arith.addf %get3A_527, %get3A_531 : vector<16xf32>
        %get3A_533 = arith.index_cast %add3A_51 : i32 to index
        %get3A_534 = arith.constant 96 : index
        %get3A_535 = tpu.vector_load %arg9[%get3A_533, %get3A_534] {strides = array<i32>} : memref<128x128xf32, #tpu.memory_space<vmem>>, vector<1x16xf32>,
        %get3A_536 = vector.shape_cast %get3A_535 : vector<1x16xf32> to vector<16xf32>
        %add3A_537 = arith.addf %add3A_532, %get3A_536 : vector<16xf32>
        %get3A_538 = arith.index_cast %add3A_53 : i32 to index
        %get3A_539 = arith.constant 96 : index
        %get3A_540 = tpu.vector_load %arg9[%get3A_538, %get3A_539] {strides = array<i32>} : memref<128x128xf32, #tpu.memory_space<vmem>>, vector<1x16xf32>,
        %get3A_541 = vector.shape_cast %get3A_540 : vector<1x16xf32> to vector<16xf32>
        %add3A_542 = arith.addf %add3A_537, %get3A_541 : vector<16xf32>
        %mul3A_543 = arith.constant 0.159154937 : f32
        %mul3A_544 = vector.broadcast %mul3A_543 : f32 to vector<16xf32>
        %mul3A_545 = arith.mulf %add3A_542, %mul3A_544 : vector<16xf32>
        %add3A_546 = arith.constant 0x4B400000 : f32
        %add3A_547 = vector.broadcast %add3A_546 : f32 to vector<16xf32>
        %add3A_548 = arith.addf %mul3A_545, %add3A_547 : vector<16xf32>
        %sub3A_549 = arith.constant 0x4B400000 : f32
        %sub3A_550 = vector.broadcast %sub3A_549 : f32 to vector<16xf32>
        %sub3A_551 = arith.subf %add3A_548, %sub3A_550 : vector<16xf32>
        %mul3A_552 = arith.constant 6.281250e+00 : f32
        %mul3A_553 = vector.broadcast %mul3A_552 : f32 to vector<16xf32>
        %mul3A_554 = arith.mulf %sub3A_551, %mul3A_553 : vector<16xf32>
        %sub3A_555 = arith.subf %add3A_542, %mul3A_554 : vector<16xf32>
        %mul3A_556 = arith.constant 0.00193530717 : f32
        %mul3A_557 = vector.broadcast %mul3A_556 : f32 to vector<16xf32>
        %mul3A_558 = arith.mulf %sub3A_551, %mul3A_557 : vector<16xf32>
        %sub3A_559 = arith.subf %sub3A_555, %mul3A_558 : vector<16xf32>
        %mul3A_560 = arith.constant 1.02531317E-11 : f32
        %mul3A_561 = vector.broadcast %mul3A_560 : f32 to vector<16xf32>
        %mul3A_562 = arith.mulf %sub3A_551, %mul3A_561 : vector<16xf32>
        %sub3A_563 = arith.subf %sub3A_559, %mul3A_562 : vector<16xf32>
        %gt3A_564 = arith.constant 1.57079637 : f32
        %gt3A_565 = vector.broadcast %gt3A_564 : f32 to vector<16xf32>
        %gt3A_566 = arith.cmpf ogt, %sub3A_563, %gt3A_565 : vector<16xf32>
        %sub3A_567 = arith.constant 3.14159274 : f32
        %sub3A_568 = vector.broadcast %sub3A_567 : f32 to vector<16xf32>
        %sub3A_569 = arith.subf %sub3A_568, %sub3A_563 : vector<16xf32>
        %select_n3A_570 = arith.select %gt3A_566, %sub3A_569, %sub3A_563 : vector<16xi1>, vector<16xf32>
        %lt3A_571 = arith.constant -1.57079637 : f32
        %lt3A_572 = vector.broadcast %lt3A_571 : f32 to vector<16xf32>
        %lt3A_573 = arith.cmpf olt, %select_n3A_570, %lt3A_572 : vector<16xf32>
        %sub3A_574 = arith.constant -3.14159274 : f32
        %sub3A_575 = vector.broadcast %sub3A_574 : f32 to vector<16xf32>
        %sub3A_576 = arith.subf %sub3A_575, %select_n3A_570 : vector<16xf32>
        %select_n3A_577 = arith.select %lt3A_573, %sub3A_576, %select_n3A_570 : vector<16xi1>, vector<16xf32>
        %mul3A_578 = arith.mulf %select_n3A_577, %select_n3A_577 : vector<16xf32>
        %mul3A_579 = arith.constant 2.59613603E-6 : f32
        %mul3A_580 = vector.broadcast %mul3A_579 : f32 to vector<16xf32>
        %mul3A_581 = arith.mulf %mul3A_580, %mul3A_578 : vector<16xf32>
        %add3A_582 = arith.constant -1.98038266E-4 : f32
        %add3A_583 = vector.broadcast %add3A_582 : f32 to vector<16xf32>
        %add3A_584 = arith.addf %mul3A_581, %add3A_583 : vector<16xf32>
        %mul3A_585 = arith.mulf %add3A_584, %mul3A_578 : vector<16xf32>
        %add3A_586 = arith.constant 8.332950e-03 : f32
        %add3A_587 = vector.broadcast %add3A_586 : f32 to vector<16xf32>
        %add3A_588 = arith.addf %mul3A_585, %add3A_587 : vector<16xf32>
        %mul3A_589 = arith.mulf %add3A_588, %mul3A_578 : vector<16xf32>
        %add3A_590 = arith.constant -0.166666508 : f32
        %add3A_591 = vector.broadcast %add3A_590 : f32 to vector<16xf32>
        %add3A_592 = arith.addf %mul3A_589, %add3A_591 : vector<16xf32>
        %mul3A_593 = arith.mulf %add3A_592, %mul3A_578 : vector<16xf32>
        %add3A_594 = arith.constant 1.000000e+00 : f32
        %add3A_595 = vector.broadcast %add3A_594 : f32 to vector<16xf32>
        %add3A_596 = arith.addf %mul3A_593, %add3A_595 : vector<16xf32>
        %mul3A_597 = arith.mulf %select_n3A_577, %add3A_596 : vector<16xf32>
        %swap3A_598 = arith.index_cast %get3A_47 : i32 to index
        %swap3A_599 = arith.constant 96 : index
        %swap3A_600 = tpu.vector_load %arg10[%swap3A_598, %swap3A_599] {strides = array<i32>} : memref<32x128xf32, #tpu.memory_space<vmem>>, vector<1x16xf32>,
        %swap3A_601 = vector.shape_cast %swap3A_600 : vector<1x16xf32> to vector<16xf32>
        %swap3A_602 = vector.shape_cast %mul3A_597 : vector<16xf32> to vector<1x16xf32>
        tpu.vector_store %arg10[%swap3A_598, %swap3A_599], %swap3A_602 {strides = array<i32>} : memref<32x128xf32, #tpu.memory_space<vmem>>, vector<1x16xf32>,
        %get3A_603 = arith.index_cast %get3A_47 : i32 to index
        %get3A_604 = arith.constant 112 : index
        %get3A_605 = tpu.vector_load %arg9[%get3A_603, %get3A_604] {strides = array<i32>} : memref<128x128xf32, #tpu.memory_space<vmem>>, vector<1x16xf32>,
        %get3A_606 = vector.shape_cast %get3A_605 : vector<1x16xf32> to vector<16xf32>
        %get3A_607 = arith.index_cast %add3A_49 : i32 to index
        %get3A_608 = arith.constant 112 : index
        %get3A_609 = tpu.vector_load %arg9[%get3A_607, %get3A_608] {strides = array<i32>} : memref<128x128xf32, #tpu.memory_space<vmem>>, vector<1x16xf32>,
        %get3A_610 = vector.shape_cast %get3A_609 : vector<1x16xf32> to vector<16xf32>
        %add3A_611 = arith.addf %get3A_606, %get3A_610 : vector<16xf32>
        %get3A_612 = arith.index_cast %add3A_51 : i32 to index
        %get3A_613 = arith.constant 112 : index
        %get3A_614 = tpu.vector_load %arg9[%get3A_612, %get3A_613] {strides = array<i32>} : memref<128x128xf32, #tpu.memory_space<vmem>>, vector<1x16xf32>,
        %get3A_615 = vector.shape_cast %get3A_614 : vector<1x16xf32> to vector<16xf32>
        %add3A_616 = arith.addf %add3A_611, %get3A_615 : vector<16xf32>
        %get3A_617 = arith.index_cast %add3A_53 : i32 to index
        %get3A_618 = arith.constant 112 : index
        %get3A_619 = tpu.vector_load %arg9[%get3A_617, %get3A_618] {strides = array<i32>} : memref<128x128xf32, #tpu.memory_space<vmem>>, vector<1x16xf32>,
        %get3A_620 = vector.shape_cast %get3A_619 : vector<1x16xf32> to vector<16xf32>
        %add3A_621 = arith.addf %add3A_616, %get3A_620 : vector<16xf32>
        %mul3A_622 = arith.constant 0.159154937 : f32
        %mul3A_623 = vector.broadcast %mul3A_622 : f32 to vector<16xf32>
        %mul3A_624 = arith.mulf %add3A_621, %mul3A_623 : vector<16xf32>
        %add3A_625 = arith.constant 0x4B400000 : f32
        %add3A_626 = vector.broadcast %add3A_625 : f32 to vector<16xf32>
        %add3A_627 = arith.addf %mul3A_624, %add3A_626 : vector<16xf32>
        %sub3A_628 = arith.constant 0x4B400000 : f32
        %sub3A_629 = vector.broadcast %sub3A_628 : f32 to vector<16xf32>
        %sub3A_630 = arith.subf %add3A_627, %sub3A_629 : vector<16xf32>
        %mul3A_631 = arith.constant 6.281250e+00 : f32
        %mul3A_632 = vector.broadcast %mul3A_631 : f32 to vector<16xf32>
        %mul3A_633 = arith.mulf %sub3A_630, %mul3A_632 : vector<16xf32>
        %sub3A_634 = arith.subf %add3A_621, %mul3A_633 : vector<16xf32>
        %mul3A_635 = arith.constant 0.00193530717 : f32
        %mul3A_636 = vector.broadcast %mul3A_635 : f32 to vector<16xf32>
        %mul3A_637 = arith.mulf %sub3A_630, %mul3A_636 : vector<16xf32>
        %sub3A_638 = arith.subf %sub3A_634, %mul3A_637 : vector<16xf32>
        %mul3A_639 = arith.constant 1.02531317E-11 : f32
        %mul3A_640 = vector.broadcast %mul3A_639 : f32 to vector<16xf32>
        %mul3A_641 = arith.mulf %sub3A_630, %mul3A_640 : vector<16xf32>
        %sub3A_642 = arith.subf %sub3A_638, %mul3A_641 : vector<16xf32>
        %gt3A_643 = arith.constant 1.57079637 : f32
        %gt3A_644 = vector.broadcast %gt3A_643 : f32 to vector<16xf32>
        %gt3A_645 = arith.cmpf ogt, %sub3A_642, %gt3A_644 : vector<16xf32>
        %sub3A_646 = arith.constant 3.14159274 : f32
        %sub3A_647 = vector.broadcast %sub3A_646 : f32 to vector<16xf32>
        %sub3A_648 = arith.subf %sub3A_647, %sub3A_642 : vector<16xf32>
        %select_n3A_649 = arith.select %gt3A_645, %sub3A_648, %sub3A_642 : vector<16xi1>, vector<16xf32>
        %lt3A_650 = arith.constant -1.57079637 : f32
        %lt3A_651 = vector.broadcast %lt3A_650 : f32 to vector<16xf32>
        %lt3A_652 = arith.cmpf olt, %select_n3A_649, %lt3A_651 : vector<16xf32>
        %sub3A_653 = arith.constant -3.14159274 : f32
        %sub3A_654 = vector.broadcast %sub3A_653 : f32 to vector<16xf32>
        %sub3A_655 = arith.subf %sub3A_654, %select_n3A_649 : vector<16xf32>
        %select_n3A_656 = arith.select %lt3A_652, %sub3A_655, %select_n3A_649 : vector<16xi1>, vector<16xf32>
        %mul3A_657 = arith.mulf %select_n3A_656, %select_n3A_656 : vector<16xf32>
        %mul3A_658 = arith.constant 2.59613603E-6 : f32
        %mul3A_659 = vector.broadcast %mul3A_658 : f32 to vector<16xf32>
        %mul3A_660 = arith.mulf %mul3A_659, %mul3A_657 : vector<16xf32>
        %add3A_661 = arith.constant -1.98038266E-4 : f32
        %add3A_662 = vector.broadcast %add3A_661 : f32 to vector<16xf32>
        %add3A_663 = arith.addf %mul3A_660, %add3A_662 : vector<16xf32>
        %mul3A_664 = arith.mulf %add3A_663, %mul3A_657 : vector<16xf32>
        %add3A_665 = arith.constant 8.332950e-03 : f32
        %add3A_666 = vector.broadcast %add3A_665 : f32 to vector<16xf32>
        %add3A_667 = arith.addf %mul3A_664, %add3A_666 : vector<16xf32>
        %mul3A_668 = arith.mulf %add3A_667, %mul3A_657 : vector<16xf32>
        %add3A_669 = arith.constant -0.166666508 : f32
        %add3A_670 = vector.broadcast %add3A_669 : f32 to vector<16xf32>
        %add3A_671 = arith.addf %mul3A_668, %add3A_670 : vector<16xf32>
        %mul3A_672 = arith.mulf %add3A_671, %mul3A_657 : vector<16xf32>
        %add3A_673 = arith.constant 1.000000e+00 : f32
        %add3A_674 = vector.broadcast %add3A_673 : f32 to vector<16xf32>
        %add3A_675 = arith.addf %mul3A_672, %add3A_674 : vector<16xf32>
        %mul3A_676 = arith.mulf %select_n3A_656, %add3A_675 : vector<16xf32>
        %swap3A_677 = arith.index_cast %get3A_47 : i32 to index
        %swap3A_678 = arith.constant 112 : index
        %swap3A_679 = tpu.vector_load %arg10[%swap3A_677, %swap3A_678] {strides = array<i32>} : memref<32x128xf32, #tpu.memory_space<vmem>>, vector<1x16xf32>,
        %swap3A_680 = vector.shape_cast %swap3A_679 : vector<1x16xf32> to vector<16xf32>
        %swap3A_681 = vector.shape_cast %mul3A_676 : vector<16xf32> to vector<1x16xf32>
        tpu.vector_store %arg10[%swap3A_677, %swap3A_678], %swap3A_681 {strides = array<i32>} : memref<32x128xf32, #tpu.memory_space<vmem>>, vector<1x16xf32>,
        %add3A_682 = arith.constant 1 : i32
        %add3A_683 = arith.addi %get3A_47, %add3A_682 : i32
        %swap3A_684 = arith.constant 1 : i64
        %swap3A_685 = arith.index_cast %swap3A_684 : i64 to index
        %swap3A_686 = memref.load %arg12[%swap3A_685] : memref<2xi32, #tpu.memory_space<smem>>
        memref.store %add3A_683, %arg12[%swap3A_685] : memref<2xi32, #tpu.memory_space<smem>>
      }
      %scan3A_38 = arith.constant 32 : i32
      "tpu.region"() ({
        %run_scoped3A = tpu.sem_alloc : memref<!tpu.dma_semaphore, #tpu.memory_space<semaphore_mem>>
        %dma_start3A_44 = arith.constant 0 : i32
        %dma_start3A_45 = arith.constant 0 : i32
        %dma_start3A_46 = tpu.memref_slice %arg11[%dma_start3A_44, %dma_start3A_45] : memref<10112x128xf32, #tpu.memory_space<vmem_shared>> -> memref<10112x128xf32, #tpu.memory_space<vmem_shared>>
        tpu.enqueue_indirect_dma source(%arg10 : memref<32x128xf32, #tpu.memory_space<vmem>>) target(%dma_start3A_46 : memref<10112x128xf32, #tpu.memory_space<vmem_shared>>) offsets(%arg8 : memref<32xi32, #tpu.memory_space<vmem>>) semaphore(%run_scoped3A : memref<!tpu.dma_semaphore, #tpu.memory_space<semaphore_mem>>) {add = true}
        %dma_wait3A_47 = arith.constant 0 : i32
        %dma_wait3A_48 = arith.constant 0 : i32
        %dma_wait3A_49 = tpu.memref_slice %arg11[%dma_wait3A_47, %dma_wait3A_48] : memref<10112x128xf32, #tpu.memory_space<vmem_shared>> -> memref<10112x128xf32, #tpu.memory_space<vmem_shared>>
        tpu.wait_indirect_dma semaphore(%run_scoped3A : memref<!tpu.dma_semaphore, #tpu.memory_space<semaphore_mem>>) src(%arg10 : memref<32x128xf32, #tpu.memory_space<vmem>>) dst(%dma_wait3A_49 : memref<10112x128xf32, #tpu.memory_space<vmem_shared>>)
        tpu.yield
      }) : () -> ()
      %add3A_39 = arith.constant 1 : i32
      %add3A_40 = arith.addi %get3A_19, %add3A_39 : i32
      %swap3A_41 = arith.constant 0 : i64
      %swap3A_42 = arith.index_cast %swap3A_41 : i64 to index
      %swap3A_43 = memref.load %arg12[%swap3A_42] : memref<2xi32, #tpu.memory_space<smem>>
      memref.store %add3A_40, %arg12[%swap3A_42] : memref<2xi32, #tpu.memory_space<smem>>
    }
    %scan3A_11 = arith.constant 98 : i32
    %barrier3A_12 = arith.constant 0 : index
    tpu.barrier barrier_id(%barrier3A_12)
    %mul3A_13 = arith.constant 632 : i32
    %mul3A_14 = arith.muli %arg1, %mul3A_13 : i32
    %mul3A_15 = arith.constant 632 : i32
    %mul3A_16 = arith.muli %arg1, %mul3A_15 : i32
    "tpu.region"() ({
      %run_scoped3A = tpu.sem_alloc : memref<!tpu.dma_semaphore, #tpu.memory_space<semaphore_mem>>
      %dma_start3A = arith.constant 0 : i32
      %dma_start3A_17 = tpu.memref_slice %arg6[%arg0, %mul3A_16, %dma_start3A] : memref<2x10112x128xf32, #tpu.memory_space<hbm>> -> memref<1x632x128xf32, #tpu.memory_space<hbm>>
      %dma_start3A_18 = tpu.memref_squeeze %dma_start3A_17 : memref<1x632x128xf32, #tpu.memory_space<hbm>> -> memref<632x128xf32, #tpu.memory_space<hbm>>
      %dma_start3A_19 = arith.constant 0 : i32
      %dma_start3A_20 = tpu.memref_slice %arg11[%mul3A_14, %dma_start3A_19] : memref<10112x128xf32, #tpu.memory_space<vmem_shared>> -> memref<632x128xf32, #tpu.memory_space<vmem_shared>>
      tpu.enqueue_dma source(%dma_start3A_20 : memref<632x128xf32, #tpu.memory_space<vmem_shared>>) target(%dma_start3A_18 : memref<632x128xf32, #tpu.memory_space<hbm>>) target_semaphore(%run_scoped3A : memref<!tpu.dma_semaphore, #tpu.memory_space<semaphore_mem>>)
      %dma_wait3A = arith.constant 0 : i32
      %dma_wait3A_21 = tpu.memref_slice %arg6[%arg0, %mul3A_16, %dma_wait3A] : memref<2x10112x128xf32, #tpu.memory_space<hbm>> -> memref<1x632x128xf32, #tpu.memory_space<hbm>>
      %dma_wait3A_22 = tpu.memref_squeeze %dma_wait3A_21 : memref<1x632x128xf32, #tpu.memory_space<hbm>> -> memref<632x128xf32, #tpu.memory_space<hbm>>
      %dma_wait3A_23 = arith.constant 0 : i32
      %dma_wait3A_24 = tpu.memref_slice %arg11[%mul3A_14, %dma_wait3A_23] : memref<10112x128xf32, #tpu.memory_space<vmem_shared>> -> memref<632x128xf32, #tpu.memory_space<vmem_shared>>
      tpu.wait_dma2 semaphore(%run_scoped3A : memref<!tpu.dma_semaphore, #tpu.memory_space<semaphore_mem>>) src(%dma_wait3A_24 : memref<632x128xf32, #tpu.memory_space<vmem_shared>>) dst(%dma_wait3A_22 : memref<632x128xf32, #tpu.memory_space<hbm>>)
      tpu.yield
    }) : () -> ()
    return
  }
}

#map = affine_map<(d0, d1) -> (0, 0)>
#map1 = affine_map<(d0, d1) -> (0)>
#map2 = affine_map<(d0, d1) -> (0, 0, 0)>
module attributes {stable_mosaic.version = 14 : i64} {
  func.func @_edge_sc(%arg0: i32, %arg1: i32, %arg2: memref<10000x128xf32, #tpu.memory_space<hbm>>, %arg3: memref<41943040xf32, #tpu.memory_space<hbm>>, %arg4: memref<327680xi32, #tpu.memory_space<hbm>>, %arg5: memref<327680xi32, #tpu.memory_space<hbm>>, %arg6: memref<632x128xf32, #tpu.memory_space<hbm>>, %arg7: memref<2x10112x128xf32, #tpu.memory_space<hbm>>, %arg8: memref<128xi32, #tpu.memory_space<vmem>>, %arg9: memref<128xi32, #tpu.memory_space<vmem>>, %arg10: memref<128x128xf32, #tpu.memory_space<vmem>>, %arg11: memref<16384xf32, #tpu.memory_space<vmem>>, %arg12: memref<10112x128xf32, #tpu.memory_space<vmem_shared>>, %arg13: memref<2xi32, #tpu.memory_space<smem>>, %arg14: memref<!tpu.dma_semaphore, #tpu.memory_space<semaphore_mem>>) attributes {dimension_semantics = [#tpu.dimension_semantics<core_parallel>, #tpu.dimension_semantics<subcore_parallel>], iteration_bounds = array<i64: 2, 16>, scalar_prefetch = 0 : i64, scratch_operands = 7 : i64, tpu.core_type = #tpu.core_type<sc_vector_subcore>, window_params = [{transform_indices = #map}, {transform_indices = #map1}, {transform_indices = #map1}, {transform_indices = #map1}, {transform_indices = #map}, {transform_indices = #map2}]} {
    %mul3A = arith.constant 16 : i32
    %mul3A_0 = arith.muli %arg0, %mul3A : i32
    %add3A = arith.addi %mul3A_0, %arg1 : i32
    %mul3A_1 = arith.constant 632 : i32
    %mul3A_2 = arith.muli %arg1, %mul3A_1 : i32
    "tpu.region"() ({
      %run_scoped3A = tpu.sem_alloc : memref<!tpu.dma_semaphore, #tpu.memory_space<semaphore_mem>>
      %dma_start3A = arith.constant 0 : i32
      %dma_start3A_17 = tpu.memref_slice %arg12[%mul3A_2, %dma_start3A] : memref<10112x128xf32, #tpu.memory_space<vmem_shared>> -> memref<632x128xf32, #tpu.memory_space<vmem_shared>>
      tpu.enqueue_dma source(%arg6 : memref<632x128xf32, #tpu.memory_space<hbm>>) target(%dma_start3A_17 : memref<632x128xf32, #tpu.memory_space<vmem_shared>>) target_semaphore(%run_scoped3A : memref<!tpu.dma_semaphore, #tpu.memory_space<semaphore_mem>>)
      %dma_wait3A = arith.constant 0 : i32
      %dma_wait3A_18 = tpu.memref_slice %arg12[%mul3A_2, %dma_wait3A] : memref<10112x128xf32, #tpu.memory_space<vmem_shared>> -> memref<632x128xf32, #tpu.memory_space<vmem_shared>>
      tpu.wait_dma2 semaphore(%run_scoped3A : memref<!tpu.dma_semaphore, #tpu.memory_space<semaphore_mem>>) src(%arg6 : memref<632x128xf32, #tpu.memory_space<hbm>>) dst(%dma_wait3A_18 : memref<632x128xf32, #tpu.memory_space<vmem_shared>>)
      tpu.yield
    }) : () -> ()
    %barrier3A = arith.constant 0 : index
    tpu.barrier barrier_id(%barrier3A)
    %mul3A_3 = arith.constant 80 : i32
    %mul3A_4 = arith.muli %add3A, %mul3A_3 : i32
    %swap3A = arith.constant 0 : i32
    %swap3A_5 = arith.constant 0 : i64
    %swap3A_6 = arith.index_cast %swap3A_5 : i64 to index
    %swap3A_7 = memref.load %arg13[%swap3A_6] : memref<2xi32, #tpu.memory_space<smem>>
    memref.store %swap3A, %arg13[%swap3A_6] : memref<2xi32, #tpu.memory_space<smem>>
    %scan3A = arith.constant 0 : i32
    %scan3A_8 = arith.constant 80 : i32
    %scan3A_9 = arith.addi %scan3A, %scan3A_8 : i32
    %scan3A_10 = arith.constant 1 : i32
    scf.for %scan3A_17 = %scan3A to %scan3A_9 step %scan3A_10  : i32 {
      %get3A = arith.constant 0 : i64
      %get3A_18 = arith.index_cast %get3A : i64 to index
      %get3A_19 = memref.load %arg13[%get3A_18] : memref<2xi32, #tpu.memory_space<smem>>
      %add3A_20 = arith.addi %mul3A_4, %get3A_19 : i32
      %mul3A_21 = arith.constant 128 : i32
      %mul3A_22 = arith.muli %add3A_20, %mul3A_21 : i32
      %multiple_of3A = tpu.assume_multiple %mul3A_22, 8 : i32
      "tpu.region"() ({
        %run_scoped3A = tpu.sem_alloc : memref<!tpu.dma_semaphore, #tpu.memory_space<semaphore_mem>>
        %dma_start3A_44 = tpu.memref_slice %arg4[%multiple_of3A] : memref<327680xi32, #tpu.memory_space<hbm>> -> memref<128xi32, #tpu.memory_space<hbm>>
        %dma_start3A_45 = tpu.memref_slice %arg4[%multiple_of3A] : memref<327680xi32, #tpu.memory_space<hbm>> -> memref<128xi32, #tpu.memory_space<hbm>>
        tpu.enqueue_dma source(%dma_start3A_45 : memref<128xi32, #tpu.memory_space<hbm>>) target(%arg8 : memref<128xi32, #tpu.memory_space<vmem>>) target_semaphore(%run_scoped3A : memref<!tpu.dma_semaphore, #tpu.memory_space<semaphore_mem>>)
        %dma_wait3A_46 = tpu.memref_slice %arg4[%multiple_of3A] : memref<327680xi32, #tpu.memory_space<hbm>> -> memref<128xi32, #tpu.memory_space<hbm>>
        %dma_wait3A_47 = tpu.memref_slice %arg4[%multiple_of3A] : memref<327680xi32, #tpu.memory_space<hbm>> -> memref<128xi32, #tpu.memory_space<hbm>>
        tpu.wait_dma2 semaphore(%run_scoped3A : memref<!tpu.dma_semaphore, #tpu.memory_space<semaphore_mem>>) src(%dma_wait3A_47 : memref<128xi32, #tpu.memory_space<hbm>>) dst(%arg8 : memref<128xi32, #tpu.memory_space<vmem>>)
        tpu.yield
      }) : () -> ()
      "tpu.region"() ({
        %run_scoped3A = tpu.sem_alloc : memref<!tpu.dma_semaphore, #tpu.memory_space<semaphore_mem>>
        %dma_start3A_44 = tpu.memref_slice %arg5[%multiple_of3A] : memref<327680xi32, #tpu.memory_space<hbm>> -> memref<128xi32, #tpu.memory_space<hbm>>
        %dma_start3A_45 = tpu.memref_slice %arg5[%multiple_of3A] : memref<327680xi32, #tpu.memory_space<hbm>> -> memref<128xi32, #tpu.memory_space<hbm>>
        tpu.enqueue_dma source(%dma_start3A_45 : memref<128xi32, #tpu.memory_space<hbm>>) target(%arg9 : memref<128xi32, #tpu.memory_space<vmem>>) target_semaphore(%run_scoped3A : memref<!tpu.dma_semaphore, #tpu.memory_space<semaphore_mem>>)
        %dma_wait3A_46 = tpu.memref_slice %arg5[%multiple_of3A] : memref<327680xi32, #tpu.memory_space<hbm>> -> memref<128xi32, #tpu.memory_space<hbm>>
        %dma_wait3A_47 = tpu.memref_slice %arg5[%multiple_of3A] : memref<327680xi32, #tpu.memory_space<hbm>> -> memref<128xi32, #tpu.memory_space<hbm>>
        tpu.wait_dma2 semaphore(%run_scoped3A : memref<!tpu.dma_semaphore, #tpu.memory_space<semaphore_mem>>) src(%dma_wait3A_47 : memref<128xi32, #tpu.memory_space<hbm>>) dst(%arg9 : memref<128xi32, #tpu.memory_space<vmem>>)
        tpu.yield
      }) : () -> ()
      %dma_start3A = arith.constant 0 : i32
      %dma_start3A_23 = arith.constant 0 : i32
      %dma_start3A_24 = tpu.memref_slice %arg2[%dma_start3A, %dma_start3A_23] : memref<10000x128xf32, #tpu.memory_space<hbm>> -> memref<10000x128xf32, #tpu.memory_space<hbm>>
      tpu.enqueue_indirect_dma source(%dma_start3A_24 : memref<10000x128xf32, #tpu.memory_space<hbm>>) target(%arg10 : memref<128x128xf32, #tpu.memory_space<vmem>>) offsets(%arg8 : memref<128xi32, #tpu.memory_space<vmem>>) semaphore(%arg14 : memref<!tpu.dma_semaphore, #tpu.memory_space<semaphore_mem>>)
      %dma_wait3A = arith.constant 0 : i32
      %dma_wait3A_25 = arith.constant 0 : i32
      %dma_wait3A_26 = tpu.memref_slice %arg2[%dma_wait3A, %dma_wait3A_25] : memref<10000x128xf32, #tpu.memory_space<hbm>> -> memref<10000x128xf32, #tpu.memory_space<hbm>>
      tpu.wait_indirect_dma semaphore(%arg14 : memref<!tpu.dma_semaphore, #tpu.memory_space<semaphore_mem>>) src(%dma_wait3A_26 : memref<10000x128xf32, #tpu.memory_space<hbm>>) dst(%arg10 : memref<128x128xf32, #tpu.memory_space<vmem>>)
      %mul3A_27 = arith.constant 16384 : i32
      %mul3A_28 = arith.muli %add3A_20, %mul3A_27 : i32
      %multiple_of3A_29 = tpu.assume_multiple %mul3A_28, 8 : i32
      "tpu.region"() ({
        %run_scoped3A = tpu.sem_alloc : memref<!tpu.dma_semaphore, #tpu.memory_space<semaphore_mem>>
        %dma_start3A_44 = tpu.memref_slice %arg3[%multiple_of3A_29] : memref<41943040xf32, #tpu.memory_space<hbm>> -> memref<16384xf32, #tpu.memory_space<hbm>>
        %dma_start3A_45 = tpu.memref_slice %arg3[%multiple_of3A_29] : memref<41943040xf32, #tpu.memory_space<hbm>> -> memref<16384xf32, #tpu.memory_space<hbm>>
        tpu.enqueue_dma source(%dma_start3A_45 : memref<16384xf32, #tpu.memory_space<hbm>>) target(%arg11 : memref<16384xf32, #tpu.memory_space<vmem>>) target_semaphore(%run_scoped3A : memref<!tpu.dma_semaphore, #tpu.memory_space<semaphore_mem>>)
        %dma_wait3A_46 = tpu.memref_slice %arg3[%multiple_of3A_29] : memref<41943040xf32, #tpu.memory_space<hbm>> -> memref<16384xf32, #tpu.memory_space<hbm>>
        %dma_wait3A_47 = tpu.memref_slice %arg3[%multiple_of3A_29] : memref<41943040xf32, #tpu.memory_space<hbm>> -> memref<16384xf32, #tpu.memory_space<hbm>>
        tpu.wait_dma2 semaphore(%run_scoped3A : memref<!tpu.dma_semaphore, #tpu.memory_space<semaphore_mem>>) src(%dma_wait3A_47 : memref<16384xf32, #tpu.memory_space<hbm>>) dst(%arg11 : memref<16384xf32, #tpu.memory_space<vmem>>)
        tpu.yield
      }) : () -> ()
      %swap3A_30 = arith.constant 0 : i32
      %swap3A_31 = arith.constant 1 : i64
      %swap3A_32 = arith.index_cast %swap3A_31 : i64 to index
      %swap3A_33 = memref.load %arg13[%swap3A_32] : memref<2xi32, #tpu.memory_space<smem>>
      memref.store %swap3A_30, %arg13[%swap3A_32] : memref<2xi32, #tpu.memory_space<smem>>
      %scan3A_34 = arith.constant 0 : i32
      %scan3A_35 = arith.constant 128 : i32
      %scan3A_36 = arith.addi %scan3A_34, %scan3A_35 : i32
      %scan3A_37 = arith.constant 1 : i32
      scf.for %scan3A_44 = %scan3A_34 to %scan3A_36 step %scan3A_37  : i32 {
        %get3A_45 = arith.constant 1 : i64
        %get3A_46 = arith.index_cast %get3A_45 : i64 to index
        %get3A_47 = memref.load %arg13[%get3A_46] : memref<2xi32, #tpu.memory_space<smem>>
        %mul3A_48 = arith.constant 128 : i32
        %mul3A_49 = arith.muli %get3A_47, %mul3A_48 : i32
        %get3A_50 = arith.index_cast %get3A_47 : i32 to index
        %get3A_51 = arith.constant 0 : index
        %get3A_52 = tpu.vector_load %arg10[%get3A_50, %get3A_51] {strides = array<i32>} : memref<128x128xf32, #tpu.memory_space<vmem>>, vector<1x16xf32>,
        %get3A_53 = vector.shape_cast %get3A_52 : vector<1x16xf32> to vector<16xf32>
        %add3A_54 = arith.constant 0 : i32
        %add3A_55 = arith.addi %mul3A_49, %add3A_54 : i32
        %get3A_56 = arith.index_cast %add3A_55 : i32 to index
        %get3A_57 = tpu.vector_load %arg11[%get3A_56] {strides = array<i32>} : memref<16384xf32, #tpu.memory_space<vmem>>, vector<16xf32>,
        %get3A_58 = vector.shape_cast %get3A_57 : vector<16xf32> to vector<16xf32>
        %add3A_59 = arith.addf %get3A_53, %get3A_58 : vector<16xf32>
        %max3A = arith.constant 0.000000e+00 : f32
        %max3A_60 = vector.broadcast %max3A : f32 to vector<16xf32>
        %max3A_61 = arith.maximumf %add3A_59, %max3A_60 : vector<16xf32>
        %swap3A_62 = arith.index_cast %get3A_47 : i32 to index
        %swap3A_63 = arith.constant 0 : index
        %swap3A_64 = tpu.vector_load %arg10[%swap3A_62, %swap3A_63] {strides = array<i32>} : memref<128x128xf32, #tpu.memory_space<vmem>>, vector<1x16xf32>,
        %swap3A_65 = vector.shape_cast %swap3A_64 : vector<1x16xf32> to vector<16xf32>
        %swap3A_66 = vector.shape_cast %max3A_61 : vector<16xf32> to vector<1x16xf32>
        tpu.vector_store %arg10[%swap3A_62, %swap3A_63], %swap3A_66 {strides = array<i32>} : memref<128x128xf32, #tpu.memory_space<vmem>>, vector<1x16xf32>,
        %get3A_67 = arith.index_cast %get3A_47 : i32 to index
        %get3A_68 = arith.constant 16 : index
        %get3A_69 = tpu.vector_load %arg10[%get3A_67, %get3A_68] {strides = array<i32>} : memref<128x128xf32, #tpu.memory_space<vmem>>, vector<1x16xf32>,
        %get3A_70 = vector.shape_cast %get3A_69 : vector<1x16xf32> to vector<16xf32>
        %add3A_71 = arith.constant 16 : i32
        %add3A_72 = arith.addi %mul3A_49, %add3A_71 : i32
        %get3A_73 = arith.index_cast %add3A_72 : i32 to index
        %get3A_74 = tpu.vector_load %arg11[%get3A_73] {strides = array<i32>} : memref<16384xf32, #tpu.memory_space<vmem>>, vector<16xf32>,
        %get3A_75 = vector.shape_cast %get3A_74 : vector<16xf32> to vector<16xf32>
        %add3A_76 = arith.addf %get3A_70, %get3A_75 : vector<16xf32>
        %max3A_77 = arith.constant 0.000000e+00 : f32
        %max3A_78 = vector.broadcast %max3A_77 : f32 to vector<16xf32>
        %max3A_79 = arith.maximumf %add3A_76, %max3A_78 : vector<16xf32>
        %swap3A_80 = arith.index_cast %get3A_47 : i32 to index
        %swap3A_81 = arith.constant 16 : index
        %swap3A_82 = tpu.vector_load %arg10[%swap3A_80, %swap3A_81] {strides = array<i32>} : memref<128x128xf32, #tpu.memory_space<vmem>>, vector<1x16xf32>,
        %swap3A_83 = vector.shape_cast %swap3A_82 : vector<1x16xf32> to vector<16xf32>
        %swap3A_84 = vector.shape_cast %max3A_79 : vector<16xf32> to vector<1x16xf32>
        tpu.vector_store %arg10[%swap3A_80, %swap3A_81], %swap3A_84 {strides = array<i32>} : memref<128x128xf32, #tpu.memory_space<vmem>>, vector<1x16xf32>,
        %get3A_85 = arith.index_cast %get3A_47 : i32 to index
        %get3A_86 = arith.constant 32 : index
        %get3A_87 = tpu.vector_load %arg10[%get3A_85, %get3A_86] {strides = array<i32>} : memref<128x128xf32, #tpu.memory_space<vmem>>, vector<1x16xf32>,
        %get3A_88 = vector.shape_cast %get3A_87 : vector<1x16xf32> to vector<16xf32>
        %add3A_89 = arith.constant 32 : i32
        %add3A_90 = arith.addi %mul3A_49, %add3A_89 : i32
        %get3A_91 = arith.index_cast %add3A_90 : i32 to index
        %get3A_92 = tpu.vector_load %arg11[%get3A_91] {strides = array<i32>} : memref<16384xf32, #tpu.memory_space<vmem>>, vector<16xf32>,
        %get3A_93 = vector.shape_cast %get3A_92 : vector<16xf32> to vector<16xf32>
        %add3A_94 = arith.addf %get3A_88, %get3A_93 : vector<16xf32>
        %max3A_95 = arith.constant 0.000000e+00 : f32
        %max3A_96 = vector.broadcast %max3A_95 : f32 to vector<16xf32>
        %max3A_97 = arith.maximumf %add3A_94, %max3A_96 : vector<16xf32>
        %swap3A_98 = arith.index_cast %get3A_47 : i32 to index
        %swap3A_99 = arith.constant 32 : index
        %swap3A_100 = tpu.vector_load %arg10[%swap3A_98, %swap3A_99] {strides = array<i32>} : memref<128x128xf32, #tpu.memory_space<vmem>>, vector<1x16xf32>,
        %swap3A_101 = vector.shape_cast %swap3A_100 : vector<1x16xf32> to vector<16xf32>
        %swap3A_102 = vector.shape_cast %max3A_97 : vector<16xf32> to vector<1x16xf32>
        tpu.vector_store %arg10[%swap3A_98, %swap3A_99], %swap3A_102 {strides = array<i32>} : memref<128x128xf32, #tpu.memory_space<vmem>>, vector<1x16xf32>,
        %get3A_103 = arith.index_cast %get3A_47 : i32 to index
        %get3A_104 = arith.constant 48 : index
        %get3A_105 = tpu.vector_load %arg10[%get3A_103, %get3A_104] {strides = array<i32>} : memref<128x128xf32, #tpu.memory_space<vmem>>, vector<1x16xf32>,
        %get3A_106 = vector.shape_cast %get3A_105 : vector<1x16xf32> to vector<16xf32>
        %add3A_107 = arith.constant 48 : i32
        %add3A_108 = arith.addi %mul3A_49, %add3A_107 : i32
        %get3A_109 = arith.index_cast %add3A_108 : i32 to index
        %get3A_110 = tpu.vector_load %arg11[%get3A_109] {strides = array<i32>} : memref<16384xf32, #tpu.memory_space<vmem>>, vector<16xf32>,
        %get3A_111 = vector.shape_cast %get3A_110 : vector<16xf32> to vector<16xf32>
        %add3A_112 = arith.addf %get3A_106, %get3A_111 : vector<16xf32>
        %max3A_113 = arith.constant 0.000000e+00 : f32
        %max3A_114 = vector.broadcast %max3A_113 : f32 to vector<16xf32>
        %max3A_115 = arith.maximumf %add3A_112, %max3A_114 : vector<16xf32>
        %swap3A_116 = arith.index_cast %get3A_47 : i32 to index
        %swap3A_117 = arith.constant 48 : index
        %swap3A_118 = tpu.vector_load %arg10[%swap3A_116, %swap3A_117] {strides = array<i32>} : memref<128x128xf32, #tpu.memory_space<vmem>>, vector<1x16xf32>,
        %swap3A_119 = vector.shape_cast %swap3A_118 : vector<1x16xf32> to vector<16xf32>
        %swap3A_120 = vector.shape_cast %max3A_115 : vector<16xf32> to vector<1x16xf32>
        tpu.vector_store %arg10[%swap3A_116, %swap3A_117], %swap3A_120 {strides = array<i32>} : memref<128x128xf32, #tpu.memory_space<vmem>>, vector<1x16xf32>,
        %get3A_121 = arith.index_cast %get3A_47 : i32 to index
        %get3A_122 = arith.constant 64 : index
        %get3A_123 = tpu.vector_load %arg10[%get3A_121, %get3A_122] {strides = array<i32>} : memref<128x128xf32, #tpu.memory_space<vmem>>, vector<1x16xf32>,
        %get3A_124 = vector.shape_cast %get3A_123 : vector<1x16xf32> to vector<16xf32>
        %add3A_125 = arith.constant 64 : i32
        %add3A_126 = arith.addi %mul3A_49, %add3A_125 : i32
        %get3A_127 = arith.index_cast %add3A_126 : i32 to index
        %get3A_128 = tpu.vector_load %arg11[%get3A_127] {strides = array<i32>} : memref<16384xf32, #tpu.memory_space<vmem>>, vector<16xf32>,
        %get3A_129 = vector.shape_cast %get3A_128 : vector<16xf32> to vector<16xf32>
        %add3A_130 = arith.addf %get3A_124, %get3A_129 : vector<16xf32>
        %max3A_131 = arith.constant 0.000000e+00 : f32
        %max3A_132 = vector.broadcast %max3A_131 : f32 to vector<16xf32>
        %max3A_133 = arith.maximumf %add3A_130, %max3A_132 : vector<16xf32>
        %swap3A_134 = arith.index_cast %get3A_47 : i32 to index
        %swap3A_135 = arith.constant 64 : index
        %swap3A_136 = tpu.vector_load %arg10[%swap3A_134, %swap3A_135] {strides = array<i32>} : memref<128x128xf32, #tpu.memory_space<vmem>>, vector<1x16xf32>,
        %swap3A_137 = vector.shape_cast %swap3A_136 : vector<1x16xf32> to vector<16xf32>
        %swap3A_138 = vector.shape_cast %max3A_133 : vector<16xf32> to vector<1x16xf32>
        tpu.vector_store %arg10[%swap3A_134, %swap3A_135], %swap3A_138 {strides = array<i32>} : memref<128x128xf32, #tpu.memory_space<vmem>>, vector<1x16xf32>,
        %get3A_139 = arith.index_cast %get3A_47 : i32 to index
        %get3A_140 = arith.constant 80 : index
        %get3A_141 = tpu.vector_load %arg10[%get3A_139, %get3A_140] {strides = array<i32>} : memref<128x128xf32, #tpu.memory_space<vmem>>, vector<1x16xf32>,
        %get3A_142 = vector.shape_cast %get3A_141 : vector<1x16xf32> to vector<16xf32>
        %add3A_143 = arith.constant 80 : i32
        %add3A_144 = arith.addi %mul3A_49, %add3A_143 : i32
        %get3A_145 = arith.index_cast %add3A_144 : i32 to index
        %get3A_146 = tpu.vector_load %arg11[%get3A_145] {strides = array<i32>} : memref<16384xf32, #tpu.memory_space<vmem>>, vector<16xf32>,
        %get3A_147 = vector.shape_cast %get3A_146 : vector<16xf32> to vector<16xf32>
        %add3A_148 = arith.addf %get3A_142, %get3A_147 : vector<16xf32>
        %max3A_149 = arith.constant 0.000000e+00 : f32
        %max3A_150 = vector.broadcast %max3A_149 : f32 to vector<16xf32>
        %max3A_151 = arith.maximumf %add3A_148, %max3A_150 : vector<16xf32>
        %swap3A_152 = arith.index_cast %get3A_47 : i32 to index
        %swap3A_153 = arith.constant 80 : index
        %swap3A_154 = tpu.vector_load %arg10[%swap3A_152, %swap3A_153] {strides = array<i32>} : memref<128x128xf32, #tpu.memory_space<vmem>>, vector<1x16xf32>,
        %swap3A_155 = vector.shape_cast %swap3A_154 : vector<1x16xf32> to vector<16xf32>
        %swap3A_156 = vector.shape_cast %max3A_151 : vector<16xf32> to vector<1x16xf32>
        tpu.vector_store %arg10[%swap3A_152, %swap3A_153], %swap3A_156 {strides = array<i32>} : memref<128x128xf32, #tpu.memory_space<vmem>>, vector<1x16xf32>,
        %get3A_157 = arith.index_cast %get3A_47 : i32 to index
        %get3A_158 = arith.constant 96 : index
        %get3A_159 = tpu.vector_load %arg10[%get3A_157, %get3A_158] {strides = array<i32>} : memref<128x128xf32, #tpu.memory_space<vmem>>, vector<1x16xf32>,
        %get3A_160 = vector.shape_cast %get3A_159 : vector<1x16xf32> to vector<16xf32>
        %add3A_161 = arith.constant 96 : i32
        %add3A_162 = arith.addi %mul3A_49, %add3A_161 : i32
        %get3A_163 = arith.index_cast %add3A_162 : i32 to index
        %get3A_164 = tpu.vector_load %arg11[%get3A_163] {strides = array<i32>} : memref<16384xf32, #tpu.memory_space<vmem>>, vector<16xf32>,
        %get3A_165 = vector.shape_cast %get3A_164 : vector<16xf32> to vector<16xf32>
        %add3A_166 = arith.addf %get3A_160, %get3A_165 : vector<16xf32>
        %max3A_167 = arith.constant 0.000000e+00 : f32
        %max3A_168 = vector.broadcast %max3A_167 : f32 to vector<16xf32>
        %max3A_169 = arith.maximumf %add3A_166, %max3A_168 : vector<16xf32>
        %swap3A_170 = arith.index_cast %get3A_47 : i32 to index
        %swap3A_171 = arith.constant 96 : index
        %swap3A_172 = tpu.vector_load %arg10[%swap3A_170, %swap3A_171] {strides = array<i32>} : memref<128x128xf32, #tpu.memory_space<vmem>>, vector<1x16xf32>,
        %swap3A_173 = vector.shape_cast %swap3A_172 : vector<1x16xf32> to vector<16xf32>
        %swap3A_174 = vector.shape_cast %max3A_169 : vector<16xf32> to vector<1x16xf32>
        tpu.vector_store %arg10[%swap3A_170, %swap3A_171], %swap3A_174 {strides = array<i32>} : memref<128x128xf32, #tpu.memory_space<vmem>>, vector<1x16xf32>,
        %get3A_175 = arith.index_cast %get3A_47 : i32 to index
        %get3A_176 = arith.constant 112 : index
        %get3A_177 = tpu.vector_load %arg10[%get3A_175, %get3A_176] {strides = array<i32>} : memref<128x128xf32, #tpu.memory_space<vmem>>, vector<1x16xf32>,
        %get3A_178 = vector.shape_cast %get3A_177 : vector<1x16xf32> to vector<16xf32>
        %add3A_179 = arith.constant 112 : i32
        %add3A_180 = arith.addi %mul3A_49, %add3A_179 : i32
        %get3A_181 = arith.index_cast %add3A_180 : i32 to index
        %get3A_182 = tpu.vector_load %arg11[%get3A_181] {strides = array<i32>} : memref<16384xf32, #tpu.memory_space<vmem>>, vector<16xf32>,
        %get3A_183 = vector.shape_cast %get3A_182 : vector<16xf32> to vector<16xf32>
        %add3A_184 = arith.addf %get3A_178, %get3A_183 : vector<16xf32>
        %max3A_185 = arith.constant 0.000000e+00 : f32
        %max3A_186 = vector.broadcast %max3A_185 : f32 to vector<16xf32>
        %max3A_187 = arith.maximumf %add3A_184, %max3A_186 : vector<16xf32>
        %swap3A_188 = arith.index_cast %get3A_47 : i32 to index
        %swap3A_189 = arith.constant 112 : index
        %swap3A_190 = tpu.vector_load %arg10[%swap3A_188, %swap3A_189] {strides = array<i32>} : memref<128x128xf32, #tpu.memory_space<vmem>>, vector<1x16xf32>,
        %swap3A_191 = vector.shape_cast %swap3A_190 : vector<1x16xf32> to vector<16xf32>
        %swap3A_192 = vector.shape_cast %max3A_187 : vector<16xf32> to vector<1x16xf32>
        tpu.vector_store %arg10[%swap3A_188, %swap3A_189], %swap3A_192 {strides = array<i32>} : memref<128x128xf32, #tpu.memory_space<vmem>>, vector<1x16xf32>,
        %add3A_193 = arith.constant 1 : i32
        %add3A_194 = arith.addi %get3A_47, %add3A_193 : i32
        %swap3A_195 = arith.constant 1 : i64
        %swap3A_196 = arith.index_cast %swap3A_195 : i64 to index
        %swap3A_197 = memref.load %arg13[%swap3A_196] : memref<2xi32, #tpu.memory_space<smem>>
        memref.store %add3A_194, %arg13[%swap3A_196] : memref<2xi32, #tpu.memory_space<smem>>
      }
      %scan3A_38 = arith.constant 128 : i32
      "tpu.region"() ({
        %run_scoped3A = tpu.sem_alloc : memref<!tpu.dma_semaphore, #tpu.memory_space<semaphore_mem>>
        %dma_start3A_44 = arith.constant 0 : i32
        %dma_start3A_45 = arith.constant 0 : i32
        %dma_start3A_46 = tpu.memref_slice %arg12[%dma_start3A_44, %dma_start3A_45] : memref<10112x128xf32, #tpu.memory_space<vmem_shared>> -> memref<10112x128xf32, #tpu.memory_space<vmem_shared>>
        tpu.enqueue_indirect_dma source(%arg10 : memref<128x128xf32, #tpu.memory_space<vmem>>) target(%dma_start3A_46 : memref<10112x128xf32, #tpu.memory_space<vmem_shared>>) offsets(%arg9 : memref<128xi32, #tpu.memory_space<vmem>>) semaphore(%run_scoped3A : memref<!tpu.dma_semaphore, #tpu.memory_space<semaphore_mem>>) {add = true}
        %dma_wait3A_47 = arith.constant 0 : i32
        %dma_wait3A_48 = arith.constant 0 : i32
        %dma_wait3A_49 = tpu.memref_slice %arg12[%dma_wait3A_47, %dma_wait3A_48] : memref<10112x128xf32, #tpu.memory_space<vmem_shared>> -> memref<10112x128xf32, #tpu.memory_space<vmem_shared>>
        tpu.wait_indirect_dma semaphore(%run_scoped3A : memref<!tpu.dma_semaphore, #tpu.memory_space<semaphore_mem>>) src(%arg10 : memref<128x128xf32, #tpu.memory_space<vmem>>) dst(%dma_wait3A_49 : memref<10112x128xf32, #tpu.memory_space<vmem_shared>>)
        tpu.yield
      }) : () -> ()
      %add3A_39 = arith.constant 1 : i32
      %add3A_40 = arith.addi %get3A_19, %add3A_39 : i32
      %swap3A_41 = arith.constant 0 : i64
      %swap3A_42 = arith.index_cast %swap3A_41 : i64 to index
      %swap3A_43 = memref.load %arg13[%swap3A_42] : memref<2xi32, #tpu.memory_space<smem>>
      memref.store %add3A_40, %arg13[%swap3A_42] : memref<2xi32, #tpu.memory_space<smem>>
    }
    %scan3A_11 = arith.constant 80 : i32
    %barrier3A_12 = arith.constant 0 : index
    tpu.barrier barrier_id(%barrier3A_12)
    %mul3A_13 = arith.constant 632 : i32
    %mul3A_14 = arith.muli %arg1, %mul3A_13 : i32
    %mul3A_15 = arith.constant 632 : i32
    %mul3A_16 = arith.muli %arg1, %mul3A_15 : i32
    "tpu.region"() ({
      %run_scoped3A = tpu.sem_alloc : memref<!tpu.dma_semaphore, #tpu.memory_space<semaphore_mem>>
      %dma_start3A = arith.constant 0 : i32
      %dma_start3A_17 = tpu.memref_slice %arg7[%arg0, %mul3A_16, %dma_start3A] : memref<2x10112x128xf32, #tpu.memory_space<hbm>> -> memref<1x632x128xf32, #tpu.memory_space<hbm>>
      %dma_start3A_18 = tpu.memref_squeeze %dma_start3A_17 : memref<1x632x128xf32, #tpu.memory_space<hbm>> -> memref<632x128xf32, #tpu.memory_space<hbm>>
      %dma_start3A_19 = arith.constant 0 : i32
      %dma_start3A_20 = tpu.memref_slice %arg12[%mul3A_14, %dma_start3A_19] : memref<10112x128xf32, #tpu.memory_space<vmem_shared>> -> memref<632x128xf32, #tpu.memory_space<vmem_shared>>
      tpu.enqueue_dma source(%dma_start3A_20 : memref<632x128xf32, #tpu.memory_space<vmem_shared>>) target(%dma_start3A_18 : memref<632x128xf32, #tpu.memory_space<hbm>>) target_semaphore(%run_scoped3A : memref<!tpu.dma_semaphore, #tpu.memory_space<semaphore_mem>>)
      %dma_wait3A = arith.constant 0 : i32
      %dma_wait3A_21 = tpu.memref_slice %arg7[%arg0, %mul3A_16, %dma_wait3A] : memref<2x10112x128xf32, #tpu.memory_space<hbm>> -> memref<1x632x128xf32, #tpu.memory_space<hbm>>
      %dma_wait3A_22 = tpu.memref_squeeze %dma_wait3A_21 : memref<1x632x128xf32, #tpu.memory_space<hbm>> -> memref<632x128xf32, #tpu.memory_space<hbm>>
      %dma_wait3A_23 = arith.constant 0 : i32
      %dma_wait3A_24 = tpu.memref_slice %arg12[%mul3A_14, %dma_wait3A_23] : memref<10112x128xf32, #tpu.memory_space<vmem_shared>> -> memref<632x128xf32, #tpu.memory_space<vmem_shared>>
      tpu.wait_dma2 semaphore(%run_scoped3A : memref<!tpu.dma_semaphore, #tpu.memory_space<semaphore_mem>>) src(%dma_wait3A_24 : memref<632x128xf32, #tpu.memory_space<vmem_shared>>) dst(%dma_wait3A_22 : memref<632x128xf32, #tpu.memory_space<hbm>>)
      tpu.yield
    }) : () -> ()
    return
  }
}

#map = affine_map<(d0, d1) -> (0, 0)>
#map1 = affine_map<(d0, d1) -> (0)>
#map2 = affine_map<(d0, d1) -> (0, 0, 0)>
module attributes {stable_mosaic.version = 14 : i64} {
  func.func @_edge_sc(%arg0: i32, %arg1: i32, %arg2: memref<10000x128xf32, #tpu.memory_space<hbm>>, %arg3: memref<41943040xf32, #tpu.memory_space<hbm>>, %arg4: memref<327680xi32, #tpu.memory_space<hbm>>, %arg5: memref<327680xi32, #tpu.memory_space<hbm>>, %arg6: memref<632x128xf32, #tpu.memory_space<hbm>>, %arg7: memref<2x10112x128xf32, #tpu.memory_space<hbm>>, %arg8: memref<128xi32, #tpu.memory_space<vmem>>, %arg9: memref<128xi32, #tpu.memory_space<vmem>>, %arg10: memref<128x128xf32, #tpu.memory_space<vmem>>, %arg11: memref<16384xf32, #tpu.memory_space<vmem>>, %arg12: memref<10112x128xf32, #tpu.memory_space<vmem_shared>>, %arg13: memref<2xi32, #tpu.memory_space<smem>>, %arg14: memref<!tpu.dma_semaphore, #tpu.memory_space<semaphore_mem>>) attributes {dimension_semantics = [#tpu.dimension_semantics<core_parallel>, #tpu.dimension_semantics<subcore_parallel>], iteration_bounds = array<i64: 2, 16>, scalar_prefetch = 0 : i64, scratch_operands = 7 : i64, tpu.core_type = #tpu.core_type<sc_vector_subcore>, window_params = [{transform_indices = #map}, {transform_indices = #map1}, {transform_indices = #map1}, {transform_indices = #map1}, {transform_indices = #map}, {transform_indices = #map2}]} {
    %mul3A = arith.constant 16 : i32
    %mul3A_0 = arith.muli %arg0, %mul3A : i32
    %add3A = arith.addi %mul3A_0, %arg1 : i32
    %mul3A_1 = arith.constant 632 : i32
    %mul3A_2 = arith.muli %arg1, %mul3A_1 : i32
    "tpu.region"() ({
      %run_scoped3A = tpu.sem_alloc : memref<!tpu.dma_semaphore, #tpu.memory_space<semaphore_mem>>
      %dma_start3A = arith.constant 0 : i32
      %dma_start3A_17 = tpu.memref_slice %arg12[%mul3A_2, %dma_start3A] : memref<10112x128xf32, #tpu.memory_space<vmem_shared>> -> memref<632x128xf32, #tpu.memory_space<vmem_shared>>
      tpu.enqueue_dma source(%arg6 : memref<632x128xf32, #tpu.memory_space<hbm>>) target(%dma_start3A_17 : memref<632x128xf32, #tpu.memory_space<vmem_shared>>) target_semaphore(%run_scoped3A : memref<!tpu.dma_semaphore, #tpu.memory_space<semaphore_mem>>)
      %dma_wait3A = arith.constant 0 : i32
      %dma_wait3A_18 = tpu.memref_slice %arg12[%mul3A_2, %dma_wait3A] : memref<10112x128xf32, #tpu.memory_space<vmem_shared>> -> memref<632x128xf32, #tpu.memory_space<vmem_shared>>
      tpu.wait_dma2 semaphore(%run_scoped3A : memref<!tpu.dma_semaphore, #tpu.memory_space<semaphore_mem>>) src(%arg6 : memref<632x128xf32, #tpu.memory_space<hbm>>) dst(%dma_wait3A_18 : memref<632x128xf32, #tpu.memory_space<vmem_shared>>)
      tpu.yield
    }) : () -> ()
    %barrier3A = arith.constant 0 : index
    tpu.barrier barrier_id(%barrier3A)
    %mul3A_3 = arith.constant 80 : i32
    %mul3A_4 = arith.muli %add3A, %mul3A_3 : i32
    %swap3A = arith.constant 0 : i32
    %swap3A_5 = arith.constant 0 : i64
    %swap3A_6 = arith.index_cast %swap3A_5 : i64 to index
    %swap3A_7 = memref.load %arg13[%swap3A_6] : memref<2xi32, #tpu.memory_space<smem>>
    memref.store %swap3A, %arg13[%swap3A_6] : memref<2xi32, #tpu.memory_space<smem>>
    %scan3A = arith.constant 0 : i32
    %scan3A_8 = arith.constant 80 : i32
    %scan3A_9 = arith.addi %scan3A, %scan3A_8 : i32
    %scan3A_10 = arith.constant 1 : i32
    scf.for %scan3A_17 = %scan3A to %scan3A_9 step %scan3A_10  : i32 {
      %get3A = arith.constant 0 : i64
      %get3A_18 = arith.index_cast %get3A : i64 to index
      %get3A_19 = memref.load %arg13[%get3A_18] : memref<2xi32, #tpu.memory_space<smem>>
      %add3A_20 = arith.addi %mul3A_4, %get3A_19 : i32
      %mul3A_21 = arith.constant 128 : i32
      %mul3A_22 = arith.muli %add3A_20, %mul3A_21 : i32
      %multiple_of3A = tpu.assume_multiple %mul3A_22, 8 : i32
      "tpu.region"() ({
        %run_scoped3A = tpu.sem_alloc : memref<!tpu.dma_semaphore, #tpu.memory_space<semaphore_mem>>
        %dma_start3A_44 = tpu.memref_slice %arg4[%multiple_of3A] : memref<327680xi32, #tpu.memory_space<hbm>> -> memref<128xi32, #tpu.memory_space<hbm>>
        %dma_start3A_45 = tpu.memref_slice %arg4[%multiple_of3A] : memref<327680xi32, #tpu.memory_space<hbm>> -> memref<128xi32, #tpu.memory_space<hbm>>
        tpu.enqueue_dma source(%dma_start3A_45 : memref<128xi32, #tpu.memory_space<hbm>>) target(%arg8 : memref<128xi32, #tpu.memory_space<vmem>>) target_semaphore(%run_scoped3A : memref<!tpu.dma_semaphore, #tpu.memory_space<semaphore_mem>>)
        %dma_wait3A_46 = tpu.memref_slice %arg4[%multiple_of3A] : memref<327680xi32, #tpu.memory_space<hbm>> -> memref<128xi32, #tpu.memory_space<hbm>>
        %dma_wait3A_47 = tpu.memref_slice %arg4[%multiple_of3A] : memref<327680xi32, #tpu.memory_space<hbm>> -> memref<128xi32, #tpu.memory_space<hbm>>
        tpu.wait_dma2 semaphore(%run_scoped3A : memref<!tpu.dma_semaphore, #tpu.memory_space<semaphore_mem>>) src(%dma_wait3A_47 : memref<128xi32, #tpu.memory_space<hbm>>) dst(%arg8 : memref<128xi32, #tpu.memory_space<vmem>>)
        tpu.yield
      }) : () -> ()
      "tpu.region"() ({
        %run_scoped3A = tpu.sem_alloc : memref<!tpu.dma_semaphore, #tpu.memory_space<semaphore_mem>>
        %dma_start3A_44 = tpu.memref_slice %arg5[%multiple_of3A] : memref<327680xi32, #tpu.memory_space<hbm>> -> memref<128xi32, #tpu.memory_space<hbm>>
        %dma_start3A_45 = tpu.memref_slice %arg5[%multiple_of3A] : memref<327680xi32, #tpu.memory_space<hbm>> -> memref<128xi32, #tpu.memory_space<hbm>>
        tpu.enqueue_dma source(%dma_start3A_45 : memref<128xi32, #tpu.memory_space<hbm>>) target(%arg9 : memref<128xi32, #tpu.memory_space<vmem>>) target_semaphore(%run_scoped3A : memref<!tpu.dma_semaphore, #tpu.memory_space<semaphore_mem>>)
        %dma_wait3A_46 = tpu.memref_slice %arg5[%multiple_of3A] : memref<327680xi32, #tpu.memory_space<hbm>> -> memref<128xi32, #tpu.memory_space<hbm>>
        %dma_wait3A_47 = tpu.memref_slice %arg5[%multiple_of3A] : memref<327680xi32, #tpu.memory_space<hbm>> -> memref<128xi32, #tpu.memory_space<hbm>>
        tpu.wait_dma2 semaphore(%run_scoped3A : memref<!tpu.dma_semaphore, #tpu.memory_space<semaphore_mem>>) src(%dma_wait3A_47 : memref<128xi32, #tpu.memory_space<hbm>>) dst(%arg9 : memref<128xi32, #tpu.memory_space<vmem>>)
        tpu.yield
      }) : () -> ()
      %dma_start3A = arith.constant 0 : i32
      %dma_start3A_23 = arith.constant 0 : i32
      %dma_start3A_24 = tpu.memref_slice %arg2[%dma_start3A, %dma_start3A_23] : memref<10000x128xf32, #tpu.memory_space<hbm>> -> memref<10000x128xf32, #tpu.memory_space<hbm>>
      tpu.enqueue_indirect_dma source(%dma_start3A_24 : memref<10000x128xf32, #tpu.memory_space<hbm>>) target(%arg10 : memref<128x128xf32, #tpu.memory_space<vmem>>) offsets(%arg8 : memref<128xi32, #tpu.memory_space<vmem>>) semaphore(%arg14 : memref<!tpu.dma_semaphore, #tpu.memory_space<semaphore_mem>>)
      %dma_wait3A = arith.constant 0 : i32
      %dma_wait3A_25 = arith.constant 0 : i32
      %dma_wait3A_26 = tpu.memref_slice %arg2[%dma_wait3A, %dma_wait3A_25] : memref<10000x128xf32, #tpu.memory_space<hbm>> -> memref<10000x128xf32, #tpu.memory_space<hbm>>
      tpu.wait_indirect_dma semaphore(%arg14 : memref<!tpu.dma_semaphore, #tpu.memory_space<semaphore_mem>>) src(%dma_wait3A_26 : memref<10000x128xf32, #tpu.memory_space<hbm>>) dst(%arg10 : memref<128x128xf32, #tpu.memory_space<vmem>>)
      %mul3A_27 = arith.constant 16384 : i32
      %mul3A_28 = arith.muli %add3A_20, %mul3A_27 : i32
      %multiple_of3A_29 = tpu.assume_multiple %mul3A_28, 8 : i32
      "tpu.region"() ({
        %run_scoped3A = tpu.sem_alloc : memref<!tpu.dma_semaphore, #tpu.memory_space<semaphore_mem>>
        %dma_start3A_44 = tpu.memref_slice %arg3[%multiple_of3A_29] : memref<41943040xf32, #tpu.memory_space<hbm>> -> memref<16384xf32, #tpu.memory_space<hbm>>
        %dma_start3A_45 = tpu.memref_slice %arg3[%multiple_of3A_29] : memref<41943040xf32, #tpu.memory_space<hbm>> -> memref<16384xf32, #tpu.memory_space<hbm>>
        tpu.enqueue_dma source(%dma_start3A_45 : memref<16384xf32, #tpu.memory_space<hbm>>) target(%arg11 : memref<16384xf32, #tpu.memory_space<vmem>>) target_semaphore(%run_scoped3A : memref<!tpu.dma_semaphore, #tpu.memory_space<semaphore_mem>>)
        %dma_wait3A_46 = tpu.memref_slice %arg3[%multiple_of3A_29] : memref<41943040xf32, #tpu.memory_space<hbm>> -> memref<16384xf32, #tpu.memory_space<hbm>>
        %dma_wait3A_47 = tpu.memref_slice %arg3[%multiple_of3A_29] : memref<41943040xf32, #tpu.memory_space<hbm>> -> memref<16384xf32, #tpu.memory_space<hbm>>
        tpu.wait_dma2 semaphore(%run_scoped3A : memref<!tpu.dma_semaphore, #tpu.memory_space<semaphore_mem>>) src(%dma_wait3A_47 : memref<16384xf32, #tpu.memory_space<hbm>>) dst(%arg11 : memref<16384xf32, #tpu.memory_space<vmem>>)
        tpu.yield
      }) : () -> ()
      %swap3A_30 = arith.constant 0 : i32
      %swap3A_31 = arith.constant 1 : i64
      %swap3A_32 = arith.index_cast %swap3A_31 : i64 to index
      %swap3A_33 = memref.load %arg13[%swap3A_32] : memref<2xi32, #tpu.memory_space<smem>>
      memref.store %swap3A_30, %arg13[%swap3A_32] : memref<2xi32, #tpu.memory_space<smem>>
      %scan3A_34 = arith.constant 0 : i32
      %scan3A_35 = arith.constant 128 : i32
      %scan3A_36 = arith.addi %scan3A_34, %scan3A_35 : i32
      %scan3A_37 = arith.constant 1 : i32
      scf.for %scan3A_44 = %scan3A_34 to %scan3A_36 step %scan3A_37  : i32 {
        %get3A_45 = arith.constant 1 : i64
        %get3A_46 = arith.index_cast %get3A_45 : i64 to index
        %get3A_47 = memref.load %arg13[%get3A_46] : memref<2xi32, #tpu.memory_space<smem>>
        %mul3A_48 = arith.constant 128 : i32
        %mul3A_49 = arith.muli %get3A_47, %mul3A_48 : i32
        %get3A_50 = arith.index_cast %get3A_47 : i32 to index
        %get3A_51 = arith.constant 0 : index
        %get3A_52 = tpu.vector_load %arg10[%get3A_50, %get3A_51] {strides = array<i32>} : memref<128x128xf32, #tpu.memory_space<vmem>>, vector<1x16xf32>,
        %get3A_53 = vector.shape_cast %get3A_52 : vector<1x16xf32> to vector<16xf32>
        %add3A_54 = arith.constant 0 : i32
        %add3A_55 = arith.addi %mul3A_49, %add3A_54 : i32
        %get3A_56 = arith.index_cast %add3A_55 : i32 to index
        %get3A_57 = tpu.vector_load %arg11[%get3A_56] {strides = array<i32>} : memref<16384xf32, #tpu.memory_space<vmem>>, vector<16xf32>,
        %get3A_58 = vector.shape_cast %get3A_57 : vector<16xf32> to vector<16xf32>
        %add3A_59 = arith.addf %get3A_53, %get3A_58 : vector<16xf32>
        %max3A = arith.constant 0.000000e+00 : f32
        %max3A_60 = vector.broadcast %max3A : f32 to vector<16xf32>
        %max3A_61 = arith.maximumf %add3A_59, %max3A_60 : vector<16xf32>
        %swap3A_62 = arith.index_cast %get3A_47 : i32 to index
        %swap3A_63 = arith.constant 0 : index
        %swap3A_64 = tpu.vector_load %arg10[%swap3A_62, %swap3A_63] {strides = array<i32>} : memref<128x128xf32, #tpu.memory_space<vmem>>, vector<1x16xf32>,
        %swap3A_65 = vector.shape_cast %swap3A_64 : vector<1x16xf32> to vector<16xf32>
        %swap3A_66 = vector.shape_cast %max3A_61 : vector<16xf32> to vector<1x16xf32>
        tpu.vector_store %arg10[%swap3A_62, %swap3A_63], %swap3A_66 {strides = array<i32>} : memref<128x128xf32, #tpu.memory_space<vmem>>, vector<1x16xf32>,
        %get3A_67 = arith.index_cast %get3A_47 : i32 to index
        %get3A_68 = arith.constant 16 : index
        %get3A_69 = tpu.vector_load %arg10[%get3A_67, %get3A_68] {strides = array<i32>} : memref<128x128xf32, #tpu.memory_space<vmem>>, vector<1x16xf32>,
        %get3A_70 = vector.shape_cast %get3A_69 : vector<1x16xf32> to vector<16xf32>
        %add3A_71 = arith.constant 16 : i32
        %add3A_72 = arith.addi %mul3A_49, %add3A_71 : i32
        %get3A_73 = arith.index_cast %add3A_72 : i32 to index
        %get3A_74 = tpu.vector_load %arg11[%get3A_73] {strides = array<i32>} : memref<16384xf32, #tpu.memory_space<vmem>>, vector<16xf32>,
        %get3A_75 = vector.shape_cast %get3A_74 : vector<16xf32> to vector<16xf32>
        %add3A_76 = arith.addf %get3A_70, %get3A_75 : vector<16xf32>
        %max3A_77 = arith.constant 0.000000e+00 : f32
        %max3A_78 = vector.broadcast %max3A_77 : f32 to vector<16xf32>
        %max3A_79 = arith.maximumf %add3A_76, %max3A_78 : vector<16xf32>
        %swap3A_80 = arith.index_cast %get3A_47 : i32 to index
        %swap3A_81 = arith.constant 16 : index
        %swap3A_82 = tpu.vector_load %arg10[%swap3A_80, %swap3A_81] {strides = array<i32>} : memref<128x128xf32, #tpu.memory_space<vmem>>, vector<1x16xf32>,
        %swap3A_83 = vector.shape_cast %swap3A_82 : vector<1x16xf32> to vector<16xf32>
        %swap3A_84 = vector.shape_cast %max3A_79 : vector<16xf32> to vector<1x16xf32>
        tpu.vector_store %arg10[%swap3A_80, %swap3A_81], %swap3A_84 {strides = array<i32>} : memref<128x128xf32, #tpu.memory_space<vmem>>, vector<1x16xf32>,
        %get3A_85 = arith.index_cast %get3A_47 : i32 to index
        %get3A_86 = arith.constant 32 : index
        %get3A_87 = tpu.vector_load %arg10[%get3A_85, %get3A_86] {strides = array<i32>} : memref<128x128xf32, #tpu.memory_space<vmem>>, vector<1x16xf32>,
        %get3A_88 = vector.shape_cast %get3A_87 : vector<1x16xf32> to vector<16xf32>
        %add3A_89 = arith.constant 32 : i32
        %add3A_90 = arith.addi %mul3A_49, %add3A_89 : i32
        %get3A_91 = arith.index_cast %add3A_90 : i32 to index
        %get3A_92 = tpu.vector_load %arg11[%get3A_91] {strides = array<i32>} : memref<16384xf32, #tpu.memory_space<vmem>>, vector<16xf32>,
        %get3A_93 = vector.shape_cast %get3A_92 : vector<16xf32> to vector<16xf32>
        %add3A_94 = arith.addf %get3A_88, %get3A_93 : vector<16xf32>
        %max3A_95 = arith.constant 0.000000e+00 : f32
        %max3A_96 = vector.broadcast %max3A_95 : f32 to vector<16xf32>
        %max3A_97 = arith.maximumf %add3A_94, %max3A_96 : vector<16xf32>
        %swap3A_98 = arith.index_cast %get3A_47 : i32 to index
        %swap3A_99 = arith.constant 32 : index
        %swap3A_100 = tpu.vector_load %arg10[%swap3A_98, %swap3A_99] {strides = array<i32>} : memref<128x128xf32, #tpu.memory_space<vmem>>, vector<1x16xf32>,
        %swap3A_101 = vector.shape_cast %swap3A_100 : vector<1x16xf32> to vector<16xf32>
        %swap3A_102 = vector.shape_cast %max3A_97 : vector<16xf32> to vector<1x16xf32>
        tpu.vector_store %arg10[%swap3A_98, %swap3A_99], %swap3A_102 {strides = array<i32>} : memref<128x128xf32, #tpu.memory_space<vmem>>, vector<1x16xf32>,
        %get3A_103 = arith.index_cast %get3A_47 : i32 to index
        %get3A_104 = arith.constant 48 : index
        %get3A_105 = tpu.vector_load %arg10[%get3A_103, %get3A_104] {strides = array<i32>} : memref<128x128xf32, #tpu.memory_space<vmem>>, vector<1x16xf32>,
        %get3A_106 = vector.shape_cast %get3A_105 : vector<1x16xf32> to vector<16xf32>
        %add3A_107 = arith.constant 48 : i32
        %add3A_108 = arith.addi %mul3A_49, %add3A_107 : i32
        %get3A_109 = arith.index_cast %add3A_108 : i32 to index
        %get3A_110 = tpu.vector_load %arg11[%get3A_109] {strides = array<i32>} : memref<16384xf32, #tpu.memory_space<vmem>>, vector<16xf32>,
        %get3A_111 = vector.shape_cast %get3A_110 : vector<16xf32> to vector<16xf32>
        %add3A_112 = arith.addf %get3A_106, %get3A_111 : vector<16xf32>
        %max3A_113 = arith.constant 0.000000e+00 : f32
        %max3A_114 = vector.broadcast %max3A_113 : f32 to vector<16xf32>
        %max3A_115 = arith.maximumf %add3A_112, %max3A_114 : vector<16xf32>
        %swap3A_116 = arith.index_cast %get3A_47 : i32 to index
        %swap3A_117 = arith.constant 48 : index
        %swap3A_118 = tpu.vector_load %arg10[%swap3A_116, %swap3A_117] {strides = array<i32>} : memref<128x128xf32, #tpu.memory_space<vmem>>, vector<1x16xf32>,
        %swap3A_119 = vector.shape_cast %swap3A_118 : vector<1x16xf32> to vector<16xf32>
        %swap3A_120 = vector.shape_cast %max3A_115 : vector<16xf32> to vector<1x16xf32>
        tpu.vector_store %arg10[%swap3A_116, %swap3A_117], %swap3A_120 {strides = array<i32>} : memref<128x128xf32, #tpu.memory_space<vmem>>, vector<1x16xf32>,
        %get3A_121 = arith.index_cast %get3A_47 : i32 to index
        %get3A_122 = arith.constant 64 : index
        %get3A_123 = tpu.vector_load %arg10[%get3A_121, %get3A_122] {strides = array<i32>} : memref<128x128xf32, #tpu.memory_space<vmem>>, vector<1x16xf32>,
        %get3A_124 = vector.shape_cast %get3A_123 : vector<1x16xf32> to vector<16xf32>
        %add3A_125 = arith.constant 64 : i32
        %add3A_126 = arith.addi %mul3A_49, %add3A_125 : i32
        %get3A_127 = arith.index_cast %add3A_126 : i32 to index
        %get3A_128 = tpu.vector_load %arg11[%get3A_127] {strides = array<i32>} : memref<16384xf32, #tpu.memory_space<vmem>>, vector<16xf32>,
        %get3A_129 = vector.shape_cast %get3A_128 : vector<16xf32> to vector<16xf32>
        %add3A_130 = arith.addf %get3A_124, %get3A_129 : vector<16xf32>
        %max3A_131 = arith.constant 0.000000e+00 : f32
        %max3A_132 = vector.broadcast %max3A_131 : f32 to vector<16xf32>
        %max3A_133 = arith.maximumf %add3A_130, %max3A_132 : vector<16xf32>
        %swap3A_134 = arith.index_cast %get3A_47 : i32 to index
        %swap3A_135 = arith.constant 64 : index
        %swap3A_136 = tpu.vector_load %arg10[%swap3A_134, %swap3A_135] {strides = array<i32>} : memref<128x128xf32, #tpu.memory_space<vmem>>, vector<1x16xf32>,
        %swap3A_137 = vector.shape_cast %swap3A_136 : vector<1x16xf32> to vector<16xf32>
        %swap3A_138 = vector.shape_cast %max3A_133 : vector<16xf32> to vector<1x16xf32>
        tpu.vector_store %arg10[%swap3A_134, %swap3A_135], %swap3A_138 {strides = array<i32>} : memref<128x128xf32, #tpu.memory_space<vmem>>, vector<1x16xf32>,
        %get3A_139 = arith.index_cast %get3A_47 : i32 to index
        %get3A_140 = arith.constant 80 : index
        %get3A_141 = tpu.vector_load %arg10[%get3A_139, %get3A_140] {strides = array<i32>} : memref<128x128xf32, #tpu.memory_space<vmem>>, vector<1x16xf32>,
        %get3A_142 = vector.shape_cast %get3A_141 : vector<1x16xf32> to vector<16xf32>
        %add3A_143 = arith.constant 80 : i32
        %add3A_144 = arith.addi %mul3A_49, %add3A_143 : i32
        %get3A_145 = arith.index_cast %add3A_144 : i32 to index
        %get3A_146 = tpu.vector_load %arg11[%get3A_145] {strides = array<i32>} : memref<16384xf32, #tpu.memory_space<vmem>>, vector<16xf32>,
        %get3A_147 = vector.shape_cast %get3A_146 : vector<16xf32> to vector<16xf32>
        %add3A_148 = arith.addf %get3A_142, %get3A_147 : vector<16xf32>
        %max3A_149 = arith.constant 0.000000e+00 : f32
        %max3A_150 = vector.broadcast %max3A_149 : f32 to vector<16xf32>
        %max3A_151 = arith.maximumf %add3A_148, %max3A_150 : vector<16xf32>
        %swap3A_152 = arith.index_cast %get3A_47 : i32 to index
        %swap3A_153 = arith.constant 80 : index
        %swap3A_154 = tpu.vector_load %arg10[%swap3A_152, %swap3A_153] {strides = array<i32>} : memref<128x128xf32, #tpu.memory_space<vmem>>, vector<1x16xf32>,
        %swap3A_155 = vector.shape_cast %swap3A_154 : vector<1x16xf32> to vector<16xf32>
        %swap3A_156 = vector.shape_cast %max3A_151 : vector<16xf32> to vector<1x16xf32>
        tpu.vector_store %arg10[%swap3A_152, %swap3A_153], %swap3A_156 {strides = array<i32>} : memref<128x128xf32, #tpu.memory_space<vmem>>, vector<1x16xf32>,
        %get3A_157 = arith.index_cast %get3A_47 : i32 to index
        %get3A_158 = arith.constant 96 : index
        %get3A_159 = tpu.vector_load %arg10[%get3A_157, %get3A_158] {strides = array<i32>} : memref<128x128xf32, #tpu.memory_space<vmem>>, vector<1x16xf32>,
        %get3A_160 = vector.shape_cast %get3A_159 : vector<1x16xf32> to vector<16xf32>
        %add3A_161 = arith.constant 96 : i32
        %add3A_162 = arith.addi %mul3A_49, %add3A_161 : i32
        %get3A_163 = arith.index_cast %add3A_162 : i32 to index
        %get3A_164 = tpu.vector_load %arg11[%get3A_163] {strides = array<i32>} : memref<16384xf32, #tpu.memory_space<vmem>>, vector<16xf32>,
        %get3A_165 = vector.shape_cast %get3A_164 : vector<16xf32> to vector<16xf32>
        %add3A_166 = arith.addf %get3A_160, %get3A_165 : vector<16xf32>
        %max3A_167 = arith.constant 0.000000e+00 : f32
        %max3A_168 = vector.broadcast %max3A_167 : f32 to vector<16xf32>
        %max3A_169 = arith.maximumf %add3A_166, %max3A_168 : vector<16xf32>
        %swap3A_170 = arith.index_cast %get3A_47 : i32 to index
        %swap3A_171 = arith.constant 96 : index
        %swap3A_172 = tpu.vector_load %arg10[%swap3A_170, %swap3A_171] {strides = array<i32>} : memref<128x128xf32, #tpu.memory_space<vmem>>, vector<1x16xf32>,
        %swap3A_173 = vector.shape_cast %swap3A_172 : vector<1x16xf32> to vector<16xf32>
        %swap3A_174 = vector.shape_cast %max3A_169 : vector<16xf32> to vector<1x16xf32>
        tpu.vector_store %arg10[%swap3A_170, %swap3A_171], %swap3A_174 {strides = array<i32>} : memref<128x128xf32, #tpu.memory_space<vmem>>, vector<1x16xf32>,
        %get3A_175 = arith.index_cast %get3A_47 : i32 to index
        %get3A_176 = arith.constant 112 : index
        %get3A_177 = tpu.vector_load %arg10[%get3A_175, %get3A_176] {strides = array<i32>} : memref<128x128xf32, #tpu.memory_space<vmem>>, vector<1x16xf32>,
        %get3A_178 = vector.shape_cast %get3A_177 : vector<1x16xf32> to vector<16xf32>
        %add3A_179 = arith.constant 112 : i32
        %add3A_180 = arith.addi %mul3A_49, %add3A_179 : i32
        %get3A_181 = arith.index_cast %add3A_180 : i32 to index
        %get3A_182 = tpu.vector_load %arg11[%get3A_181] {strides = array<i32>} : memref<16384xf32, #tpu.memory_space<vmem>>, vector<16xf32>,
        %get3A_183 = vector.shape_cast %get3A_182 : vector<16xf32> to vector<16xf32>
        %add3A_184 = arith.addf %get3A_178, %get3A_183 : vector<16xf32>
        %max3A_185 = arith.constant 0.000000e+00 : f32
        %max3A_186 = vector.broadcast %max3A_185 : f32 to vector<16xf32>
        %max3A_187 = arith.maximumf %add3A_184, %max3A_186 : vector<16xf32>
        %swap3A_188 = arith.index_cast %get3A_47 : i32 to index
        %swap3A_189 = arith.constant 112 : index
        %swap3A_190 = tpu.vector_load %arg10[%swap3A_188, %swap3A_189] {strides = array<i32>} : memref<128x128xf32, #tpu.memory_space<vmem>>, vector<1x16xf32>,
        %swap3A_191 = vector.shape_cast %swap3A_190 : vector<1x16xf32> to vector<16xf32>
        %swap3A_192 = vector.shape_cast %max3A_187 : vector<16xf32> to vector<1x16xf32>
        tpu.vector_store %arg10[%swap3A_188, %swap3A_189], %swap3A_192 {strides = array<i32>} : memref<128x128xf32, #tpu.memory_space<vmem>>, vector<1x16xf32>,
        %add3A_193 = arith.constant 1 : i32
        %add3A_194 = arith.addi %get3A_47, %add3A_193 : i32
        %swap3A_195 = arith.constant 1 : i64
        %swap3A_196 = arith.index_cast %swap3A_195 : i64 to index
        %swap3A_197 = memref.load %arg13[%swap3A_196] : memref<2xi32, #tpu.memory_space<smem>>
        memref.store %add3A_194, %arg13[%swap3A_196] : memref<2xi32, #tpu.memory_space<smem>>
      }
      %scan3A_38 = arith.constant 128 : i32
      "tpu.region"() ({
        %run_scoped3A = tpu.sem_alloc : memref<!tpu.dma_semaphore, #tpu.memory_space<semaphore_mem>>
        %dma_start3A_44 = arith.constant 0 : i32
        %dma_start3A_45 = arith.constant 0 : i32
        %dma_start3A_46 = tpu.memref_slice %arg12[%dma_start3A_44, %dma_start3A_45] : memref<10112x128xf32, #tpu.memory_space<vmem_shared>> -> memref<10112x128xf32, #tpu.memory_space<vmem_shared>>
        tpu.enqueue_indirect_dma source(%arg10 : memref<128x128xf32, #tpu.memory_space<vmem>>) target(%dma_start3A_46 : memref<10112x128xf32, #tpu.memory_space<vmem_shared>>) offsets(%arg9 : memref<128xi32, #tpu.memory_space<vmem>>) semaphore(%run_scoped3A : memref<!tpu.dma_semaphore, #tpu.memory_space<semaphore_mem>>) {add = true}
        %dma_wait3A_47 = arith.constant 0 : i32
        %dma_wait3A_48 = arith.constant 0 : i32
        %dma_wait3A_49 = tpu.memref_slice %arg12[%dma_wait3A_47, %dma_wait3A_48] : memref<10112x128xf32, #tpu.memory_space<vmem_shared>> -> memref<10112x128xf32, #tpu.memory_space<vmem_shared>>
        tpu.wait_indirect_dma semaphore(%run_scoped3A : memref<!tpu.dma_semaphore, #tpu.memory_space<semaphore_mem>>) src(%arg10 : memref<128x128xf32, #tpu.memory_space<vmem>>) dst(%dma_wait3A_49 : memref<10112x128xf32, #tpu.memory_space<vmem_shared>>)
        tpu.yield
      }) : () -> ()
      %add3A_39 = arith.constant 1 : i32
      %add3A_40 = arith.addi %get3A_19, %add3A_39 : i32
      %swap3A_41 = arith.constant 0 : i64
      %swap3A_42 = arith.index_cast %swap3A_41 : i64 to index
      %swap3A_43 = memref.load %arg13[%swap3A_42] : memref<2xi32, #tpu.memory_space<smem>>
      memref.store %add3A_40, %arg13[%swap3A_42] : memref<2xi32, #tpu.memory_space<smem>>
    }
    %scan3A_11 = arith.constant 80 : i32
    %barrier3A_12 = arith.constant 0 : index
    tpu.barrier barrier_id(%barrier3A_12)
    %mul3A_13 = arith.constant 632 : i32
    %mul3A_14 = arith.muli %arg1, %mul3A_13 : i32
    %mul3A_15 = arith.constant 632 : i32
    %mul3A_16 = arith.muli %arg1, %mul3A_15 : i32
    "tpu.region"() ({
      %run_scoped3A = tpu.sem_alloc : memref<!tpu.dma_semaphore, #tpu.memory_space<semaphore_mem>>
      %dma_start3A = arith.constant 0 : i32
      %dma_start3A_17 = tpu.memref_slice %arg7[%arg0, %mul3A_16, %dma_start3A] : memref<2x10112x128xf32, #tpu.memory_space<hbm>> -> memref<1x632x128xf32, #tpu.memory_space<hbm>>
      %dma_start3A_18 = tpu.memref_squeeze %dma_start3A_17 : memref<1x632x128xf32, #tpu.memory_space<hbm>> -> memref<632x128xf32, #tpu.memory_space<hbm>>
      %dma_start3A_19 = arith.constant 0 : i32
      %dma_start3A_20 = tpu.memref_slice %arg12[%mul3A_14, %dma_start3A_19] : memref<10112x128xf32, #tpu.memory_space<vmem_shared>> -> memref<632x128xf32, #tpu.memory_space<vmem_shared>>
      tpu.enqueue_dma source(%dma_start3A_20 : memref<632x128xf32, #tpu.memory_space<vmem_shared>>) target(%dma_start3A_18 : memref<632x128xf32, #tpu.memory_space<hbm>>) target_semaphore(%run_scoped3A : memref<!tpu.dma_semaphore, #tpu.memory_space<semaphore_mem>>)
      %dma_wait3A = arith.constant 0 : i32
      %dma_wait3A_21 = tpu.memref_slice %arg7[%arg0, %mul3A_16, %dma_wait3A] : memref<2x10112x128xf32, #tpu.memory_space<hbm>> -> memref<1x632x128xf32, #tpu.memory_space<hbm>>
      %dma_wait3A_22 = tpu.memref_squeeze %dma_wait3A_21 : memref<1x632x128xf32, #tpu.memory_space<hbm>> -> memref<632x128xf32, #tpu.memory_space<hbm>>
      %dma_wait3A_23 = arith.constant 0 : i32
      %dma_wait3A_24 = tpu.memref_slice %arg12[%mul3A_14, %dma_wait3A_23] : memref<10112x128xf32, #tpu.memory_space<vmem_shared>> -> memref<632x128xf32, #tpu.memory_space<vmem_shared>>
      tpu.wait_dma2 semaphore(%run_scoped3A : memref<!tpu.dma_semaphore, #tpu.memory_space<semaphore_mem>>) src(%dma_wait3A_24 : memref<632x128xf32, #tpu.memory_space<vmem_shared>>) dst(%dma_wait3A_22 : memref<632x128xf32, #tpu.memory_space<hbm>>)
      tpu.yield
    }) : () -> ()
    return
  }
}

module attributes {stable_mosaic.version = 14 : i64} {
  func.func @_edge_ew_body(%arg0: i32, %arg1: memref<512x16xf32, #tpu.memory_space<vmem>>, %arg2: memref<16x128xf32, #tpu.memory_space<vmem>>, %arg3: memref<1x128xf32, #tpu.memory_space<vmem>>, %arg4: memref<3x128x128xf32, #tpu.memory_space<vmem>>, %arg5: memref<3x1x128xf32, #tpu.memory_space<vmem>>, %arg6: memref<3x512x128xf32, #tpu.memory_space<vmem>>) attributes {dimension_semantics = [#tpu.dimension_semantics<arbitrary>], iteration_bounds = array<i64: 640>, scalar_prefetch = 0 : i64, scratch_operands = 0 : i64, tpu.core_type = #tpu.core_type<tc>, window_params = [{transform_indices = @transform_0, window_bounds = array<i64: 512, 16>}, {pipeline_mode = #tpu.pipeline_mode<synchronous>, transform_indices = @transform_1, window_bounds = array<i64: 16, 128>}, {pipeline_mode = #tpu.pipeline_mode<synchronous>, transform_indices = @transform_2, window_bounds = array<i64: 1, 128>}, {pipeline_mode = #tpu.pipeline_mode<synchronous>, transform_indices = @transform_3, window_bounds = array<i64: 3, 128, 128>}, {pipeline_mode = #tpu.pipeline_mode<synchronous>, transform_indices = @transform_4, window_bounds = array<i64: 3, 1, 128>}, {transform_indices = @transform_5, window_bounds = array<i64: 3, 512, 128>}]} {
    %get3A = arith.constant 0 : index
    %get3A_0 = arith.constant 0 : index
    %get3A_1 = vector.load %arg1[%get3A, %get3A_0] : memref<512x16xf32, #tpu.memory_space<vmem>>, vector<512x16xf32>
    %get3A_2 = arith.constant 0 : index
    %get3A_3 = arith.constant 0 : index
    %get3A_4 = vector.load %arg2[%get3A_2, %get3A_3] : memref<16x128xf32, #tpu.memory_space<vmem>>, vector<16x128xf32>
    %dot_general3A = arith.constant dense<0.000000e+00> : vector<512x128xf32>
    %dot_general3A_5 = tpu.matmul %get3A_1, %get3A_4, %dot_general3A {dimension_numbers = #tpu.dot_dimension_numbers<[1], [0], [0], [1], [0, 0, 1, 1], [], []>, precision = #tpu.contract_precision<fp32>, transpose_lhs_hint = false} : vector<512x16xf32>, vector<16x128xf32>, vector<512x128xf32> -> vector<512x128xf32>
    %get3A_6 = arith.constant 0 : index
    %get3A_7 = arith.constant 0 : index
    %get3A_8 = vector.load %arg3[%get3A_6, %get3A_7] : memref<1x128xf32, #tpu.memory_space<vmem>>, vector<1x128xf32>
    %add3A = vector.broadcast %get3A_8 : vector<1x128xf32> to vector<512x128xf32>
    %add3A_9 = arith.addf %dot_general3A_5, %add3A : vector<512x128xf32>
    %max3A = arith.constant 0.000000e+00 : f32
    %max3A_10 = vector.broadcast %max3A : f32 to vector<512x128xf32>
    %max3A_11 = arith.maximumf %add3A_9, %max3A_10 : vector<512x128xf32>
    %get3A_12 = arith.constant 0 : index
    %get3A_13 = arith.constant 0 : index
    %get3A_14 = arith.constant 0 : index
    %get3A_15 = vector.load %arg4[%get3A_12, %get3A_13, %get3A_14] : memref<3x128x128xf32, #tpu.memory_space<vmem>>, vector<1x128x128xf32>
    %get3A_16 = vector.shape_cast %get3A_15 : vector<1x128x128xf32> to vector<128x128xf32>
    %dot_general3A_17 = arith.constant dense<0.000000e+00> : vector<512x128xf32>
    %dot_general3A_18 = tpu.matmul %max3A_11, %get3A_16, %dot_general3A_17 {dimension_numbers = #tpu.dot_dimension_numbers<[1], [0], [0], [1], [0, 0, 1, 1], [], []>, precision = #tpu.contract_precision<fp32>, transpose_lhs_hint = false} : vector<512x128xf32>, vector<128x128xf32>, vector<512x128xf32> -> vector<512x128xf32>
    %get3A_19 = arith.constant 0 : index
    %get3A_20 = arith.constant 0 : index
    %get3A_21 = arith.constant 0 : index
    %get3A_22 = vector.load %arg5[%get3A_19, %get3A_20, %get3A_21] : memref<3x1x128xf32, #tpu.memory_space<vmem>>, vector<1x1x128xf32>
    %get3A_23 = vector.shape_cast %get3A_22 : vector<1x1x128xf32> to vector<1x128xf32>
    %add3A_24 = vector.broadcast %get3A_23 : vector<1x128xf32> to vector<512x128xf32>
    %add3A_25 = arith.addf %dot_general3A_18, %add3A_24 : vector<512x128xf32>
    %swap3A = arith.constant 0 : index
    %swap3A_26 = arith.constant 0 : index
    %swap3A_27 = arith.constant 0 : index
    %swap3A_28 = vector.load %arg6[%swap3A, %swap3A_26, %swap3A_27] : memref<3x512x128xf32, #tpu.memory_space<vmem>>, vector<1x512x128xf32>
    %swap3A_29 = vector.shape_cast %swap3A_28 : vector<1x512x128xf32> to vector<512x128xf32>
    %swap3A_30 = vector.shape_cast %add3A_25 : vector<512x128xf32> to vector<1x512x128xf32>
    tpu.vector_store %arg6[%swap3A, %swap3A_26, %swap3A_27], %swap3A_30 {strides = array<i32>} : memref<3x512x128xf32, #tpu.memory_space<vmem>>, vector<1x512x128xf32>,
    %get3A_31 = arith.constant 1 : index
    %get3A_32 = arith.constant 0 : index
    %get3A_33 = arith.constant 0 : index
    %get3A_34 = vector.load %arg4[%get3A_31, %get3A_32, %get3A_33] : memref<3x128x128xf32, #tpu.memory_space<vmem>>, vector<1x128x128xf32>
    %get3A_35 = vector.shape_cast %get3A_34 : vector<1x128x128xf32> to vector<128x128xf32>
    %dot_general3A_36 = arith.constant dense<0.000000e+00> : vector<512x128xf32>
    %dot_general3A_37 = tpu.matmul %max3A_11, %get3A_35, %dot_general3A_36 {dimension_numbers = #tpu.dot_dimension_numbers<[1], [0], [0], [1], [0, 0, 1, 1], [], []>, precision = #tpu.contract_precision<fp32>, transpose_lhs_hint = false} : vector<512x128xf32>, vector<128x128xf32>, vector<512x128xf32> -> vector<512x128xf32>
    %get3A_38 = arith.constant 1 : index
    %get3A_39 = arith.constant 0 : index
    %get3A_40 = arith.constant 0 : index
    %get3A_41 = vector.load %arg5[%get3A_38, %get3A_39, %get3A_40] : memref<3x1x128xf32, #tpu.memory_space<vmem>>, vector<1x1x128xf32>
    %get3A_42 = vector.shape_cast %get3A_41 : vector<1x1x128xf32> to vector<1x128xf32>
    %add3A_43 = vector.broadcast %get3A_42 : vector<1x128xf32> to vector<512x128xf32>
    %add3A_44 = arith.addf %dot_general3A_37, %add3A_43 : vector<512x128xf32>
    %swap3A_45 = arith.constant 1 : index
    %swap3A_46 = arith.constant 0 : index
    %swap3A_47 = arith.constant 0 : index
    %swap3A_48 = vector.load %arg6[%swap3A_45, %swap3A_46, %swap3A_47] : memref<3x512x128xf32, #tpu.memory_space<vmem>>, vector<1x512x128xf32>
    %swap3A_49 = vector.shape_cast %swap3A_48 : vector<1x512x128xf32> to vector<512x128xf32>
    %swap3A_50 = vector.shape_cast %add3A_44 : vector<512x128xf32> to vector<1x512x128xf32>
    tpu.vector_store %arg6[%swap3A_45, %swap3A_46, %swap3A_47], %swap3A_50 {strides = array<i32>} : memref<3x512x128xf32, #tpu.memory_space<vmem>>, vector<1x512x128xf32>,
    %get3A_51 = arith.constant 2 : index
    %get3A_52 = arith.constant 0 : index
    %get3A_53 = arith.constant 0 : index
    %get3A_54 = vector.load %arg4[%get3A_51, %get3A_52, %get3A_53] : memref<3x128x128xf32, #tpu.memory_space<vmem>>, vector<1x128x128xf32>
    %get3A_55 = vector.shape_cast %get3A_54 : vector<1x128x128xf32> to vector<128x128xf32>
    %dot_general3A_56 = arith.constant dense<0.000000e+00> : vector<512x128xf32>
    %dot_general3A_57 = tpu.matmul %max3A_11, %get3A_55, %dot_general3A_56 {dimension_numbers = #tpu.dot_dimension_numbers<[1], [0], [0], [1], [0, 0, 1, 1], [], []>, precision = #tpu.contract_precision<fp32>, transpose_lhs_hint = false} : vector<512x128xf32>, vector<128x128xf32>, vector<512x128xf32> -> vector<512x128xf32>
    %get3A_58 = arith.constant 2 : index
    %get3A_59 = arith.constant 0 : index
    %get3A_60 = arith.constant 0 : index
    %get3A_61 = vector.load %arg5[%get3A_58, %get3A_59, %get3A_60] : memref<3x1x128xf32, #tpu.memory_space<vmem>>, vector<1x1x128xf32>
    %get3A_62 = vector.shape_cast %get3A_61 : vector<1x1x128xf32> to vector<1x128xf32>
    %add3A_63 = vector.broadcast %get3A_62 : vector<1x128xf32> to vector<512x128xf32>
    %add3A_64 = arith.addf %dot_general3A_57, %add3A_63 : vector<512x128xf32>
    %swap3A_65 = arith.constant 2 : index
    %swap3A_66 = arith.constant 0 : index
    %swap3A_67 = arith.constant 0 : index
    %swap3A_68 = vector.load %arg6[%swap3A_65, %swap3A_66, %swap3A_67] : memref<3x512x128xf32, #tpu.memory_space<vmem>>, vector<1x512x128xf32>
    %swap3A_69 = vector.shape_cast %swap3A_68 : vector<1x512x128xf32> to vector<512x128xf32>
    %swap3A_70 = vector.shape_cast %add3A_64 : vector<512x128xf32> to vector<1x512x128xf32>
    tpu.vector_store %arg6[%swap3A_65, %swap3A_66, %swap3A_67], %swap3A_70 {strides = array<i32>} : memref<3x512x128xf32, #tpu.memory_space<vmem>>, vector<1x512x128xf32>,
    return
  }
  func.func @transform_0(%arg0: i32) -> (i32, i32) {
    %c0_i32 = arith.constant 0 : i32
    %c0_i32_0 = arith.constant 0 : i32
    return %arg0, %c0_i32 : i32, i32
  }
  func.func @transform_1(%arg0: i32) -> (i32, i32) {
    %c0_i32 = arith.constant 0 : i32
    %c0_i32_0 = arith.constant 0 : i32
    %c0_i32_1 = arith.constant 0 : i32
    return %c0_i32, %c0_i32_0 : i32, i32
  }
  func.func @transform_2(%arg0: i32) -> (i32, i32) {
    %c0_i32 = arith.constant 0 : i32
    %c0_i32_0 = arith.constant 0 : i32
    %c0_i32_1 = arith.constant 0 : i32
    return %c0_i32, %c0_i32_0 : i32, i32
  }
  func.func @transform_3(%arg0: i32) -> (i32, i32, i32) {
    %c0_i32 = arith.constant 0 : i32
    %c0_i32_0 = arith.constant 0 : i32
    %c0_i32_1 = arith.constant 0 : i32
    %c0_i32_2 = arith.constant 0 : i32
    return %c0_i32, %c0_i32_0, %c0_i32_1 : i32, i32, i32
  }
  func.func @transform_4(%arg0: i32) -> (i32, i32, i32) {
    %c0_i32 = arith.constant 0 : i32
    %c0_i32_0 = arith.constant 0 : i32
    %c0_i32_1 = arith.constant 0 : i32
    %c0_i32_2 = arith.constant 0 : i32
    return %c0_i32, %c0_i32_0, %c0_i32_1 : i32, i32, i32
  }
  func.func @transform_5(%arg0: i32) -> (i32, i32, i32) {
    %c0_i32 = arith.constant 0 : i32
    %c0_i32_0 = arith.constant 0 : i32
    %c0_i32_1 = arith.constant 0 : i32
    return %c0_i32, %arg0, %c0_i32_0 : i32, i32, i32
  }
}

module attributes {stable_mosaic.version = 14 : i64} {
  func.func @_embed_body(%arg0: i32, %arg1: memref<2000x128xf32, #tpu.memory_space<vmem>>, %arg2: memref<128x128xf32, #tpu.memory_space<vmem>>, %arg3: memref<1x128xf32, #tpu.memory_space<vmem>>, %arg4: memref<128x128xf32, #tpu.memory_space<vmem>>, %arg5: memref<2000x128xf32, #tpu.memory_space<vmem>>, %arg6: memref<2000x128xf32, #tpu.memory_space<vmem>>) attributes {dimension_semantics = [#tpu.dimension_semantics<arbitrary>], iteration_bounds = array<i64: 5>, scalar_prefetch = 0 : i64, scratch_operands = 0 : i64, tpu.core_type = #tpu.core_type<tc>, window_params = [{transform_indices = @transform_0, window_bounds = array<i64: 2000, 128>}, {pipeline_mode = #tpu.pipeline_mode<synchronous>, transform_indices = @transform_1, window_bounds = array<i64: 128, 128>}, {pipeline_mode = #tpu.pipeline_mode<synchronous>, transform_indices = @transform_2, window_bounds = array<i64: 1, 128>}, {pipeline_mode = #tpu.pipeline_mode<synchronous>, transform_indices = @transform_3, window_bounds = array<i64: 128, 128>}, {transform_indices = @transform_4, window_bounds = array<i64: 2000, 128>}, {transform_indices = @transform_5, window_bounds = array<i64: 2000, 128>}]} {
    %get3A = arith.constant 0 : index
    %get3A_0 = arith.constant 0 : index
    %get3A_1 = vector.load %arg1[%get3A, %get3A_0] : memref<2000x128xf32, #tpu.memory_space<vmem>>, vector<2000x128xf32>
    %get3A_2 = arith.constant 0 : index
    %get3A_3 = arith.constant 0 : index
    %get3A_4 = vector.load %arg2[%get3A_2, %get3A_3] : memref<128x128xf32, #tpu.memory_space<vmem>>, vector<128x128xf32>
    %dot_general3A = arith.constant dense<0.000000e+00> : vector<2000x128xf32>
    %dot_general3A_5 = tpu.matmul %get3A_1, %get3A_4, %dot_general3A {dimension_numbers = #tpu.dot_dimension_numbers<[1], [0], [0], [1], [0, 0, 1, 1], [], []>, precision = #tpu.contract_precision<fp32>, transpose_lhs_hint = false} : vector<2000x128xf32>, vector<128x128xf32>, vector<2000x128xf32> -> vector<2000x128xf32>
    %get3A_6 = arith.constant 0 : index
    %get3A_7 = arith.constant 0 : index
    %get3A_8 = vector.load %arg3[%get3A_6, %get3A_7] : memref<1x128xf32, #tpu.memory_space<vmem>>, vector<1x128xf32>
    %add3A = vector.broadcast %get3A_8 : vector<1x128xf32> to vector<2000x128xf32>
    %add3A_9 = arith.addf %dot_general3A_5, %add3A : vector<2000x128xf32>
    %max3A = arith.constant 0.000000e+00 : f32
    %max3A_10 = vector.broadcast %max3A : f32 to vector<2000x128xf32>
    %max3A_11 = arith.maximumf %add3A_9, %max3A_10 : vector<2000x128xf32>
    %swap3A = arith.constant 0 : index
    %swap3A_12 = arith.constant 0 : index
    %swap3A_13 = vector.load %arg5[%swap3A, %swap3A_12] : memref<2000x128xf32, #tpu.memory_space<vmem>>, vector<2000x128xf32>
    tpu.vector_store %arg5[%swap3A, %swap3A_12], %max3A_11 {strides = array<i32>} : memref<2000x128xf32, #tpu.memory_space<vmem>>, vector<2000x128xf32>,
    %get3A_14 = arith.constant 0 : index
    %get3A_15 = arith.constant 0 : index
    %get3A_16 = vector.load %arg4[%get3A_14, %get3A_15] : memref<128x128xf32, #tpu.memory_space<vmem>>, vector<128x128xf32>
    %dot_general3A_17 = arith.constant dense<0.000000e+00> : vector<2000x128xf32>
    %dot_general3A_18 = tpu.matmul %max3A_11, %get3A_16, %dot_general3A_17 {dimension_numbers = #tpu.dot_dimension_numbers<[1], [0], [0], [1], [0, 0, 1, 1], [], []>, precision = #tpu.contract_precision<fp32>, transpose_lhs_hint = false} : vector<2000x128xf32>, vector<128x128xf32>, vector<2000x128xf32> -> vector<2000x128xf32>
    %swap3A_19 = arith.constant 0 : index
    %swap3A_20 = arith.constant 0 : index
    %swap3A_21 = vector.load %arg6[%swap3A_19, %swap3A_20] : memref<2000x128xf32, #tpu.memory_space<vmem>>, vector<2000x128xf32>
    tpu.vector_store %arg6[%swap3A_19, %swap3A_20], %dot_general3A_18 {strides = array<i32>} : memref<2000x128xf32, #tpu.memory_space<vmem>>, vector<2000x128xf32>,
    return
  }
  func.func @transform_0(%arg0: i32) -> (i32, i32) {
    %c0_i32 = arith.constant 0 : i32
    %c0_i32_0 = arith.constant 0 : i32
    return %arg0, %c0_i32 : i32, i32
  }
  func.func @transform_1(%arg0: i32) -> (i32, i32) {
    %c0_i32 = arith.constant 0 : i32
    %c0_i32_0 = arith.constant 0 : i32
    %c0_i32_1 = arith.constant 0 : i32
    return %c0_i32, %c0_i32_0 : i32, i32
  }
  func.func @transform_2(%arg0: i32) -> (i32, i32) {
    %c0_i32 = arith.constant 0 : i32
    %c0_i32_0 = arith.constant 0 : i32
    %c0_i32_1 = arith.constant 0 : i32
    return %c0_i32, %c0_i32_0 : i32, i32
  }
  func.func @transform_3(%arg0: i32) -> (i32, i32) {
    %c0_i32 = arith.constant 0 : i32
    %c0_i32_0 = arith.constant 0 : i32
    %c0_i32_1 = arith.constant 0 : i32
    return %c0_i32, %c0_i32_0 : i32, i32
  }
  func.func @transform_4(%arg0: i32) -> (i32, i32) {
    %c0_i32 = arith.constant 0 : i32
    %c0_i32_0 = arith.constant 0 : i32
    return %arg0, %c0_i32 : i32, i32
  }
  func.func @transform_5(%arg0: i32) -> (i32, i32) {
    %c0_i32 = arith.constant 0 : i32
    %c0_i32_0 = arith.constant 0 : i32
    return %arg0, %c0_i32 : i32, i32
  }
}

module attributes {stable_mosaic.version = 14 : i64} {
  func.func @_update_body(%arg0: i32, %arg1: memref<2000x128xf32, #tpu.memory_space<vmem>>, %arg2: memref<2x2000x128xf32, #tpu.memory_space<vmem>>, %arg3: memref<128x128xf32, #tpu.memory_space<vmem>>, %arg4: memref<128x128xf32, #tpu.memory_space<vmem>>, %arg5: memref<1x128xf32, #tpu.memory_space<vmem>>, %arg6: memref<128x128xf32, #tpu.memory_space<vmem>>, %arg7: memref<2000x128xf32, #tpu.memory_space<vmem>>, %arg8: memref<2000x128xf32, #tpu.memory_space<vmem>>) attributes {dimension_semantics = [#tpu.dimension_semantics<arbitrary>], iteration_bounds = array<i64: 5>, scalar_prefetch = 0 : i64, scratch_operands = 0 : i64, tpu.core_type = #tpu.core_type<tc>, window_params = [{transform_indices = @transform_0, window_bounds = array<i64: 2000, 128>}, {transform_indices = @transform_1, window_bounds = array<i64: 2, 2000, 128>}, {pipeline_mode = #tpu.pipeline_mode<synchronous>, transform_indices = @transform_2, window_bounds = array<i64: 128, 128>}, {pipeline_mode = #tpu.pipeline_mode<synchronous>, transform_indices = @transform_3, window_bounds = array<i64: 128, 128>}, {pipeline_mode = #tpu.pipeline_mode<synchronous>, transform_indices = @transform_4, window_bounds = array<i64: 1, 128>}, {pipeline_mode = #tpu.pipeline_mode<synchronous>, transform_indices = @transform_5, window_bounds = array<i64: 128, 128>}, {transform_indices = @transform_6, window_bounds = array<i64: 2000, 128>}, {transform_indices = @transform_7, window_bounds = array<i64: 2000, 128>}]} {
    %get3A = arith.constant 0 : index
    %get3A_0 = arith.constant 0 : index
    %get3A_1 = arith.constant 0 : index
    %get3A_2 = vector.load %arg2[%get3A, %get3A_0, %get3A_1] : memref<2x2000x128xf32, #tpu.memory_space<vmem>>, vector<1x2000x128xf32>
    %get3A_3 = vector.shape_cast %get3A_2 : vector<1x2000x128xf32> to vector<2000x128xf32>
    %get3A_4 = arith.constant 1 : index
    %get3A_5 = arith.constant 0 : index
    %get3A_6 = arith.constant 0 : index
    %get3A_7 = vector.load %arg2[%get3A_4, %get3A_5, %get3A_6] : memref<2x2000x128xf32, #tpu.memory_space<vmem>>, vector<1x2000x128xf32>
    %get3A_8 = vector.shape_cast %get3A_7 : vector<1x2000x128xf32> to vector<2000x128xf32>
    %add3A = arith.addf %get3A_3, %get3A_8 : vector<2000x128xf32>
    %get3A_9 = arith.constant 0 : index
    %get3A_10 = arith.constant 0 : index
    %get3A_11 = vector.load %arg1[%get3A_9, %get3A_10] : memref<2000x128xf32, #tpu.memory_space<vmem>>, vector<2000x128xf32>
    %get3A_12 = arith.constant 0 : index
    %get3A_13 = arith.constant 0 : index
    %get3A_14 = vector.load %arg3[%get3A_12, %get3A_13] : memref<128x128xf32, #tpu.memory_space<vmem>>, vector<128x128xf32>
    %dot_general3A = arith.constant dense<0.000000e+00> : vector<2000x128xf32>
    %dot_general3A_15 = tpu.matmul %get3A_11, %get3A_14, %dot_general3A {dimension_numbers = #tpu.dot_dimension_numbers<[1], [0], [0], [1], [0, 0, 1, 1], [], []>, precision = #tpu.contract_precision<fp32>, transpose_lhs_hint = false} : vector<2000x128xf32>, vector<128x128xf32>, vector<2000x128xf32> -> vector<2000x128xf32>
    %get3A_16 = arith.constant 0 : index
    %get3A_17 = arith.constant 0 : index
    %get3A_18 = vector.load %arg4[%get3A_16, %get3A_17] : memref<128x128xf32, #tpu.memory_space<vmem>>, vector<128x128xf32>
    %dot_general3A_19 = arith.constant dense<0.000000e+00> : vector<2000x128xf32>
    %dot_general3A_20 = tpu.matmul %add3A, %get3A_18, %dot_general3A_19 {dimension_numbers = #tpu.dot_dimension_numbers<[1], [0], [0], [1], [0, 0, 1, 1], [], []>, precision = #tpu.contract_precision<fp32>, transpose_lhs_hint = false} : vector<2000x128xf32>, vector<128x128xf32>, vector<2000x128xf32> -> vector<2000x128xf32>
    %add3A_21 = arith.addf %dot_general3A_15, %dot_general3A_20 : vector<2000x128xf32>
    %get3A_22 = arith.constant 0 : index
    %get3A_23 = arith.constant 0 : index
    %get3A_24 = vector.load %arg5[%get3A_22, %get3A_23] : memref<1x128xf32, #tpu.memory_space<vmem>>, vector<1x128xf32>
    %add3A_25 = vector.broadcast %get3A_24 : vector<1x128xf32> to vector<2000x128xf32>
    %add3A_26 = arith.addf %add3A_21, %add3A_25 : vector<2000x128xf32>
    %max3A = arith.constant 0.000000e+00 : f32
    %max3A_27 = vector.broadcast %max3A : f32 to vector<2000x128xf32>
    %max3A_28 = arith.maximumf %add3A_26, %max3A_27 : vector<2000x128xf32>
    %swap3A = arith.constant 0 : index
    %swap3A_29 = arith.constant 0 : index
    %swap3A_30 = vector.load %arg7[%swap3A, %swap3A_29] : memref<2000x128xf32, #tpu.memory_space<vmem>>, vector<2000x128xf32>
    tpu.vector_store %arg7[%swap3A, %swap3A_29], %max3A_28 {strides = array<i32>} : memref<2000x128xf32, #tpu.memory_space<vmem>>, vector<2000x128xf32>,
    %get3A_31 = arith.constant 0 : index
    %get3A_32 = arith.constant 0 : index
    %get3A_33 = vector.load %arg6[%get3A_31, %get3A_32] : memref<128x128xf32, #tpu.memory_space<vmem>>, vector<128x128xf32>
    %dot_general3A_34 = arith.constant dense<0.000000e+00> : vector<2000x128xf32>
    %dot_general3A_35 = tpu.matmul %max3A_28, %get3A_33, %dot_general3A_34 {dimension_numbers = #tpu.dot_dimension_numbers<[1], [0], [0], [1], [0, 0, 1, 1], [], []>, precision = #tpu.contract_precision<fp32>, transpose_lhs_hint = false} : vector<2000x128xf32>, vector<128x128xf32>, vector<2000x128xf32> -> vector<2000x128xf32>
    %swap3A_36 = arith.constant 0 : index
    %swap3A_37 = arith.constant 0 : index
    %swap3A_38 = vector.load %arg8[%swap3A_36, %swap3A_37] : memref<2000x128xf32, #tpu.memory_space<vmem>>, vector<2000x128xf32>
    tpu.vector_store %arg8[%swap3A_36, %swap3A_37], %dot_general3A_35 {strides = array<i32>} : memref<2000x128xf32, #tpu.memory_space<vmem>>, vector<2000x128xf32>,
    return
  }
  func.func @transform_0(%arg0: i32) -> (i32, i32) {
    %c0_i32 = arith.constant 0 : i32
    %c0_i32_0 = arith.constant 0 : i32
    return %arg0, %c0_i32 : i32, i32
  }
  func.func @transform_1(%arg0: i32) -> (i32, i32, i32) {
    %c0_i32 = arith.constant 0 : i32
    %c0_i32_0 = arith.constant 0 : i32
    %c0_i32_1 = arith.constant 0 : i32
    return %c0_i32, %arg0, %c0_i32_0 : i32, i32, i32
  }
  func.func @transform_2(%arg0: i32) -> (i32, i32) {
    %c0_i32 = arith.constant 0 : i32
    %c0_i32_0 = arith.constant 0 : i32
    %c0_i32_1 = arith.constant 0 : i32
    return %c0_i32, %c0_i32_0 : i32, i32
  }
  func.func @transform_3(%arg0: i32) -> (i32, i32) {
    %c0_i32 = arith.constant 0 : i32
    %c0_i32_0 = arith.constant 0 : i32
    %c0_i32_1 = arith.constant 0 : i32
    return %c0_i32, %c0_i32_0 : i32, i32
  }
  func.func @transform_4(%arg0: i32) -> (i32, i32) {
    %c0_i32 = arith.constant 0 : i32
    %c0_i32_0 = arith.constant 0 : i32
    %c0_i32_1 = arith.constant 0 : i32
    return %c0_i32, %c0_i32_0 : i32, i32
  }
  func.func @transform_5(%arg0: i32) -> (i32, i32) {
    %c0_i32 = arith.constant 0 : i32
    %c0_i32_0 = arith.constant 0 : i32
    %c0_i32_1 = arith.constant 0 : i32
    return %c0_i32, %c0_i32_0 : i32, i32
  }
  func.func @transform_6(%arg0: i32) -> (i32, i32) {
    %c0_i32 = arith.constant 0 : i32
    %c0_i32_0 = arith.constant 0 : i32
    return %arg0, %c0_i32 : i32, i32
  }
  func.func @transform_7(%arg0: i32) -> (i32, i32) {
    %c0_i32 = arith.constant 0 : i32
    %c0_i32_0 = arith.constant 0 : i32
    return %arg0, %c0_i32 : i32, i32
  }
}

module attributes {stable_mosaic.version = 14 : i64} {
  func.func @_update_body(%arg0: i32, %arg1: memref<2000x128xf32, #tpu.memory_space<vmem>>, %arg2: memref<2x2000x128xf32, #tpu.memory_space<vmem>>, %arg3: memref<128x128xf32, #tpu.memory_space<vmem>>, %arg4: memref<128x128xf32, #tpu.memory_space<vmem>>, %arg5: memref<1x128xf32, #tpu.memory_space<vmem>>, %arg6: memref<128x512xf32, #tpu.memory_space<vmem>>, %arg7: memref<2000x128xf32, #tpu.memory_space<vmem>>, %arg8: memref<2000x512xf32, #tpu.memory_space<vmem>>) attributes {dimension_semantics = [#tpu.dimension_semantics<arbitrary>], iteration_bounds = array<i64: 5>, scalar_prefetch = 0 : i64, scratch_operands = 0 : i64, tpu.core_type = #tpu.core_type<tc>, window_params = [{transform_indices = @transform_0, window_bounds = array<i64: 2000, 128>}, {transform_indices = @transform_1, window_bounds = array<i64: 2, 2000, 128>}, {pipeline_mode = #tpu.pipeline_mode<synchronous>, transform_indices = @transform_2, window_bounds = array<i64: 128, 128>}, {pipeline_mode = #tpu.pipeline_mode<synchronous>, transform_indices = @transform_3, window_bounds = array<i64: 128, 128>}, {pipeline_mode = #tpu.pipeline_mode<synchronous>, transform_indices = @transform_4, window_bounds = array<i64: 1, 128>}, {pipeline_mode = #tpu.pipeline_mode<synchronous>, transform_indices = @transform_5, window_bounds = array<i64: 128, 512>}, {transform_indices = @transform_6, window_bounds = array<i64: 2000, 128>}, {transform_indices = @transform_7, window_bounds = array<i64: 2000, 512>}]} {
    %get3A = arith.constant 0 : index
    %get3A_0 = arith.constant 0 : index
    %get3A_1 = arith.constant 0 : index
    %get3A_2 = vector.load %arg2[%get3A, %get3A_0, %get3A_1] : memref<2x2000x128xf32, #tpu.memory_space<vmem>>, vector<1x2000x128xf32>
    %get3A_3 = vector.shape_cast %get3A_2 : vector<1x2000x128xf32> to vector<2000x128xf32>
    %get3A_4 = arith.constant 1 : index
    %get3A_5 = arith.constant 0 : index
    %get3A_6 = arith.constant 0 : index
    %get3A_7 = vector.load %arg2[%get3A_4, %get3A_5, %get3A_6] : memref<2x2000x128xf32, #tpu.memory_space<vmem>>, vector<1x2000x128xf32>
    %get3A_8 = vector.shape_cast %get3A_7 : vector<1x2000x128xf32> to vector<2000x128xf32>
    %add3A = arith.addf %get3A_3, %get3A_8 : vector<2000x128xf32>
    %get3A_9 = arith.constant 0 : index
    %get3A_10 = arith.constant 0 : index
    %get3A_11 = vector.load %arg1[%get3A_9, %get3A_10] : memref<2000x128xf32, #tpu.memory_space<vmem>>, vector<2000x128xf32>
    %get3A_12 = arith.constant 0 : index
    %get3A_13 = arith.constant 0 : index
    %get3A_14 = vector.load %arg3[%get3A_12, %get3A_13] : memref<128x128xf32, #tpu.memory_space<vmem>>, vector<128x128xf32>
    %dot_general3A = arith.constant dense<0.000000e+00> : vector<2000x128xf32>
    %dot_general3A_15 = tpu.matmul %get3A_11, %get3A_14, %dot_general3A {dimension_numbers = #tpu.dot_dimension_numbers<[1], [0], [0], [1], [0, 0, 1, 1], [], []>, precision = #tpu.contract_precision<fp32>, transpose_lhs_hint = false} : vector<2000x128xf32>, vector<128x128xf32>, vector<2000x128xf32> -> vector<2000x128xf32>
    %get3A_16 = arith.constant 0 : index
    %get3A_17 = arith.constant 0 : index
    %get3A_18 = vector.load %arg4[%get3A_16, %get3A_17] : memref<128x128xf32, #tpu.memory_space<vmem>>, vector<128x128xf32>
    %dot_general3A_19 = arith.constant dense<0.000000e+00> : vector<2000x128xf32>
    %dot_general3A_20 = tpu.matmul %add3A, %get3A_18, %dot_general3A_19 {dimension_numbers = #tpu.dot_dimension_numbers<[1], [0], [0], [1], [0, 0, 1, 1], [], []>, precision = #tpu.contract_precision<fp32>, transpose_lhs_hint = false} : vector<2000x128xf32>, vector<128x128xf32>, vector<2000x128xf32> -> vector<2000x128xf32>
    %add3A_21 = arith.addf %dot_general3A_15, %dot_general3A_20 : vector<2000x128xf32>
    %get3A_22 = arith.constant 0 : index
    %get3A_23 = arith.constant 0 : index
    %get3A_24 = vector.load %arg5[%get3A_22, %get3A_23] : memref<1x128xf32, #tpu.memory_space<vmem>>, vector<1x128xf32>
    %add3A_25 = vector.broadcast %get3A_24 : vector<1x128xf32> to vector<2000x128xf32>
    %add3A_26 = arith.addf %add3A_21, %add3A_25 : vector<2000x128xf32>
    %max3A = arith.constant 0.000000e+00 : f32
    %max3A_27 = vector.broadcast %max3A : f32 to vector<2000x128xf32>
    %max3A_28 = arith.maximumf %add3A_26, %max3A_27 : vector<2000x128xf32>
    %swap3A = arith.constant 0 : index
    %swap3A_29 = arith.constant 0 : index
    %swap3A_30 = vector.load %arg7[%swap3A, %swap3A_29] : memref<2000x128xf32, #tpu.memory_space<vmem>>, vector<2000x128xf32>
    tpu.vector_store %arg7[%swap3A, %swap3A_29], %max3A_28 {strides = array<i32>} : memref<2000x128xf32, #tpu.memory_space<vmem>>, vector<2000x128xf32>,
    %get3A_31 = arith.constant 0 : index
    %get3A_32 = arith.constant 0 : index
    %get3A_33 = vector.load %arg6[%get3A_31, %get3A_32] : memref<128x512xf32, #tpu.memory_space<vmem>>, vector<128x512xf32>
    %dot_general3A_34 = arith.constant dense<0.000000e+00> : vector<2000x512xf32>
    %dot_general3A_35 = tpu.matmul %max3A_28, %get3A_33, %dot_general3A_34 {dimension_numbers = #tpu.dot_dimension_numbers<[1], [0], [0], [1], [0, 0, 1, 1], [], []>, precision = #tpu.contract_precision<fp32>, transpose_lhs_hint = false} : vector<2000x128xf32>, vector<128x512xf32>, vector<2000x512xf32> -> vector<2000x512xf32>
    %swap3A_36 = arith.constant 0 : index
    %swap3A_37 = arith.constant 0 : index
    %swap3A_38 = vector.load %arg8[%swap3A_36, %swap3A_37] : memref<2000x512xf32, #tpu.memory_space<vmem>>, vector<2000x512xf32>
    tpu.vector_store %arg8[%swap3A_36, %swap3A_37], %dot_general3A_35 {strides = array<i32>} : memref<2000x512xf32, #tpu.memory_space<vmem>>, vector<2000x512xf32>,
    return
  }
  func.func @transform_0(%arg0: i32) -> (i32, i32) {
    %c0_i32 = arith.constant 0 : i32
    %c0_i32_0 = arith.constant 0 : i32
    return %arg0, %c0_i32 : i32, i32
  }
  func.func @transform_1(%arg0: i32) -> (i32, i32, i32) {
    %c0_i32 = arith.constant 0 : i32
    %c0_i32_0 = arith.constant 0 : i32
    %c0_i32_1 = arith.constant 0 : i32
    return %c0_i32, %arg0, %c0_i32_0 : i32, i32, i32
  }
  func.func @transform_2(%arg0: i32) -> (i32, i32) {
    %c0_i32 = arith.constant 0 : i32
    %c0_i32_0 = arith.constant 0 : i32
    %c0_i32_1 = arith.constant 0 : i32
    return %c0_i32, %c0_i32_0 : i32, i32
  }
  func.func @transform_3(%arg0: i32) -> (i32, i32) {
    %c0_i32 = arith.constant 0 : i32
    %c0_i32_0 = arith.constant 0 : i32
    %c0_i32_1 = arith.constant 0 : i32
    return %c0_i32, %c0_i32_0 : i32, i32
  }
  func.func @transform_4(%arg0: i32) -> (i32, i32) {
    %c0_i32 = arith.constant 0 : i32
    %c0_i32_0 = arith.constant 0 : i32
    %c0_i32_1 = arith.constant 0 : i32
    return %c0_i32, %c0_i32_0 : i32, i32
  }
  func.func @transform_5(%arg0: i32) -> (i32, i32) {
    %c0_i32 = arith.constant 0 : i32
    %c0_i32_0 = arith.constant 0 : i32
    %c0_i32_1 = arith.constant 0 : i32
    return %c0_i32, %c0_i32_0 : i32, i32
  }
  func.func @transform_6(%arg0: i32) -> (i32, i32) {
    %c0_i32 = arith.constant 0 : i32
    %c0_i32_0 = arith.constant 0 : i32
    return %arg0, %c0_i32 : i32, i32
  }
  func.func @transform_7(%arg0: i32) -> (i32, i32) {
    %c0_i32 = arith.constant 0 : i32
    %c0_i32_0 = arith.constant 0 : i32
    return %arg0, %c0_i32 : i32, i32
  }
}

module attributes {stable_mosaic.version = 14 : i64} {
  func.func @_readout_body(%arg0: i32, %arg1: memref<2000x128xf32, #tpu.memory_space<vmem>>, %arg2: memref<2x2000x128xf32, #tpu.memory_space<vmem>>, %arg3: memref<1x1x2000xi32, #tpu.memory_space<vmem>>, %arg4: memref<128x1xf32, #tpu.memory_space<vmem>>, %arg5: memref<1x1xf32, #tpu.memory_space<vmem>>, %arg6: memref<256x1xf32, #tpu.memory_space<vmem>>, %arg7: memref<256x128xf32, #tpu.memory_space<vmem>>) attributes {dimension_semantics = [#tpu.dimension_semantics<arbitrary>], iteration_bounds = array<i64: 5>, scalar_prefetch = 0 : i64, scratch_operands = 1 : i64, tpu.core_type = #tpu.core_type<tc>, window_params = [{transform_indices = @transform_0, window_bounds = array<i64: 2000, 128>}, {transform_indices = @transform_1, window_bounds = array<i64: 2, 2000, 128>}, {transform_indices = @transform_2, window_bounds = array<i64: 1, 1, 2000>}, {pipeline_mode = #tpu.pipeline_mode<synchronous>, transform_indices = @transform_3, window_bounds = array<i64: 128, 1>}, {pipeline_mode = #tpu.pipeline_mode<synchronous>, transform_indices = @transform_4, window_bounds = array<i64: 1, 1>}, {pipeline_mode = #tpu.pipeline_mode<synchronous>, transform_indices = @transform_5, window_bounds = array<i64: 256, 1>}]} {
    %get3A = arith.constant 0 : index
    %get3A_0 = arith.constant 0 : index
    %get3A_1 = vector.load %arg1[%get3A, %get3A_0] : memref<2000x128xf32, #tpu.memory_space<vmem>>, vector<2000x128xf32>
    %get3A_2 = arith.constant 0 : index
    %get3A_3 = arith.constant 0 : index
    %get3A_4 = arith.constant 0 : index
    %get3A_5 = vector.load %arg2[%get3A_2, %get3A_3, %get3A_4] : memref<2x2000x128xf32, #tpu.memory_space<vmem>>, vector<1x2000x128xf32>
    %get3A_6 = vector.shape_cast %get3A_5 : vector<1x2000x128xf32> to vector<2000x128xf32>
    %add3A = arith.addf %get3A_1, %get3A_6 : vector<2000x128xf32>
    %get3A_7 = arith.constant 1 : index
    %get3A_8 = arith.constant 0 : index
    %get3A_9 = arith.constant 0 : index
    %get3A_10 = vector.load %arg2[%get3A_7, %get3A_8, %get3A_9] : memref<2x2000x128xf32, #tpu.memory_space<vmem>>, vector<1x2000x128xf32>
    %get3A_11 = vector.shape_cast %get3A_10 : vector<1x2000x128xf32> to vector<2000x128xf32>
    %add3A_12 = arith.addf %add3A, %get3A_11 : vector<2000x128xf32>
    %get3A_13 = arith.constant 0 : index
    %get3A_14 = arith.constant 0 : index
    %get3A_15 = arith.constant 0 : index
    %get3A_16 = vector.load %arg3[%get3A_13, %get3A_14, %get3A_15] : memref<1x1x2000xi32, #tpu.memory_space<vmem>>, vector<1x1x2000xi32>
    %get3A_17 = vector.shape_cast %get3A_16 : vector<1x1x2000xi32> to vector<1x2000xi32>
    %iota3A = tpu.iota {dimensions = array<i32: 0>} : vector<256x2000xi32>
    %eq3A = vector.broadcast %get3A_17 : vector<1x2000xi32> to vector<256x2000xi32>
    %eq3A_18 = arith.cmpi eq, %iota3A, %eq3A : vector<256x2000xi32>
    %convert_element_type3A = arith.extui %eq3A_18 : vector<256x2000xi1> to vector<256x2000xi32>
    %convert_element_type3A_19 = arith.sitofp %convert_element_type3A : vector<256x2000xi32> to vector<256x2000xf32>
    %dot_general3A = arith.constant dense<0.000000e+00> : vector<256x128xf32>
    %dot_general3A_20 = tpu.matmul %convert_element_type3A_19, %add3A_12, %dot_general3A {dimension_numbers = #tpu.dot_dimension_numbers<[1], [0], [0], [1], [0, 0, 1, 1], [], []>, precision = #tpu.contract_precision<fp32>, transpose_lhs_hint = false} : vector<256x2000xf32>, vector<2000x128xf32>, vector<256x128xf32> -> vector<256x128xf32>
    %eq3A_21 = arith.constant 0 : i32
    %eq3A_22 = arith.cmpi eq, %arg0, %eq3A_21 : i32
    %convert_element_type3A_23 = arith.extui %eq3A_22 : i1 to i32
    %cond3A = arith.constant 0 : i32
    %cond3A_24 = arith.cmpi ne, %convert_element_type3A_23, %cond3A : i32
    scf.if %cond3A_24 {
      %swap3A = arith.constant 0 : index
      %swap3A_34 = arith.constant 0 : index
      %swap3A_35 = vector.load %arg7[%swap3A, %swap3A_34] : memref<256x128xf32, #tpu.memory_space<vmem>>, vector<256x128xf32>
      tpu.vector_store %arg7[%swap3A, %swap3A_34], %dot_general3A_20 {strides = array<i32>} : memref<256x128xf32, #tpu.memory_space<vmem>>, vector<256x128xf32>,
    } else {
    }
    %gt3A = arith.constant 0 : i32
    %gt3A_25 = arith.cmpi sgt, %arg0, %gt3A : i32
    %convert_element_type3A_26 = arith.extui %gt3A_25 : i1 to i32
    %cond3A_27 = arith.constant 0 : i32
    %cond3A_28 = arith.cmpi ne, %convert_element_type3A_26, %cond3A_27 : i32
    scf.if %cond3A_28 {
      %get3A_34 = arith.constant 0 : index
      %get3A_35 = arith.constant 0 : index
      %get3A_36 = vector.load %arg7[%get3A_34, %get3A_35] : memref<256x128xf32, #tpu.memory_space<vmem>>, vector<256x128xf32>
      %add3A_37 = arith.addf %get3A_36, %dot_general3A_20 : vector<256x128xf32>
      %swap3A = arith.constant 0 : index
      %swap3A_38 = arith.constant 0 : index
      %swap3A_39 = vector.load %arg7[%swap3A, %swap3A_38] : memref<256x128xf32, #tpu.memory_space<vmem>>, vector<256x128xf32>
      tpu.vector_store %arg7[%swap3A, %swap3A_38], %add3A_37 {strides = array<i32>} : memref<256x128xf32, #tpu.memory_space<vmem>>, vector<256x128xf32>,
    } else {
    }
    %eq3A_29 = arith.constant 4 : i32
    %eq3A_30 = arith.cmpi eq, %arg0, %eq3A_29 : i32
    %convert_element_type3A_31 = arith.extui %eq3A_30 : i1 to i32
    %cond3A_32 = arith.constant 0 : i32
    %cond3A_33 = arith.cmpi ne, %convert_element_type3A_31, %cond3A_32 : i32
    scf.if %cond3A_33 {
      %get3A_34 = arith.constant 0 : index
      %get3A_35 = arith.constant 0 : index
      %get3A_36 = vector.load %arg7[%get3A_34, %get3A_35] : memref<256x128xf32, #tpu.memory_space<vmem>>, vector<256x128xf32>
      %get3A_37 = arith.constant 0 : index
      %get3A_38 = arith.constant 0 : index
      %get3A_39 = vector.load %arg4[%get3A_37, %get3A_38] : memref<128x1xf32, #tpu.memory_space<vmem>>, vector<128x1xf32>
      %dot_general3A_40 = arith.constant dense<0.000000e+00> : vector<256x1xf32>
      %dot_general3A_41 = tpu.matmul %get3A_36, %get3A_39, %dot_general3A_40 {dimension_numbers = #tpu.dot_dimension_numbers<[1], [0], [0], [1], [0, 0, 1, 1], [], []>, precision = #tpu.contract_precision<fp32>, transpose_lhs_hint = false} : vector<256x128xf32>, vector<128x1xf32>, vector<256x1xf32> -> vector<256x1xf32>
      %get3A_42 = arith.constant 0 : index
      %get3A_43 = arith.constant 0 : index
      %get3A_44 = vector.load %arg5[%get3A_42, %get3A_43] : memref<1x1xf32, #tpu.memory_space<vmem>>, vector<1x1xf32>
      %add3A_45 = vector.broadcast %get3A_44 : vector<1x1xf32> to vector<256x1xf32>
      %add3A_46 = arith.addf %dot_general3A_41, %add3A_45 : vector<256x1xf32>
      %swap3A = arith.constant 0 : index
      %swap3A_47 = arith.constant 0 : index
      %swap3A_48 = vector.load %arg6[%swap3A, %swap3A_47] : memref<256x1xf32, #tpu.memory_space<vmem>>, vector<256x1xf32>
      tpu.vector_store %arg6[%swap3A, %swap3A_47], %add3A_46 {strides = array<i32>} : memref<256x1xf32, #tpu.memory_space<vmem>>, vector<256x1xf32>,
    } else {
    }
    return
  }
  func.func @transform_0(%arg0: i32) -> (i32, i32) {
    %c0_i32 = arith.constant 0 : i32
    %c0_i32_0 = arith.constant 0 : i32
    return %arg0, %c0_i32 : i32, i32
  }
  func.func @transform_1(%arg0: i32) -> (i32, i32, i32) {
    %c0_i32 = arith.constant 0 : i32
    %c0_i32_0 = arith.constant 0 : i32
    %c0_i32_1 = arith.constant 0 : i32
    return %c0_i32, %arg0, %c0_i32_0 : i32, i32, i32
  }
  func.func @transform_2(%arg0: i32) -> (i32, i32, i32) {
    %c0_i32 = arith.constant 0 : i32
    %c0_i32_0 = arith.constant 0 : i32
    %c0_i32_1 = arith.constant 0 : i32
    return %arg0, %c0_i32, %c0_i32_0 : i32, i32, i32
  }
  func.func @transform_3(%arg0: i32) -> (i32, i32) {
    %c0_i32 = arith.constant 0 : i32
    %c0_i32_0 = arith.constant 0 : i32
    %c0_i32_1 = arith.constant 0 : i32
    return %c0_i32, %c0_i32_0 : i32, i32
  }
  func.func @transform_4(%arg0: i32) -> (i32, i32) {
    %c0_i32 = arith.constant 0 : i32
    %c0_i32_0 = arith.constant 0 : i32
    %c0_i32_1 = arith.constant 0 : i32
    return %c0_i32, %c0_i32_0 : i32, i32
  }
  func.func @transform_5(%arg0: i32) -> (i32, i32) {
    %c0_i32 = arith.constant 0 : i32
    %c0_i32_0 = arith.constant 0 : i32
    %c0_i32_1 = arith.constant 0 : i32
    return %c0_i32, %c0_i32_0 : i32, i32
  }
}

</mosaic_0001>

<sc_bundles>
// kernel: kernel.12.cloned.1.call-start
scs
__scs_entry_jumppad:
0x0: {  	(pc) =	sbr.rel $0x88, $3  }
0x1: {  	(tag) =	ssettag $0x0;
	lr =	simm.s32 $0x1  }
0x2: {  	[smem:$0x3F90] =	sst lr;
	_ =	strace $0xD0000000  }
0x3: {  	_ = 	snop  }
0x4: {  	_ = 	snop  }
0x5: {  	_ = 	snop  }
0x6: {  	_ = 	snop  }
0x7: {  	_ = 	snop  }
__scs_overlays_trampoline_lowered:
0x8: {  	[smem:$0x3F9F] =	sst s0  }
0x9: {  	[smem:$0x3FA0] =	sst s1  }
0xa: {  	[smem:$0x3FA1] =	sst s2  }
0xb: {  	[smem:$0x3FA2] =	sst s3  }
0xc: {  	[smem:$0x3FA3] =	sst s4  }
0xd: {  	[smem:$0x3FA4] =	sst s5  }
0xe: {  	[smem:$0x3FA5] =	sst s6  }
0xf: {  	[smem:$0x3FA6] =	sst s7  }
0x10: {  	[smem:$0x3FA7] =	sst s8  }
0x11: {  	[smem:$0x3FA8] =	sst s9;
	s0 =	simm.s32 @!p0 $0x0  }
0x12: {  	s1 =	sld [smem:$0x3F8E];
	s0 =	simm.s32 @p0 $0x1  }
0x13: {  	[smem:$0x3FA9] =	sst s0;
	s0 =	simm.s32 @!p1 $0x0  }
0x14: {  	s2 =	sld [smem:$0x3F8D];
	s0 =	simm.s32 @p1 $0x1  }
0x15: {  	[smem:$0x3FAA] =	sst s0;
	s0 =	simm.s32 @!p2 $0x0  }
0x16: {  	s3 =	sld [smem:$0x3FDB];
	s0 =	simm.s32 @p2 $0x1  }
0x17: {  	s4 =	simm.s32 $0x1BF5;
	[smem:$0x3FAC] =	sst s0  }
0x18: {  	s0 =	sld [smem:$0x3F8F];
	_ =	swait.ge [sflag:s4], $0x0  }
0x19: {  	s7 =	sld [smem:$0x3F90]  }
0x1a: {  	s8 =	sadd.s32 $0xFFFFE003, lr  }
0x1b: {  	s9 =	sadd.s32 $0xFFFFFEF7, lr;
	s5 =	simm.s32 $0xFFFFFFFF;
	p2 =	slt.u32 s8, $0xFFFFF086  }
0x1c: {  	p1 =	slt.u32 s9, $0xF7A;
	s5 =	simm.s32 @!p2 $0x0  }
0x1d: {  	s5 =	simm.s32 @p1 $0x1;
	p0 =	seq.s32 s7, s2  }
0x1e: {  	s7 =	smul.u32 @!p0 $0xF7A, s2;
	p2 =	seq.s32 @!p0 s5, $0x0  }
0x1f: {  	s9 =	smul.u32 $0xF7A, s1;
	s8 =	simm.s32 @!p0 $0x1BF5;
	p2 =	por !p2, p0  }
0x20: {  	[sflag:s8] =	ssyncset.s32 @!p0 $0xFFFFF086;
	s6 =	sadd.s32 @!p0 s3, s7;
	s7 =	simm.s32 @!p0 $0x108  }
0x21: {  	s3 =	sadd.s32 s3, s9;
	s6 =	sadd.s32 @!p0 $0x88, s6;
	s7 =	simm.s32 @p2 $0x1082  }
0x22: {  	[simem:s7], [sflag:s8] =	dma.local @!p0 [hbm:s6], $0xF7A  }
0x23: {  	s9 =	sor.u32 $0xD0000000, s2;
	s6 =	simm.s32 $0x108;
	_ =	swait.ge @!p0 [sflag:s8], $0x0  }
0x24: {  	s3 =	sadd.s32 $0x88, s3;
	s6 =	simm.s32 @!p1 $0x1082;
	[sflag:s4] =	ssyncset.s32 $0xFFFFF086  }
0x25: {  	[simem:s6], [sflag:s4] =	dma.local [hbm:s3], $0xF7A  }
0x26: {  	[smem:$0x3F90] =	sst s1;
	(tag) =	ssettag s2;
	_ =	strace s9  }
0x27: {  	s1 =	sld [smem:$0x3FA0]  }
0x28: {  	s2 =	sld [smem:$0x3FA1]  }
0x29: {  	s4 =	sld [smem:$0x3FA3]  }
0x2a: {  	p0 =	seq.s32 s5, $0x0;
	s5 =	sld [smem:$0x3FA4]  }
0x2b: {  	s6 =	sld [smem:$0x3FA5]  }
0x2c: {  	s7 =	sld [smem:$0x3FA6]  }
0x2d: {  	s3 =	simm.s32 $0x108;
	s8 =	sld [smem:$0x3FA7]  }
0x2e: {  	s3 =	simm.s32 @!p0 $0x1082;
	s9 =	sld [smem:$0x3FA8]  }
0x2f: {  	lr =	sadd.s32 s0, s3;
	s0 =	sld [smem:$0x3F9F]  }
0x30: {  	s3 =	sld [smem:$0x3FA2]  }
0x31: {  	[smem:$0x3FAB] =	sst s10  }
0x32: {  	s10 =	sld [smem:$0x3FA9];
	_ =	sdelay $0x3  }
0x33: {  	p0 =	seq.s32 s10, $0x1;
	s10 =	sld [smem:$0x3FAB];
	_ =	sdelay $0x3  }
0x34: {  	[smem:$0x3FAB] =	sst s10  }
0x35: {  	s10 =	sld [smem:$0x3FAA];
	_ =	sdelay $0x3  }
0x36: {  	p1 =	seq.s32 s10, $0x1;
	s10 =	sld [smem:$0x3FAB];
	_ =	sdelay $0x3  }
0x37: {  	[smem:$0x3FAB] =	sst s10  }
0x38: {  	s10 =	sld [smem:$0x3FAC]  }
0x39: {  	_ = 	snop;
	(pc) =	sbr.ind lr, $3  }
0x3a: {  	_ = 	snop  }
0x3b: {  	_ = 	snop  }
0x3c: {  	p2 =	seq.s32 s10, $0x1;
	s10 =	sld [smem:$0x3FAB]  }
0x3d: {  	_ =	shalt  }
0x3e: {  	_ =	shalt  }
0x3f: {  	_ =	shalt  }
0x40: {  	_ =	shalt  }
0x41: {  	_ =	shalt  }
0x42: {  	_ =	shalt  }
0x43: {  	_ =	shalt  }
0x44: {  	_ =	shalt  }
0x45: {  	_ =	shalt  }
0x46: {  	_ =	shalt  }
0x47: {  	_ =	shalt  }
0x48: {  	_ =	shalt  }
0x49: {  	_ =	shalt  }
0x4a: {  	_ =	shalt  }
0x4b: {  	_ =	shalt  }
0x4c: {  	_ =	shalt  }
0x4d: {  	_ =	shalt  }
0x4e: {  	_ =	shalt  }
0x4f: {  	_ =	shalt  }
0x50: {  	_ =	shalt  }
0x51: {  	_ =	shalt  }
0x52: {  	_ =	shalt  }
0x53: {  	_ =	shalt  }
0x54: {  	_ =	shalt  }
0x55: {  	_ =	shalt  }
0x56: {  	_ =	shalt  }
0x57: {  	_ =	shalt  }
0x58: {  	_ =	shalt  }
0x59: {  	_ =	shalt  }
0x5a: {  	_ =	shalt  }
0x5b: {  	_ =	shalt  }
0x5c: {  	_ =	shalt  }
0x5d: {  	_ =	shalt  }
0x5e: {  	_ =	shalt  }
0x5f: {  	_ =	shalt  }
0x60: {  	_ =	shalt  }
0x61: {  	_ =	shalt  }
0x62: {  	_ =	shalt  }
0x63: {  	_ =	shalt  }
0x64: {  	_ =	shalt  }
0x65: {  	_ =	shalt  }
0x66: {  	_ =	shalt  }
0x67: {  	_ =	shalt  }
0x68: {  	_ =	shalt  }
0x69: {  	_ =	shalt  }
0x6a: {  	_ =	shalt  }
0x6b: {  	_ =	shalt  }
0x6c: {  	_ =	shalt  }
0x6d: {  	_ =	shalt  }
0x6e: {  	_ =	shalt  }
0x6f: {  	_ =	shalt  }
0x70: {  	_ =	shalt  }
0x71: {  	_ =	shalt  }
0x72: {  	_ =	shalt  }
0x73: {  	_ =	shalt  }
0x74: {  	_ =	shalt  }
0x75: {  	_ =	shalt  }
0x76: {  	_ =	shalt  }
0x77: {  	_ =	shalt  }
0x78: {  	_ =	shalt  }
0x79: {  	_ =	shalt  }
0x7a: {  	_ =	shalt  }
0x7b: {  	_ =	shalt  }
0x7c: {  	_ =	shalt  }
0x7d: {  	_ =	shalt  }
0x7e: {  	_ =	shalt  }
0x7f: {  	_ =	shalt  }
0x80: {  	_ =	shalt  }
0x81: {  	_ =	shalt  }
0x82: {  	_ =	shalt  }
0x83: {  	_ =	shalt  }
0x84: {  	_ =	shalt  }
0x85: {  	_ =	shalt  }
0x86: {  	_ =	shalt  }
0x87: {  	_ =	shalt  }
.Lfunc_end0:
.L_simem_size_0:
called_computation_lowered:
.L_overlay_start_0:
0x88: {  	s2 =	sld [smem:$0x3FD9]  }
0x89: {  	s3 =	sld [smem:$0x3FFE];
	_ =	sdelay $0x1  }
0x8a: {  	s1 =	srdreg.scid  }
0x8b: {  	s0 =	sand.u32 $0x1, s1  }
0x8c: {  	s16 =	sshll.u32 s0, $0xA;
	s2 =	sadd.s32 s3, s2  }
0x8d: {  	s2 =	sadd.s32 s2, s16  }
0x8e: {  	[smem:$0x3FB7] =	sst s2  }
0x8f: {  	_ = 	snop  }
0x90: {  	(tm) =	ssettm $0x1  }
0x91: {  	s17 =	sld [smem:$0x3FFB];
	_ =	sdelay $0x3  }
0x92: {  	_ =	strace s17  }
0x93: {  	s2 =	sld [smem:$0x3FFC];
	_ =	sdelay $0x3  }
0x94: {  	_ =	strace s2  }
0x95: {  	s2 =	sld [smem:$0x3FFD];
	_ =	sdelay $0x3  }
0x96: {  	_ =	strace s2  }
0x97: {  	_ =	strace $0x8FFFFFFF  }
0x98: {  	s18 =	sld [smem:$0x3FDB];
	_ =	sdelay $0x1  }
0x99: {  	s19 =	simm.s32 $_scs_section_size  }
0x9a: {  	s4 =	simm.s32 $_size__tile_overlayer_lowered;
	s5 =	simm.s32 $_tile_overlayer_lowered  }
0x9b: {  	s22 =	simm.s32 $0x1BFF;
	s21 =	sshll.u32 s5, $0x1;
	s2 =	sadd.s32 s19, s18  }
0x9c: {  	s6 =	simm.s32 $0x0;
	s20 =	sshll.u32 s4, $0x1;
	s4 =	sadd.s32 s21, s2  }
0x9d: {  	[timem:s6], [sflag:s22] =	dma.local [hbm:s4], s20  }
0x9e: {  	_ =	swait.ge [sflag:s22], s20  }
0x9f: {  	s3 =	ssub.s32 $0x0, s20;
	[sflag:s22] =	ssyncset.done $0x0  }
0xa0: {  	[sflag:s22] =	ssyncadd.s32 s3;
	_ =	sdelay $0x1  }
0xa1: {  	s23 =	simm.s32 $0x1B8B  }
0xa2: {  	_ =	swait.ge [sflag:s23], $0x1  }
0xa3: {  	[sflag:s23] =	ssyncset.done $0x0  }
0xa4: {  	s25 =	simm.s32 $0x1B8E;
	s24 =	sld [smem:$0x3FFE];
	[sflag:s23] =	ssyncadd.s32 $0xFFFFFFFF  }
0xa5: {  	s26 =	simm.s32 $execute0_lowered;
	[smem:$0x3FD2] =	sst s25  }
0xa6: {  	s4 =	sshll.u32 s26, $0x1;
	_ =	strace $0x80000046;
	[dreg:$0x1] =	wrdreg $0xFFFFFFFF  }
0xa7: {  	s28 =	simm.s32 $_size_execute0_lowered;
	s2 =	sadd.s32 s2, s4;
	[dreg:$0x0] =	wrdreg $0x0  }
0xa8: {  	s4 =	sshll.u32 s28, $0x1;
	[dreg:$0x2] =	wrdreg s2  }
0xa9: {  	[dreg:$0x3] =	wrdreg s4  }
0xaa: {  	[dreg:$0x4] =	wrdreg $0xC0  }
0xab: {  	_ =	task [dreg:s6], $0x5FFFF  }
0xac: {  	[dreg:$0x1] =	wrdreg $0xFFFFFFFF  }
0xad: {  	[dreg:$0x0] =	wrdreg $0x60  }
0xae: {  	[dreg:$0x2] =	wrdreg s24  }
0xaf: {  	[dreg:$0x3] =	wrdreg $0x81000  }
0xb0: {  	[dreg:$0x4] =	wrdreg $0x9  }
0xb1: {  	_ =	task.clear_ibuf [dreg:s6], $0x5FFFF;
	_ =	strace $0x90000046  }
0xb2: {  	s29 =	simm.s32 $0x9;
	_ =	strace $0x80000048  }
0xb3: {  	_ =	swait.ge [sflag:s29], $0x1  }
0xb4: {  	[sflag:s29] =	ssyncadd.s32 $0xFFFFFFFF  }
0xb5: {  	_ =	strace $0x90000048  }
0xb6: {  	_ =	sfence  }
0xb7: {  	s30 =	sld [smem:$0x0];
	_ =	sdelay $0x2  }
0xb8: {  	s31 =	sshll.u32 s1, $0xD;
	s1 =	sshrl.u32 s1, $0x2  }
0xb9: {  	s3 =	sand.u32 $0x4000, s31;
	s1 =	sadd.s32 s1, s30  }
0xba: {  	s0 =	sor.u32 s3, s0;
	s1 =	sshll.u32 s1, $0x11  }
0xbb: {  	s0 =	sor.u32 s1, s0  }
0xbc: {  	s0 =	sadd.s32 $0x8F2B, s0  }
0xbd: {  	[sflag:s0] =	ssyncadd.remote.s32 $0x1  }
0xbe: {  	_ =	sfence.sel $0xFFFF  }
0xbf: {  	[dreg:$0x0] =	wrdreg $0xFFFFFFFF;
	(pc) =	sbr.abs _section_cstart, $3  }
0xc0: {  	[dreg:$0x1] =	wrdreg $0xFFFFFFFF  }
0xc1: {  	_ =	task.clear_ibuf [dreg:s6], $0x2FFFF;
	_ =	strace $0x9FFFFFFF  }
0xc2: {  	(tm) =	ssettm $0x7FFFFFFF  }
0xc3: {  	_ =	shalt  }
tec
execute0_lowered:
.L_overlay_start_1:
0x0: {  	(tag) =	ssettag $0x1  }
0x1: {  	s9 =	rddreg [dreg:$0x0]  }
0x2: {  	s1 =	rddreg [dreg:$0x1]  }
0x3: {  	s0 =	rddreg [dreg:$0x2];
	s2 =	simm.s32 $0x0  }
0x4: {  	s3 =	srdreg.scid;
	s15 =	simm.s32 $0x80;
	s16 =	simm.s32 $0x100  }
0x5: {  	s17 =	simm.s32 $0x1;
	s18 =	simm.s32 $0x4100;
	s19 =	simm.s32 $0x0  }
0x6: {  	s24 =	simm.s32 $0x0;
	[smem:$0x7FF] =	sst s2;
	s4 =	sadd.s32 $0x51D400, s9  }
0x7: {  	s10 =	sand.u32 $0x1, s3;
	s6 =	sadd.s32 $0x509400, s9;
	s7 =	sadd.s32 $0x513400, s9  }
0x8: {  	s3 =	stileid.u32;
	s8 =	sadd.s32 $0x56B800, s9;
	s11 =	smul.u32 $0x13C000, s10  }
0x9: {  	s5 =	sadd.s32 $0x9400, s9;
	_ =	strace $0x80000047;
	s12 =	smul.u32 $0x13C00, s3  }
0xa: {  	s28 =	ssub.s32 $0x2, s10;
	s14 =	smul.u32 $0x4F000, s3;
	s29 =	sshll.u32 s10, $0x4  }
0xb: {  	s31 =	sshll.u32 s3, $0x6;
	s13 =	sshrl.u32 s28, $0x1;
	s10 =	sor.u32 s3, s29  }
0xc: {  	s11 =	sadd.s32 s12, s11;
	s12 =	ssub.s32 s28, s13;
	s30 =	sshrl.u32 s14, $0x2  }
0xd: {  	s10 =	smul.u32 $0x50, s10;
	s11 =	sshrl.u32 s11, $0x3;
	s14 =	sadd.s32 s30, s1  }
0xe: {  	s12 =	smax.u32 s12, $0x1;
	s11 =	sadd.s32 s11, s9;
	s9 =	sor.u32 $0x1C02, s31  }
0xf: {  	s13 =	sshrl.u32 s14, $0x3;
	s14 =	simm.s32 $0x2;
	s11 =	sadd.s32 $0x56E000, s11  }
.LBB2_1:
0x10: {  	[spmem:s13], [sflag:s9] =	dma.local [hbm:s8], $0x2780  }
0x11: {  	_ =	swait.ge [sflag:s14], $0x2780  }
0x12: {  	[sflag:s14] =	ssyncset.done $0x0  }
0x13: {  	[sflag:s14] =	ssyncadd.s32 $0xFFFFD880  }
0x14: {  	[bflag:$0x0] =	sbarrier.arrive $0xFFFF  }
0x15: {  	s20 =	simm.s32 $0x0;
	[smem:$0x0] =	sst s2  }
.LBB2_2:
0x16: {  	s21 =	sadd.s32 s10, s20  }
0x17: {  	s22 =	sshll.u32 s21, $0x4  }
0x18: {  	s23 =	sadd.s32 s6, s22  }
0x19: {  	[tilespmem:s24], [sflag:$0x2] =	stream.linear.gather [hbm4b:s23+s24], $0x80, $0x38;
	[tilespmem:$0x1BD00] =	vst v63  }
0x1a: {  	_ =	swait.ge [sflag:s14], $0x80  }
0x1b: {  	[sflag:s14] =	ssyncset.done $0x0  }
0x1c: {  	s22 =	sadd.s32 s7, s22;
	[sflag:s14] =	ssyncadd.s32 $0xFFFFFF80  }
0x1d: {  	[tilespmem:s15], [sflag:$0x2] =	stream.linear.gather [hbm4b:s22+s24], $0x80, $0x38;
	[tilespmem:$0x1BD00] =	vst v63  }
0x1e: {  	_ =	swait.ge [sflag:s14], $0x80  }
0x1f: {  	[sflag:s14] =	ssyncset.done $0x0  }
0x20: {  	[sflag:s14] =	ssyncadd.s32 $0xFFFFFF80  }
0x21: {  	[tilespmem:s16], [sflag:$0x1] =	stream.indirect.gather [hbm4b:s4+s15], $0x80, s24, s15, $0xb8;
	[tilespmem:$0x1BD00] =	vst v63  }
0x22: {  	_ =	swait.ge [sflag:s17], $0x4000  }
0x23: {  	s21 =	sshll.u32 s21, $0xB;
	[sflag:s17] =	ssyncset.done $0x0  }
0x24: {  	s21 =	sadd.s32 s5, s21;
	[sflag:s17] =	ssyncadd.s32 $0xFFFFC000  }
0x25: {  	[tilespmem:s18], [sflag:$0x2] =	stream.linear.gather [hbm4b:s21+s24], $0x4000, $0x38;
	[tilespmem:$0x1BD00] =	vst v63  }
0x26: {  	_ =	swait.ge [sflag:s14], $0x4000  }
0x27: {  	[sflag:s14] =	ssyncset.done $0x0  }
0x28: {  	s21 =	simm.s32 $0x0;
	[sflag:s14] =	ssyncadd.s32 $0xFFFFC000  }
0x29: {  	v6 =	vld [tilespmem:s21+$0x4100]  }
0x2a: {  	v11 =	vld [tilespmem:s21+$0x4110]  }
0x2b: {  	v5 =	vld [tilespmem:s21+$0x4120]  }
0x2c: {  	v4 =	vld [tilespmem:s21+$0x4130]  }
0x2d: {  	v3 =	vld [tilespmem:s21+$0x4140]  }
0x2e: {  	v2 =	vld [tilespmem:s21+$0x4150]  }
0x2f: {  	v1 =	vld [tilespmem:s21+$0x4160]  }
0x30: {  	v0 =	vld [tilespmem:s21+$0x4170]  }
0x31: {  	v12 =	vld [tilespmem:s21+$0x100]  }
0x32: {  	v13 =	vld [tilespmem:s21+$0x110]  }
0x33: {  	v10 =	vld [tilespmem:s21+$0x120]  }
0x34: {  	v9 =	vld [tilespmem:s21+$0x130]  }
0x35: {  	v8 =	vld [tilespmem:s21+$0x140]  }
0x36: {  	v7 =	vld [tilespmem:s21+$0x150];
	v12 =	vadd.f32 v6, v12  }
0x37: {  	s22 =	simm.s32 $0x200;
	v11 =	vadd.f32 v11, v13;
	v6 =	vld [tilespmem:s21+$0x160]  }
.LBB2_3:
0x38: {  	s23 =	sshra.s32 s22, $0x2;
	p0 =	sne.s32 s22, $0xFE00;
	v12 =	vmax.f32 v12, $0.0e+00;
	v5 =	vadd.f32 v5, v10;
	v10 =	vld [tilespmem:s21+$0x170]  }
0x39: {  	v13 =	vld [tilespmem:s23+$0x4100];
	[tilespmem:s21+$0x100] =	vst v12;
	v11 =	vmax.f32 v11, $0.0e+00;
	v4 =	vadd.f32 v4, v9  }
0x3a: {  	v14 =	vld [tilespmem:s23+$0x4110];
	[tilespmem:s21+$0x110] =	vst v11;
	v9 =	vmax.f32 v5, $0.0e+00;
	v3 =	vadd.f32 v3, v8  }
0x3b: {  	v5 =	vld [tilespmem:s23+$0x4120];
	[tilespmem:s21+$0x120] =	vst v9;
	v8 =	vmax.f32 v4, $0.0e+00;
	v2 =	vadd.f32 v2, v7  }
0x3c: {  	v4 =	vld [tilespmem:s23+$0x4130];
	[tilespmem:s21+$0x130] =	vst v8;
	v7 =	vmax.f32 v3, $0.0e+00;
	v1 =	vadd.f32 v1, v6  }
0x3d: {  	v3 =	vld [tilespmem:s23+$0x4140];
	[tilespmem:s21+$0x140] =	vst v7;
	v6 =	vmax.f32 v2, $0.0e+00;
	v0 =	vadd.f32 v0, v10  }
0x3e: {  	v2 =	vld [tilespmem:s23+$0x4150];
	[tilespmem:s21+$0x150] =	vst v6;
	v6 =	vmax.f32 v1, $0.0e+00  }
0x3f: {  	v1 =	vld [tilespmem:s23+$0x4160];
	[tilespmem:s21+$0x160] =	vst v6;
	v6 =	vmax.f32 v0, $0.0e+00  }
0x40: {  	v0 =	vld [tilespmem:s23+$0x4170];
	[tilespmem:s21+$0x170] =	vst v6;
	s21 =	smov.u32 s23  }
0x41: {  	v6 =	vld [tilespmem:s21+$0x100]  }
0x42: {  	v11 =	vld [tilespmem:s21+$0x110]  }
.Ltmp0:
0x43: {  	v10 =	vld [tilespmem:s21+$0x120];
	(pc) =	sbr.rel @p0 .LBB2_3-.Ltmp0, $4  }
0x44: {  	v9 =	vld [tilespmem:s21+$0x130]  }
0x45: {  	v8 =	vld [tilespmem:s21+$0x140]  }
0x46: {  	v12 =	vadd.f32 v13, v6;
	v7 =	vld [tilespmem:s21+$0x150]  }
0x47: {  	s22 =	sadd.s32 $0x200, s22;
	v11 =	vadd.f32 v14, v11;
	v6 =	vld [tilespmem:s21+$0x160]  }
0x48: {  	v12 =	vmax.f32 v12, $0.0e+00;
	v5 =	vadd.f32 v5, v10;
	v63 =	vld [tilespmem:s21+$0x170]  }
0x49: {  	[tilespmem:s21+$0x100] =	vst v12;
	v11 =	vmax.f32 v11, $0.0e+00;
	v4 =	vadd.f32 v4, v9  }
0x4a: {  	[tilespmem:s21+$0x110] =	vst v11;
	v5 =	vmax.f32 v5, $0.0e+00;
	v3 =	vadd.f32 v3, v8  }
0x4b: {  	[tilespmem:s21+$0x120] =	vst v5;
	v4 =	vmax.f32 v4, $0.0e+00;
	v2 =	vadd.f32 v2, v7  }
0x4c: {  	[tilespmem:s21+$0x130] =	vst v4;
	v3 =	vmax.f32 v3, $0.0e+00;
	v1 =	vadd.f32 v1, v6  }
0x4d: {  	[tilespmem:s21+$0x140] =	vst v3;
	v2 =	vmax.f32 v2, $0.0e+00;
	v0 =	vadd.f32 v0, v63  }
0x4e: {  	[tilespmem:s21+$0x150] =	vst v2;
	v1 =	vmax.f32 v1, $0.0e+00  }
0x4f: {  	s20 =	sadd.s32 $0x1, s20;
	[tilespmem:s21+$0x160] =	vst v1;
	v0 =	vmax.f32 v0, $0.0e+00  }
0x50: {  	p0 =	sne.s32 s20, $0x50;
	[tilespmem:s21+$0x170] =	vst v0  }
0x51: {  	[spmem:s1] =	stream.indirect.scatter.add.f32 [tilespmem:s16], [sflag:$0x2], $0x80, s15, s15, $0xb8;
	[tilespmem:$0x1BD00] =	vst v63  }
.Ltmp1:
0x52: {  	[smem:$0x1] =	sst s15;
	(pc) =	sbr.rel @p0 .LBB2_2-.Ltmp1, $4  }
0x53: {  	_ =	swait.ge [sflag:s14], $0x4000  }
0x54: {  	[sflag:s14] =	ssyncset.done $0x0  }
0x55: {  	[sflag:s14] =	ssyncadd.s32 $0xFFFFC000  }
0x56: {  	[smem:$0x0] =	sst s20  }
0x57: {  	s19 =	sadd.s32 $0x1, s19  }
0x58: {  	p0 =	sne.s32 s19, s12  }
.Ltmp2:
0x59: {  	[bflag:$0x0] =	sbarrier.arrive $0xFFFF;
	(pc) =	sbr.rel @p0 .LBB2_1-.Ltmp2, $4  }
0x5a: {  	[hbm:s11], [sflag:s9] =	dma.local [spmem:s13], $0x2780  }
0x5b: {  	_ =	swait.ge [sflag:s14], $0x2780  }
0x5c: {  	[sflag:s14] =	ssyncset.done $0x0  }
0x5d: {  	[sflag:s14] =	ssyncadd.s32 $0xFFFFD880  }
0x5e: {  	_ =	sfence.sel $0x180000  }
0x5f: {  	[bflag:$0x0] =	sbarrier.arrive $0xFFFF  }
0x60: {  	p0 =	sne.s32 s3, $0x0;
	_ =	strace $0x90000047  }
0x61: {  	s0 =	sadd.s32 @!p0 $0x100000, s0;
	[bflag:$0x2] =	sbarrier.arrive $0xFFFF  }
0x62: {  	[sflag:s0] =	ssyncadd.tile.s32 @!p0 $0x1;
	_ =	shalt  }
.Lfunc_end2:
_tile_overlayer_lowered:
.L_overlay_start_2:
0x63: {  	(tag) =	ssettag $0x2  }
0x64: {  	s0 =	rddreg [dreg:$0x0];
	s2 =	stileid.u32  }
0x65: {  	s1 =	rddreg [dreg:$0x1];
	p0 =	sne.s32 s2, $0x0  }
0x66: {  	s3 =	rddreg [dreg:$0x2];
	[bflag:$0x3] =	sbarrier.arrive $0xFFFF;
	s2 =	simm.s32 @!p0 $0x1C02  }
0x67: {  	[timem:s3], [sflag:s2] =	dma.local @!p0 [hbm:s0], s1  }
0x68: {  	s0 =	simm.s32 @!p0 $0x2  }
0x69: {  	_ =	swait.ge @!p0 [sflag:s0], s1  }
0x6a: {  	s1 =	ssub.s32 @!p0 $0x0, s1;
	[sflag:s0] =	ssyncset.done @!p0 $0x0  }
0x6b: {  	[sflag:s0] =	ssyncadd.s32 @!p0 s1  }
0x6c: {  	[bflag:$0x3] =	sbarrier.arrive $0xFFFF  }
0x6d: {  	_ =	shalt  }

// kernel: kernel.15.cloned.1.call-start
scs
__scs_entry_jumppad:
0x0: {  	(pc) =	sbr.rel $0x88, $3  }
0x1: {  	(tag) =	ssettag $0x0;
	lr =	simm.s32 $0x1  }
0x2: {  	[smem:$0x3F90] =	sst lr;
	_ =	strace $0xD0000000  }
0x3: {  	_ = 	snop  }
0x4: {  	_ = 	snop  }
0x5: {  	_ = 	snop  }
0x6: {  	_ = 	snop  }
0x7: {  	_ = 	snop  }
__scs_overlays_trampoline_lowered:
0x8: {  	[smem:$0x3F9F] =	sst s0  }
0x9: {  	[smem:$0x3FA0] =	sst s1  }
0xa: {  	[smem:$0x3FA1] =	sst s2  }
0xb: {  	[smem:$0x3FA2] =	sst s3  }
0xc: {  	[smem:$0x3FA3] =	sst s4  }
0xd: {  	[smem:$0x3FA4] =	sst s5  }
0xe: {  	[smem:$0x3FA5] =	sst s6  }
0xf: {  	[smem:$0x3FA6] =	sst s7  }
0x10: {  	[smem:$0x3FA7] =	sst s8  }
0x11: {  	[smem:$0x3FA8] =	sst s9;
	s0 =	simm.s32 @!p0 $0x0  }
0x12: {  	s1 =	sld [smem:$0x3F8E];
	s0 =	simm.s32 @p0 $0x1  }
0x13: {  	[smem:$0x3FA9] =	sst s0;
	s0 =	simm.s32 @!p1 $0x0  }
0x14: {  	s2 =	sld [smem:$0x3F8D];
	s0 =	simm.s32 @p1 $0x1  }
0x15: {  	[smem:$0x3FAA] =	sst s0;
	s0 =	simm.s32 @!p2 $0x0  }
0x16: {  	s3 =	sld [smem:$0x3FDB];
	s0 =	simm.s32 @p2 $0x1  }
0x17: {  	s4 =	simm.s32 $0x1BF5;
	[smem:$0x3FAC] =	sst s0  }
0x18: {  	s0 =	sld [smem:$0x3F8F];
	_ =	swait.ge [sflag:s4], $0x0  }
0x19: {  	s7 =	sld [smem:$0x3F90]  }
0x1a: {  	s8 =	sadd.s32 $0xFFFFE003, lr  }
0x1b: {  	s9 =	sadd.s32 $0xFFFFFEF7, lr;
	s5 =	simm.s32 $0xFFFFFFFF;
	p2 =	slt.u32 s8, $0xFFFFF086  }
0x1c: {  	p1 =	slt.u32 s9, $0xF7A;
	s5 =	simm.s32 @!p2 $0x0  }
0x1d: {  	s5 =	simm.s32 @p1 $0x1;
	p0 =	seq.s32 s7, s2  }
0x1e: {  	s7 =	smul.u32 @!p0 $0xF7A, s2;
	p2 =	seq.s32 @!p0 s5, $0x0  }
0x1f: {  	s9 =	smul.u32 $0xF7A, s1;
	s8 =	simm.s32 @!p0 $0x1BF5;
	p2 =	por !p2, p0  }
0x20: {  	[sflag:s8] =	ssyncset.s32 @!p0 $0xFFFFF086;
	s6 =	sadd.s32 @!p0 s3, s7;
	s7 =	simm.s32 @!p0 $0x108  }
0x21: {  	s3 =	sadd.s32 s3, s9;
	s6 =	sadd.s32 @!p0 $0x88, s6;
	s7 =	simm.s32 @p2 $0x1082  }
0x22: {  	[simem:s7], [sflag:s8] =	dma.local @!p0 [hbm:s6], $0xF7A  }
0x23: {  	s9 =	sor.u32 $0xD0000000, s2;
	s6 =	simm.s32 $0x108;
	_ =	swait.ge @!p0 [sflag:s8], $0x0  }
0x24: {  	s3 =	sadd.s32 $0x88, s3;
	s6 =	simm.s32 @!p1 $0x1082;
	[sflag:s4] =	ssyncset.s32 $0xFFFFF086  }
0x25: {  	[simem:s6], [sflag:s4] =	dma.local [hbm:s3], $0xF7A  }
0x26: {  	[smem:$0x3F90] =	sst s1;
	(tag) =	ssettag s2;
	_ =	strace s9  }
0x27: {  	s1 =	sld [smem:$0x3FA0]  }
0x28: {  	s2 =	sld [smem:$0x3FA1]  }
0x29: {  	s4 =	sld [smem:$0x3FA3]  }
0x2a: {  	p0 =	seq.s32 s5, $0x0;
	s5 =	sld [smem:$0x3FA4]  }
0x2b: {  	s6 =	sld [smem:$0x3FA5]  }
0x2c: {  	s7 =	sld [smem:$0x3FA6]  }
0x2d: {  	s3 =	simm.s32 $0x108;
	s8 =	sld [smem:$0x3FA7]  }
0x2e: {  	s3 =	simm.s32 @!p0 $0x1082;
	s9 =	sld [smem:$0x3FA8]  }
0x2f: {  	lr =	sadd.s32 s0, s3;
	s0 =	sld [smem:$0x3F9F]  }
0x30: {  	s3 =	sld [smem:$0x3FA2]  }
0x31: {  	[smem:$0x3FAB] =	sst s10  }
0x32: {  	s10 =	sld [smem:$0x3FA9];
	_ =	sdelay $0x3  }
0x33: {  	p0 =	seq.s32 s10, $0x1;
	s10 =	sld [smem:$0x3FAB];
	_ =	sdelay $0x3  }
0x34: {  	[smem:$0x3FAB] =	sst s10  }
0x35: {  	s10 =	sld [smem:$0x3FAA];
	_ =	sdelay $0x3  }
0x36: {  	p1 =	seq.s32 s10, $0x1;
	s10 =	sld [smem:$0x3FAB];
	_ =	sdelay $0x3  }
0x37: {  	[smem:$0x3FAB] =	sst s10  }
0x38: {  	s10 =	sld [smem:$0x3FAC]  }
0x39: {  	_ = 	snop;
	(pc) =	sbr.ind lr, $3  }
0x3a: {  	_ = 	snop  }
0x3b: {  	_ = 	snop  }
0x3c: {  	p2 =	seq.s32 s10, $0x1;
	s10 =	sld [smem:$0x3FAB]  }
0x3d: {  	_ =	shalt  }
0x3e: {  	_ =	shalt  }
0x3f: {  	_ =	shalt  }
0x40: {  	_ =	shalt  }
0x41: {  	_ =	shalt  }
0x42: {  	_ =	shalt  }
0x43: {  	_ =	shalt  }
0x44: {  	_ =	shalt  }
0x45: {  	_ =	shalt  }
0x46: {  	_ =	shalt  }
0x47: {  	_ =	shalt  }
0x48: {  	_ =	shalt  }
0x49: {  	_ =	shalt  }
0x4a: {  	_ =	shalt  }
0x4b: {  	_ =	shalt  }
0x4c: {  	_ =	shalt  }
0x4d: {  	_ =	shalt  }
0x4e: {  	_ =	shalt  }
0x4f: {  	_ =	shalt  }
0x50: {  	_ =	shalt  }
0x51: {  	_ =	shalt  }
0x52: {  	_ =	shalt  }
0x53: {  	_ =	shalt  }
0x54: {  	_ =	shalt  }
0x55: {  	_ =	shalt  }
0x56: {  	_ =	shalt  }
0x57: {  	_ =	shalt  }
0x58: {  	_ =	shalt  }
0x59: {  	_ =	shalt  }
0x5a: {  	_ =	shalt  }
0x5b: {  	_ =	shalt  }
0x5c: {  	_ =	shalt  }
0x5d: {  	_ =	shalt  }
0x5e: {  	_ =	shalt  }
0x5f: {  	_ =	shalt  }
0x60: {  	_ =	shalt  }
0x61: {  	_ =	shalt  }
0x62: {  	_ =	shalt  }
0x63: {  	_ =	shalt  }
0x64: {  	_ =	shalt  }
0x65: {  	_ =	shalt  }
0x66: {  	_ =	shalt  }
0x67: {  	_ =	shalt  }
0x68: {  	_ =	shalt  }
0x69: {  	_ =	shalt  }
0x6a: {  	_ =	shalt  }
0x6b: {  	_ =	shalt  }
0x6c: {  	_ =	shalt  }
0x6d: {  	_ =	shalt  }
0x6e: {  	_ =	shalt  }
0x6f: {  	_ =	shalt  }
0x70: {  	_ =	shalt  }
0x71: {  	_ =	shalt  }
0x72: {  	_ =	shalt  }
0x73: {  	_ =	shalt  }
0x74: {  	_ =	shalt  }
0x75: {  	_ =	shalt  }
0x76: {  	_ =	shalt  }
0x77: {  	_ =	shalt  }
0x78: {  	_ =	shalt  }
0x79: {  	_ =	shalt  }
0x7a: {  	_ =	shalt  }
0x7b: {  	_ =	shalt  }
0x7c: {  	_ =	shalt  }
0x7d: {  	_ =	shalt  }
0x7e: {  	_ =	shalt  }
0x7f: {  	_ =	shalt  }
0x80: {  	_ =	shalt  }
0x81: {  	_ =	shalt  }
0x82: {  	_ =	shalt  }
0x83: {  	_ =	shalt  }
0x84: {  	_ =	shalt  }
0x85: {  	_ =	shalt  }
0x86: {  	_ =	shalt  }
0x87: {  	_ =	shalt  }
.Lfunc_end0:
.L_simem_size_0:
called_computation.1_lowered:
.L_overlay_start_0:
0x88: {  	s2 =	sld [smem:$0x3FD9]  }
0x89: {  	s3 =	sld [smem:$0x3FFE];
	_ =	sdelay $0x1  }
0x8a: {  	s1 =	srdreg.scid  }
0x8b: {  	s0 =	sand.u32 $0x1, s1  }
0x8c: {  	s16 =	sshll.u32 s0, $0xA;
	s2 =	sadd.s32 s3, s2  }
0x8d: {  	s2 =	sadd.s32 s2, s16  }
0x8e: {  	[smem:$0x3FB7] =	sst s2  }
0x8f: {  	_ = 	snop  }
0x90: {  	(tm) =	ssettm $0x1  }
0x91: {  	s17 =	sld [smem:$0x3FFB];
	_ =	sdelay $0x3  }
0x92: {  	_ =	strace s17  }
0x93: {  	s2 =	sld [smem:$0x3FFC];
	_ =	sdelay $0x3  }
0x94: {  	_ =	strace s2  }
0x95: {  	s2 =	sld [smem:$0x3FFD];
	_ =	sdelay $0x3  }
0x96: {  	_ =	strace s2  }
0x97: {  	_ =	strace $0x8FFFFFFF  }
0x98: {  	s18 =	sld [smem:$0x3FDB];
	_ =	sdelay $0x1  }
0x99: {  	s19 =	simm.s32 $_scs_section_size  }
0x9a: {  	s4 =	simm.s32 $_size__tile_overlayer_lowered;
	s5 =	simm.s32 $_tile_overlayer_lowered  }
0x9b: {  	s22 =	simm.s32 $0x1BFF;
	s21 =	sshll.u32 s5, $0x1;
	s2 =	sadd.s32 s19, s18  }
0x9c: {  	s6 =	simm.s32 $0x0;
	s20 =	sshll.u32 s4, $0x1;
	s4 =	sadd.s32 s21, s2  }
0x9d: {  	[timem:s6], [sflag:s22] =	dma.local [hbm:s4], s20  }
0x9e: {  	_ =	swait.ge [sflag:s22], s20  }
0x9f: {  	s3 =	ssub.s32 $0x0, s20;
	[sflag:s22] =	ssyncset.done $0x0  }
0xa0: {  	[sflag:s22] =	ssyncadd.s32 s3;
	_ =	sdelay $0x1  }
0xa1: {  	s23 =	simm.s32 $0x1B8B  }
0xa2: {  	_ =	swait.ge [sflag:s23], $0x1  }
0xa3: {  	[sflag:s23] =	ssyncset.done $0x0  }
0xa4: {  	s25 =	simm.s32 $0x1B8E;
	s24 =	sld [smem:$0x3FFE];
	[sflag:s23] =	ssyncadd.s32 $0xFFFFFFFF  }
0xa5: {  	s26 =	simm.s32 $execute0_lowered;
	[smem:$0x3FD2] =	sst s25  }
0xa6: {  	s4 =	sshll.u32 s26, $0x1;
	_ =	strace $0x80000049;
	[dreg:$0x1] =	wrdreg $0xFFFFFFFF  }
0xa7: {  	s28 =	simm.s32 $_size_execute0_lowered;
	s2 =	sadd.s32 s2, s4;
	[dreg:$0x0] =	wrdreg $0x0  }
0xa8: {  	s4 =	sshll.u32 s28, $0x1;
	[dreg:$0x2] =	wrdreg s2  }
0xa9: {  	[dreg:$0x3] =	wrdreg s4  }
0xaa: {  	[dreg:$0x4] =	wrdreg $0xC0  }
0xab: {  	_ =	task [dreg:s6], $0x5FFFF  }
0xac: {  	[dreg:$0x1] =	wrdreg $0xFFFFFFFF  }
0xad: {  	[dreg:$0x0] =	wrdreg $0x60  }
0xae: {  	[dreg:$0x2] =	wrdreg s24  }
0xaf: {  	[dreg:$0x3] =	wrdreg $0x81000  }
0xb0: {  	[dreg:$0x4] =	wrdreg $0x9  }
0xb1: {  	_ =	task.clear_ibuf [dreg:s6], $0x5FFFF;
	_ =	strace $0x90000049  }
0xb2: {  	s29 =	simm.s32 $0x9;
	_ =	strace $0x8000004B  }
0xb3: {  	_ =	swait.ge [sflag:s29], $0x1  }
0xb4: {  	[sflag:s29] =	ssyncadd.s32 $0xFFFFFFFF  }
0xb5: {  	_ =	strace $0x9000004B  }
0xb6: {  	_ =	sfence  }
0xb7: {  	s30 =	sld [smem:$0x0];
	_ =	sdelay $0x2  }
0xb8: {  	s31 =	sshll.u32 s1, $0xD;
	s1 =	sshrl.u32 s1, $0x2  }
0xb9: {  	s3 =	sand.u32 $0x4000, s31;
	s1 =	sadd.s32 s1, s30  }
0xba: {  	s0 =	sor.u32 s3, s0;
	s1 =	sshll.u32 s1, $0x11  }
0xbb: {  	s0 =	sor.u32 s1, s0  }
0xbc: {  	s0 =	sadd.s32 $0x8F2B, s0  }
0xbd: {  	[sflag:s0] =	ssyncadd.remote.s32 $0x1  }
0xbe: {  	_ =	sfence.sel $0xFFFF  }
0xbf: {  	[dreg:$0x0] =	wrdreg $0xFFFFFFFF;
	(pc) =	sbr.abs _section_cstart, $3  }
0xc0: {  	[dreg:$0x1] =	wrdreg $0xFFFFFFFF  }
0xc1: {  	_ =	task.clear_ibuf [dreg:s6], $0x2FFFF;
	_ =	strace $0x9FFFFFFF  }
0xc2: {  	(tm) =	ssettm $0x7FFFFFFF  }
0xc3: {  	_ =	shalt  }
tec
execute0_lowered:
.L_overlay_start_1:
0x0: {  	(tag) =	ssettag $0x1  }
0x1: {  	s9 =	rddreg [dreg:$0x0]  }
0x2: {  	s1 =	rddreg [dreg:$0x1]  }
0x3: {  	s0 =	rddreg [dreg:$0x2];
	s2 =	simm.s32 $0x0  }
0x4: {  	s3 =	srdreg.scid;
	s15 =	simm.s32 $0x80;
	s16 =	simm.s32 $0x100  }
0x5: {  	s17 =	simm.s32 $0x1;
	s18 =	simm.s32 $0x4100;
	[smem:$0x7FF] =	sst s2  }
0x6: {  	s19 =	simm.s32 $0x0;
	s4 =	sadd.s32 $0x51D400, s9;
	s5 =	sadd.s32 $0x18EB400, s9  }
0x7: {  	s10 =	sand.u32 $0x1, s3;
	s6 =	sadd.s32 $0x509400, s9;
	s7 =	sadd.s32 $0x513400, s9  }
0x8: {  	s3 =	stileid.u32;
	s8 =	sadd.s32 $0x56B800, s9;
	s11 =	smul.u32 $0x13C000, s10  }
0x9: {  	s24 =	simm.s32 $0x0;
	_ =	strace $0x8000004A;
	s12 =	smul.u32 $0x13C00, s3  }
0xa: {  	s28 =	ssub.s32 $0x2, s10;
	s14 =	smul.u32 $0x4F000, s3;
	s29 =	sshll.u32 s10, $0x4  }
0xb: {  	s31 =	sshll.u32 s3, $0x6;
	s13 =	sshrl.u32 s28, $0x1;
	s10 =	sor.u32 s3, s29  }
0xc: {  	s11 =	sadd.s32 s12, s11;
	s12 =	ssub.s32 s28, s13;
	s30 =	sshrl.u32 s14, $0x2  }
0xd: {  	s10 =	smul.u32 $0x50, s10;
	s11 =	sshrl.u32 s11, $0x3;
	s14 =	sadd.s32 s30, s1  }
0xe: {  	s12 =	smax.u32 s12, $0x1;
	s11 =	sadd.s32 s11, s9;
	s9 =	sor.u32 $0x1C02, s31  }
0xf: {  	s13 =	sshrl.u32 s14, $0x3;
	s14 =	simm.s32 $0x2;
	s11 =	sadd.s32 $0x9400, s11  }
.LBB2_1:
0x10: {  	[spmem:s13], [sflag:s9] =	dma.local [hbm:s8], $0x2780  }
0x11: {  	_ =	swait.ge [sflag:s14], $0x2780  }
0x12: {  	[sflag:s14] =	ssyncset.done $0x0  }
0x13: {  	[sflag:s14] =	ssyncadd.s32 $0xFFFFD880  }
0x14: {  	[bflag:$0x0] =	sbarrier.arrive $0xFFFF  }
0x15: {  	s20 =	simm.s32 $0x0;
	[smem:$0x0] =	sst s2  }
.LBB2_2:
0x16: {  	s21 =	sadd.s32 s10, s20  }
0x17: {  	s22 =	sshll.u32 s21, $0x4  }
0x18: {  	s23 =	sadd.s32 s6, s22  }
0x19: {  	[tilespmem:s24], [sflag:$0x2] =	stream.linear.gather [hbm4b:s23+s24], $0x80, $0x38;
	[tilespmem:$0x1BD00] =	vst v63  }
0x1a: {  	_ =	swait.ge [sflag:s14], $0x80  }
0x1b: {  	[sflag:s14] =	ssyncset.done $0x0  }
0x1c: {  	s22 =	sadd.s32 s7, s22;
	[sflag:s14] =	ssyncadd.s32 $0xFFFFFF80  }
0x1d: {  	[tilespmem:s15], [sflag:$0x2] =	stream.linear.gather [hbm4b:s22+s24], $0x80, $0x38;
	[tilespmem:$0x1BD00] =	vst v63  }
0x1e: {  	_ =	swait.ge [sflag:s14], $0x80  }
0x1f: {  	[sflag:s14] =	ssyncset.done $0x0  }
0x20: {  	[sflag:s14] =	ssyncadd.s32 $0xFFFFFF80  }
0x21: {  	[tilespmem:s16], [sflag:$0x1] =	stream.indirect.gather [hbm4b:s4+s15], $0x80, s24, s15, $0xb8;
	[tilespmem:$0x1BD00] =	vst v63  }
0x22: {  	_ =	swait.ge [sflag:s17], $0x4000  }
0x23: {  	s21 =	sshll.u32 s21, $0xB;
	[sflag:s17] =	ssyncset.done $0x0  }
0x24: {  	s21 =	sadd.s32 s5, s21;
	[sflag:s17] =	ssyncadd.s32 $0xFFFFC000  }
0x25: {  	[tilespmem:s18], [sflag:$0x2] =	stream.linear.gather [hbm4b:s21+s24], $0x4000, $0x38;
	[tilespmem:$0x1BD00] =	vst v63  }
0x26: {  	_ =	swait.ge [sflag:s14], $0x4000  }
0x27: {  	[sflag:s14] =	ssyncset.done $0x0  }
0x28: {  	s21 =	simm.s32 $0x0;
	[sflag:s14] =	ssyncadd.s32 $0xFFFFC000  }
0x29: {  	v6 =	vld [tilespmem:s21+$0x4100]  }
0x2a: {  	v11 =	vld [tilespmem:s21+$0x4110]  }
0x2b: {  	v5 =	vld [tilespmem:s21+$0x4120]  }
0x2c: {  	v4 =	vld [tilespmem:s21+$0x4130]  }
0x2d: {  	v3 =	vld [tilespmem:s21+$0x4140]  }
0x2e: {  	v2 =	vld [tilespmem:s21+$0x4150]  }
0x2f: {  	v1 =	vld [tilespmem:s21+$0x4160]  }
0x30: {  	v0 =	vld [tilespmem:s21+$0x4170]  }
0x31: {  	v12 =	vld [tilespmem:s21+$0x100]  }
0x32: {  	v13 =	vld [tilespmem:s21+$0x110]  }
0x33: {  	v10 =	vld [tilespmem:s21+$0x120]  }
0x34: {  	v9 =	vld [tilespmem:s21+$0x130]  }
0x35: {  	v8 =	vld [tilespmem:s21+$0x140]  }
0x36: {  	v7 =	vld [tilespmem:s21+$0x150];
	v12 =	vadd.f32 v6, v12  }
0x37: {  	s22 =	simm.s32 $0x200;
	v11 =	vadd.f32 v11, v13;
	v6 =	vld [tilespmem:s21+$0x160]  }
.LBB2_3:
0x38: {  	s23 =	sshra.s32 s22, $0x2;
	p0 =	sne.s32 s22, $0xFE00;
	v12 =	vmax.f32 v12, $0.0e+00;
	v5 =	vadd.f32 v5, v10;
	v10 =	vld [tilespmem:s21+$0x170]  }
0x39: {  	v13 =	vld [tilespmem:s23+$0x4100];
	[tilespmem:s21+$0x100] =	vst v12;
	v11 =	vmax.f32 v11, $0.0e+00;
	v4 =	vadd.f32 v4, v9  }
0x3a: {  	v14 =	vld [tilespmem:s23+$0x4110];
	[tilespmem:s21+$0x110] =	vst v11;
	v9 =	vmax.f32 v5, $0.0e+00;
	v3 =	vadd.f32 v3, v8  }
0x3b: {  	v5 =	vld [tilespmem:s23+$0x4120];
	[tilespmem:s21+$0x120] =	vst v9;
	v8 =	vmax.f32 v4, $0.0e+00;
	v2 =	vadd.f32 v2, v7  }
0x3c: {  	v4 =	vld [tilespmem:s23+$0x4130];
	[tilespmem:s21+$0x130] =	vst v8;
	v7 =	vmax.f32 v3, $0.0e+00;
	v1 =	vadd.f32 v1, v6  }
0x3d: {  	v3 =	vld [tilespmem:s23+$0x4140];
	[tilespmem:s21+$0x140] =	vst v7;
	v6 =	vmax.f32 v2, $0.0e+00;
	v0 =	vadd.f32 v0, v10  }
0x3e: {  	v2 =	vld [tilespmem:s23+$0x4150];
	[tilespmem:s21+$0x150] =	vst v6;
	v6 =	vmax.f32 v1, $0.0e+00  }
0x3f: {  	v1 =	vld [tilespmem:s23+$0x4160];
	[tilespmem:s21+$0x160] =	vst v6;
	v6 =	vmax.f32 v0, $0.0e+00  }
0x40: {  	v0 =	vld [tilespmem:s23+$0x4170];
	[tilespmem:s21+$0x170] =	vst v6;
	s21 =	smov.u32 s23  }
0x41: {  	v6 =	vld [tilespmem:s21+$0x100]  }
0x42: {  	v11 =	vld [tilespmem:s21+$0x110]  }
.Ltmp0:
0x43: {  	v10 =	vld [tilespmem:s21+$0x120];
	(pc) =	sbr.rel @p0 .LBB2_3-.Ltmp0, $4  }
0x44: {  	v9 =	vld [tilespmem:s21+$0x130]  }
0x45: {  	v8 =	vld [tilespmem:s21+$0x140]  }
0x46: {  	v12 =	vadd.f32 v13, v6;
	v7 =	vld [tilespmem:s21+$0x150]  }
0x47: {  	s22 =	sadd.s32 $0x200, s22;
	v11 =	vadd.f32 v14, v11;
	v6 =	vld [tilespmem:s21+$0x160]  }
0x48: {  	v12 =	vmax.f32 v12, $0.0e+00;
	v5 =	vadd.f32 v5, v10;
	v63 =	vld [tilespmem:s21+$0x170]  }
0x49: {  	[tilespmem:s21+$0x100] =	vst v12;
	v11 =	vmax.f32 v11, $0.0e+00;
	v4 =	vadd.f32 v4, v9  }
0x4a: {  	[tilespmem:s21+$0x110] =	vst v11;
	v5 =	vmax.f32 v5, $0.0e+00;
	v3 =	vadd.f32 v3, v8  }
0x4b: {  	[tilespmem:s21+$0x120] =	vst v5;
	v4 =	vmax.f32 v4, $0.0e+00;
	v2 =	vadd.f32 v2, v7  }
0x4c: {  	[tilespmem:s21+$0x130] =	vst v4;
	v3 =	vmax.f32 v3, $0.0e+00;
	v1 =	vadd.f32 v1, v6  }
0x4d: {  	[tilespmem:s21+$0x140] =	vst v3;
	v2 =	vmax.f32 v2, $0.0e+00;
	v0 =	vadd.f32 v0, v63  }
0x4e: {  	[tilespmem:s21+$0x150] =	vst v2;
	v1 =	vmax.f32 v1, $0.0e+00  }
0x4f: {  	s20 =	sadd.s32 $0x1, s20;
	[tilespmem:s21+$0x160] =	vst v1;
	v0 =	vmax.f32 v0, $0.0e+00  }
0x50: {  	p0 =	sne.s32 s20, $0x50;
	[tilespmem:s21+$0x170] =	vst v0  }
0x51: {  	[spmem:s1] =	stream.indirect.scatter.add.f32 [tilespmem:s16], [sflag:$0x2], $0x80, s15, s15, $0xb8;
	[tilespmem:$0x1BD00] =	vst v63  }
.Ltmp1:
0x52: {  	[smem:$0x1] =	sst s15;
	(pc) =	sbr.rel @p0 .LBB2_2-.Ltmp1, $4  }
0x53: {  	_ =	swait.ge [sflag:s14], $0x4000  }
0x54: {  	[sflag:s14] =	ssyncset.done $0x0  }
0x55: {  	[sflag:s14] =	ssyncadd.s32 $0xFFFFC000  }
0x56: {  	[smem:$0x0] =	sst s20  }
0x57: {  	s19 =	sadd.s32 $0x1, s19  }
0x58: {  	p0 =	sne.s32 s19, s12  }
.Ltmp2:
0x59: {  	[bflag:$0x0] =	sbarrier.arrive $0xFFFF;
	(pc) =	sbr.rel @p0 .LBB2_1-.Ltmp2, $4  }
0x5a: {  	[hbm:s11], [sflag:s9] =	dma.local [spmem:s13], $0x2780  }
0x5b: {  	_ =	swait.ge [sflag:s14], $0x2780  }
0x5c: {  	[sflag:s14] =	ssyncset.done $0x0  }
0x5d: {  	[sflag:s14] =	ssyncadd.s32 $0xFFFFD880  }
0x5e: {  	_ =	sfence.sel $0x180000  }
0x5f: {  	[bflag:$0x0] =	sbarrier.arrive $0xFFFF  }
0x60: {  	p0 =	sne.s32 s3, $0x0;
	_ =	strace $0x9000004A  }
0x61: {  	s0 =	sadd.s32 @!p0 $0x100000, s0;
	[bflag:$0x2] =	sbarrier.arrive $0xFFFF  }
0x62: {  	[sflag:s0] =	ssyncadd.tile.s32 @!p0 $0x1;
	_ =	shalt  }
.Lfunc_end2:
_tile_overlayer_lowered:
.L_overlay_start_2:
0x63: {  	(tag) =	ssettag $0x2  }
0x64: {  	s0 =	rddreg [dreg:$0x0];
	s2 =	stileid.u32  }
0x65: {  	s1 =	rddreg [dreg:$0x1];
	p0 =	sne.s32 s2, $0x0  }
0x66: {  	s3 =	rddreg [dreg:$0x2];
	[bflag:$0x3] =	sbarrier.arrive $0xFFFF;
	s2 =	simm.s32 @!p0 $0x1C02  }
0x67: {  	[timem:s3], [sflag:s2] =	dma.local @!p0 [hbm:s0], s1  }
0x68: {  	s0 =	simm.s32 @!p0 $0x2  }
0x69: {  	_ =	swait.ge @!p0 [sflag:s0], s1  }
0x6a: {  	s1 =	ssub.s32 @!p0 $0x0, s1;
	[sflag:s0] =	ssyncset.done @!p0 $0x0  }
0x6b: {  	[sflag:s0] =	ssyncadd.s32 @!p0 s1  }
0x6c: {  	[bflag:$0x3] =	sbarrier.arrive $0xFFFF  }
0x6d: {  	_ =	shalt  }

// kernel: kernel.18.cloned.1.call-start
scs
__scs_entry_jumppad:
0x0: {  	(pc) =	sbr.rel $0x88, $3  }
0x1: {  	(tag) =	ssettag $0x0;
	lr =	simm.s32 $0x1  }
0x2: {  	[smem:$0x3F90] =	sst lr;
	_ =	strace $0xD0000000  }
0x3: {  	_ = 	snop  }
0x4: {  	_ = 	snop  }
0x5: {  	_ = 	snop  }
0x6: {  	_ = 	snop  }
0x7: {  	_ = 	snop  }
__scs_overlays_trampoline_lowered:
0x8: {  	[smem:$0x3F9F] =	sst s0  }
0x9: {  	[smem:$0x3FA0] =	sst s1  }
0xa: {  	[smem:$0x3FA1] =	sst s2  }
0xb: {  	[smem:$0x3FA2] =	sst s3  }
0xc: {  	[smem:$0x3FA3] =	sst s4  }
0xd: {  	[smem:$0x3FA4] =	sst s5  }
0xe: {  	[smem:$0x3FA5] =	sst s6  }
0xf: {  	[smem:$0x3FA6] =	sst s7  }
0x10: {  	[smem:$0x3FA7] =	sst s8  }
0x11: {  	[smem:$0x3FA8] =	sst s9;
	s0 =	simm.s32 @!p0 $0x0  }
0x12: {  	s1 =	sld [smem:$0x3F8E];
	s0 =	simm.s32 @p0 $0x1  }
0x13: {  	[smem:$0x3FA9] =	sst s0;
	s0 =	simm.s32 @!p1 $0x0  }
0x14: {  	s2 =	sld [smem:$0x3F8D];
	s0 =	simm.s32 @p1 $0x1  }
0x15: {  	[smem:$0x3FAA] =	sst s0;
	s0 =	simm.s32 @!p2 $0x0  }
0x16: {  	s3 =	sld [smem:$0x3FDB];
	s0 =	simm.s32 @p2 $0x1  }
0x17: {  	s4 =	simm.s32 $0x1BF5;
	[smem:$0x3FAC] =	sst s0  }
0x18: {  	s0 =	sld [smem:$0x3F8F];
	_ =	swait.ge [sflag:s4], $0x0  }
0x19: {  	s7 =	sld [smem:$0x3F90]  }
0x1a: {  	s8 =	sadd.s32 $0xFFFFE003, lr  }
0x1b: {  	s9 =	sadd.s32 $0xFFFFFEF7, lr;
	s5 =	simm.s32 $0xFFFFFFFF;
	p2 =	slt.u32 s8, $0xFFFFF086  }
0x1c: {  	p1 =	slt.u32 s9, $0xF7A;
	s5 =	simm.s32 @!p2 $0x0  }
0x1d: {  	s5 =	simm.s32 @p1 $0x1;
	p0 =	seq.s32 s7, s2  }
0x1e: {  	s7 =	smul.u32 @!p0 $0xF7A, s2;
	p2 =	seq.s32 @!p0 s5, $0x0  }
0x1f: {  	s9 =	smul.u32 $0xF7A, s1;
	s8 =	simm.s32 @!p0 $0x1BF5;
	p2 =	por !p2, p0  }
0x20: {  	[sflag:s8] =	ssyncset.s32 @!p0 $0xFFFFF086;
	s6 =	sadd.s32 @!p0 s3, s7;
	s7 =	simm.s32 @!p0 $0x108  }
0x21: {  	s3 =	sadd.s32 s3, s9;
	s6 =	sadd.s32 @!p0 $0x88, s6;
	s7 =	simm.s32 @p2 $0x1082  }
0x22: {  	[simem:s7], [sflag:s8] =	dma.local @!p0 [hbm:s6], $0xF7A  }
0x23: {  	s9 =	sor.u32 $0xD0000000, s2;
	s6 =	simm.s32 $0x108;
	_ =	swait.ge @!p0 [sflag:s8], $0x0  }
0x24: {  	s3 =	sadd.s32 $0x88, s3;
	s6 =	simm.s32 @!p1 $0x1082;
	[sflag:s4] =	ssyncset.s32 $0xFFFFF086  }
0x25: {  	[simem:s6], [sflag:s4] =	dma.local [hbm:s3], $0xF7A  }
0x26: {  	[smem:$0x3F90] =	sst s1;
	(tag) =	ssettag s2;
	_ =	strace s9  }
0x27: {  	s1 =	sld [smem:$0x3FA0]  }
0x28: {  	s2 =	sld [smem:$0x3FA1]  }
0x29: {  	s4 =	sld [smem:$0x3FA3]  }
0x2a: {  	p0 =	seq.s32 s5, $0x0;
	s5 =	sld [smem:$0x3FA4]  }
0x2b: {  	s6 =	sld [smem:$0x3FA5]  }
0x2c: {  	s7 =	sld [smem:$0x3FA6]  }
0x2d: {  	s3 =	simm.s32 $0x108;
	s8 =	sld [smem:$0x3FA7]  }
0x2e: {  	s3 =	simm.s32 @!p0 $0x1082;
	s9 =	sld [smem:$0x3FA8]  }
0x2f: {  	lr =	sadd.s32 s0, s3;
	s0 =	sld [smem:$0x3F9F]  }
0x30: {  	s3 =	sld [smem:$0x3FA2]  }
0x31: {  	[smem:$0x3FAB] =	sst s10  }
0x32: {  	s10 =	sld [smem:$0x3FA9];
	_ =	sdelay $0x3  }
0x33: {  	p0 =	seq.s32 s10, $0x1;
	s10 =	sld [smem:$0x3FAB];
	_ =	sdelay $0x3  }
0x34: {  	[smem:$0x3FAB] =	sst s10  }
0x35: {  	s10 =	sld [smem:$0x3FAA];
	_ =	sdelay $0x3  }
0x36: {  	p1 =	seq.s32 s10, $0x1;
	s10 =	sld [smem:$0x3FAB];
	_ =	sdelay $0x3  }
0x37: {  	[smem:$0x3FAB] =	sst s10  }
0x38: {  	s10 =	sld [smem:$0x3FAC]  }
0x39: {  	_ = 	snop;
	(pc) =	sbr.ind lr, $3  }
0x3a: {  	_ = 	snop  }
0x3b: {  	_ = 	snop  }
0x3c: {  	p2 =	seq.s32 s10, $0x1;
	s10 =	sld [smem:$0x3FAB]  }
0x3d: {  	_ =	shalt  }
0x3e: {  	_ =	shalt  }
0x3f: {  	_ =	shalt  }
0x40: {  	_ =	shalt  }
0x41: {  	_ =	shalt  }
0x42: {  	_ =	shalt  }
0x43: {  	_ =	shalt  }
0x44: {  	_ =	shalt  }
0x45: {  	_ =	shalt  }
0x46: {  	_ =	shalt  }
0x47: {  	_ =	shalt  }
0x48: {  	_ =	shalt  }
0x49: {  	_ =	shalt  }
0x4a: {  	_ =	shalt  }
0x4b: {  	_ =	shalt  }
0x4c: {  	_ =	shalt  }
0x4d: {  	_ =	shalt  }
0x4e: {  	_ =	shalt  }
0x4f: {  	_ =	shalt  }
0x50: {  	_ =	shalt  }
0x51: {  	_ =	shalt  }
0x52: {  	_ =	shalt  }
0x53: {  	_ =	shalt  }
0x54: {  	_ =	shalt  }
0x55: {  	_ =	shalt  }
0x56: {  	_ =	shalt  }
0x57: {  	_ =	shalt  }
0x58: {  	_ =	shalt  }
0x59: {  	_ =	shalt  }
0x5a: {  	_ =	shalt  }
0x5b: {  	_ =	shalt  }
0x5c: {  	_ =	shalt  }
0x5d: {  	_ =	shalt  }
0x5e: {  	_ =	shalt  }
0x5f: {  	_ =	shalt  }
0x60: {  	_ =	shalt  }
0x61: {  	_ =	shalt  }
0x62: {  	_ =	shalt  }
0x63: {  	_ =	shalt  }
0x64: {  	_ =	shalt  }
0x65: {  	_ =	shalt  }
0x66: {  	_ =	shalt  }
0x67: {  	_ =	shalt  }
0x68: {  	_ =	shalt  }
0x69: {  	_ =	shalt  }
0x6a: {  	_ =	shalt  }
0x6b: {  	_ =	shalt  }
0x6c: {  	_ =	shalt  }
0x6d: {  	_ =	shalt  }
0x6e: {  	_ =	shalt  }
0x6f: {  	_ =	shalt  }
0x70: {  	_ =	shalt  }
0x71: {  	_ =	shalt  }
0x72: {  	_ =	shalt  }
0x73: {  	_ =	shalt  }
0x74: {  	_ =	shalt  }
0x75: {  	_ =	shalt  }
0x76: {  	_ =	shalt  }
0x77: {  	_ =	shalt  }
0x78: {  	_ =	shalt  }
0x79: {  	_ =	shalt  }
0x7a: {  	_ =	shalt  }
0x7b: {  	_ =	shalt  }
0x7c: {  	_ =	shalt  }
0x7d: {  	_ =	shalt  }
0x7e: {  	_ =	shalt  }
0x7f: {  	_ =	shalt  }
0x80: {  	_ =	shalt  }
0x81: {  	_ =	shalt  }
0x82: {  	_ =	shalt  }
0x83: {  	_ =	shalt  }
0x84: {  	_ =	shalt  }
0x85: {  	_ =	shalt  }
0x86: {  	_ =	shalt  }
0x87: {  	_ =	shalt  }
.Lfunc_end0:
.L_simem_size_0:
called_computation.2_lowered:
.L_overlay_start_0:
0x88: {  	s2 =	sld [smem:$0x3FD9]  }
0x89: {  	s3 =	sld [smem:$0x3FFE];
	_ =	sdelay $0x1  }
0x8a: {  	s1 =	srdreg.scid  }
0x8b: {  	s0 =	sand.u32 $0x1, s1  }
0x8c: {  	s16 =	sshll.u32 s0, $0xA;
	s2 =	sadd.s32 s3, s2  }
0x8d: {  	s2 =	sadd.s32 s2, s16  }
0x8e: {  	[smem:$0x3FB7] =	sst s2  }
0x8f: {  	_ = 	snop  }
0x90: {  	(tm) =	ssettm $0x1  }
0x91: {  	s17 =	sld [smem:$0x3FFB];
	_ =	sdelay $0x3  }
0x92: {  	_ =	strace s17  }
0x93: {  	s2 =	sld [smem:$0x3FFC];
	_ =	sdelay $0x3  }
0x94: {  	_ =	strace s2  }
0x95: {  	s2 =	sld [smem:$0x3FFD];
	_ =	sdelay $0x3  }
0x96: {  	_ =	strace s2  }
0x97: {  	_ =	strace $0x8FFFFFFF  }
0x98: {  	s18 =	sld [smem:$0x3FDB];
	_ =	sdelay $0x1  }
0x99: {  	s19 =	simm.s32 $_scs_section_size  }
0x9a: {  	s4 =	simm.s32 $_size__tile_overlayer_lowered;
	s5 =	simm.s32 $_tile_overlayer_lowered  }
0x9b: {  	s22 =	simm.s32 $0x1BFF;
	s21 =	sshll.u32 s5, $0x1;
	s2 =	sadd.s32 s19, s18  }
0x9c: {  	s6 =	simm.s32 $0x0;
	s20 =	sshll.u32 s4, $0x1;
	s4 =	sadd.s32 s21, s2  }
0x9d: {  	[timem:s6], [sflag:s22] =	dma.local [hbm:s4], s20  }
0x9e: {  	_ =	swait.ge [sflag:s22], s20  }
0x9f: {  	s3 =	ssub.s32 $0x0, s20;
	[sflag:s22] =	ssyncset.done $0x0  }
0xa0: {  	[sflag:s22] =	ssyncadd.s32 s3;
	_ =	sdelay $0x1  }
0xa1: {  	s23 =	simm.s32 $0x1B8B  }
0xa2: {  	_ =	swait.ge [sflag:s23], $0x1  }
0xa3: {  	[sflag:s23] =	ssyncset.done $0x0  }
0xa4: {  	s25 =	simm.s32 $0x1B8E;
	s24 =	sld [smem:$0x3FFE];
	[sflag:s23] =	ssyncadd.s32 $0xFFFFFFFF  }
0xa5: {  	s26 =	simm.s32 $execute0_lowered;
	[smem:$0x3FD2] =	sst s25  }
0xa6: {  	s4 =	sshll.u32 s26, $0x1;
	_ =	strace $0x8000004C;
	[dreg:$0x1] =	wrdreg $0xFFFFFFFF  }
0xa7: {  	s28 =	simm.s32 $_size_execute0_lowered;
	s2 =	sadd.s32 s2, s4;
	[dreg:$0x0] =	wrdreg $0x0  }
0xa8: {  	s4 =	sshll.u32 s28, $0x1;
	[dreg:$0x2] =	wrdreg s2  }
0xa9: {  	[dreg:$0x3] =	wrdreg s4  }
0xaa: {  	[dreg:$0x4] =	wrdreg $0xC0  }
0xab: {  	_ =	task [dreg:s6], $0x5FFFF  }
0xac: {  	[dreg:$0x1] =	wrdreg $0xFFFFFFFF  }
0xad: {  	[dreg:$0x0] =	wrdreg $0x60  }
0xae: {  	[dreg:$0x2] =	wrdreg s24  }
0xaf: {  	[dreg:$0x3] =	wrdreg $0x81000  }
0xb0: {  	[dreg:$0x4] =	wrdreg $0x9  }
0xb1: {  	_ =	task.clear_ibuf [dreg:s6], $0x5FFFF;
	_ =	strace $0x9000004C  }
0xb2: {  	s29 =	simm.s32 $0x9;
	_ =	strace $0x8000004E  }
0xb3: {  	_ =	swait.ge [sflag:s29], $0x1  }
0xb4: {  	[sflag:s29] =	ssyncadd.s32 $0xFFFFFFFF  }
0xb5: {  	_ =	strace $0x9000004E  }
0xb6: {  	_ =	sfence  }
0xb7: {  	s30 =	sld [smem:$0x0];
	_ =	sdelay $0x2  }
0xb8: {  	s31 =	sshll.u32 s1, $0xD;
	s1 =	sshrl.u32 s1, $0x2  }
0xb9: {  	s3 =	sand.u32 $0x4000, s31;
	s1 =	sadd.s32 s1, s30  }
0xba: {  	s0 =	sor.u32 s3, s0;
	s1 =	sshll.u32 s1, $0x11  }
0xbb: {  	s0 =	sor.u32 s1, s0  }
0xbc: {  	s0 =	sadd.s32 $0x8F2B, s0  }
0xbd: {  	[sflag:s0] =	ssyncadd.remote.s32 $0x1  }
0xbe: {  	_ =	sfence.sel $0xFFFF  }
0xbf: {  	[dreg:$0x0] =	wrdreg $0xFFFFFFFF;
	(pc) =	sbr.abs _section_cstart, $3  }
0xc0: {  	[dreg:$0x1] =	wrdreg $0xFFFFFFFF  }
0xc1: {  	_ =	task.clear_ibuf [dreg:s6], $0x2FFFF;
	_ =	strace $0x9FFFFFFF  }
0xc2: {  	(tm) =	ssettm $0x7FFFFFFF  }
0xc3: {  	_ =	shalt  }
tec
execute0_lowered:
.L_overlay_start_1:
0x0: {  	(tag) =	ssettag $0x1  }
0x1: {  	s9 =	rddreg [dreg:$0x0]  }
0x2: {  	s1 =	rddreg [dreg:$0x1]  }
0x3: {  	s0 =	rddreg [dreg:$0x2];
	s2 =	simm.s32 $0x0  }
0x4: {  	s3 =	srdreg.scid;
	s15 =	simm.s32 $0x80;
	s16 =	simm.s32 $0x100  }
0x5: {  	s17 =	simm.s32 $0x1;
	s18 =	simm.s32 $0x4100;
	[smem:$0x7FF] =	sst s2  }
0x6: {  	s19 =	simm.s32 $0x0;
	s4 =	sadd.s32 $0x51D400, s9;
	s5 =	sadd.s32 $0x1DEB400, s9  }
0x7: {  	s10 =	sand.u32 $0x1, s3;
	s6 =	sadd.s32 $0x509400, s9;
	s7 =	sadd.s32 $0x513400, s9  }
0x8: {  	s3 =	stileid.u32;
	s8 =	sadd.s32 $0x56B800, s9;
	s11 =	smul.u32 $0x13C000, s10  }
0x9: {  	s24 =	simm.s32 $0x0;
	_ =	strace $0x8000004D;
	s12 =	smul.u32 $0x13C00, s3  }
0xa: {  	s28 =	ssub.s32 $0x2, s10;
	s14 =	smul.u32 $0x4F000, s3;
	s29 =	sshll.u32 s10, $0x4  }
0xb: {  	s31 =	sshll.u32 s3, $0x6;
	s13 =	sshrl.u32 s28, $0x1;
	s10 =	sor.u32 s3, s29  }
0xc: {  	s11 =	sadd.s32 s12, s11;
	s12 =	ssub.s32 s28, s13;
	s30 =	sshrl.u32 s14, $0x2  }
0xd: {  	s10 =	smul.u32 $0x50, s10;
	s11 =	sshrl.u32 s11, $0x3;
	s14 =	sadd.s32 s30, s1  }
0xe: {  	s12 =	smax.u32 s12, $0x1;
	s11 =	sadd.s32 s11, s9;
	s9 =	sor.u32 $0x1C02, s31  }
0xf: {  	s13 =	sshrl.u32 s14, $0x3;
	s14 =	simm.s32 $0x2;
	s11 =	sadd.s32 $0x9400, s11  }
.LBB2_1:
0x10: {  	[spmem:s13], [sflag:s9] =	dma.local [hbm:s8], $0x2780  }
0x11: {  	_ =	swait.ge [sflag:s14], $0x2780  }
0x12: {  	[sflag:s14] =	ssyncset.done $0x0  }
0x13: {  	[sflag:s14] =	ssyncadd.s32 $0xFFFFD880  }
0x14: {  	[bflag:$0x0] =	sbarrier.arrive $0xFFFF  }
0x15: {  	s20 =	simm.s32 $0x0;
	[smem:$0x0] =	sst s2  }
.LBB2_2:
0x16: {  	s21 =	sadd.s32 s10, s20  }
0x17: {  	s22 =	sshll.u32 s21, $0x4  }
0x18: {  	s23 =	sadd.s32 s6, s22  }
0x19: {  	[tilespmem:s24], [sflag:$0x2] =	stream.linear.gather [hbm4b:s23+s24], $0x80, $0x38;
	[tilespmem:$0x1BD00] =	vst v63  }
0x1a: {  	_ =	swait.ge [sflag:s14], $0x80  }
0x1b: {  	[sflag:s14] =	ssyncset.done $0x0  }
0x1c: {  	s22 =	sadd.s32 s7, s22;
	[sflag:s14] =	ssyncadd.s32 $0xFFFFFF80  }
0x1d: {  	[tilespmem:s15], [sflag:$0x2] =	stream.linear.gather [hbm4b:s22+s24], $0x80, $0x38;
	[tilespmem:$0x1BD00] =	vst v63  }
0x1e: {  	_ =	swait.ge [sflag:s14], $0x80  }
0x1f: {  	[sflag:s14] =	ssyncset.done $0x0  }
0x20: {  	[sflag:s14] =	ssyncadd.s32 $0xFFFFFF80  }
0x21: {  	[tilespmem:s16], [sflag:$0x1] =	stream.indirect.gather [hbm4b:s4+s15], $0x80, s24, s15, $0xb8;
	[tilespmem:$0x1BD00] =	vst v63  }
0x22: {  	_ =	swait.ge [sflag:s17], $0x4000  }
0x23: {  	s21 =	sshll.u32 s21, $0xB;
	[sflag:s17] =	ssyncset.done $0x0  }
0x24: {  	s21 =	sadd.s32 s5, s21;
	[sflag:s17] =	ssyncadd.s32 $0xFFFFC000  }
0x25: {  	[tilespmem:s18], [sflag:$0x2] =	stream.linear.gather [hbm4b:s21+s24], $0x4000, $0x38;
	[tilespmem:$0x1BD00] =	vst v63  }
0x26: {  	_ =	swait.ge [sflag:s14], $0x4000  }
0x27: {  	[sflag:s14] =	ssyncset.done $0x0  }
0x28: {  	s21 =	simm.s32 $0x0;
	[sflag:s14] =	ssyncadd.s32 $0xFFFFC000  }
0x29: {  	v6 =	vld [tilespmem:s21+$0x4100]  }
0x2a: {  	v11 =	vld [tilespmem:s21+$0x4110]  }
0x2b: {  	v5 =	vld [tilespmem:s21+$0x4120]  }
0x2c: {  	v4 =	vld [tilespmem:s21+$0x4130]  }
0x2d: {  	v3 =	vld [tilespmem:s21+$0x4140]  }
0x2e: {  	v2 =	vld [tilespmem:s21+$0x4150]  }
0x2f: {  	v1 =	vld [tilespmem:s21+$0x4160]  }
0x30: {  	v0 =	vld [tilespmem:s21+$0x4170]  }
0x31: {  	v12 =	vld [tilespmem:s21+$0x100]  }
0x32: {  	v13 =	vld [tilespmem:s21+$0x110]  }
0x33: {  	v10 =	vld [tilespmem:s21+$0x120]  }
0x34: {  	v9 =	vld [tilespmem:s21+$0x130]  }
0x35: {  	v8 =	vld [tilespmem:s21+$0x140]  }
0x36: {  	v7 =	vld [tilespmem:s21+$0x150];
	v12 =	vadd.f32 v6, v12  }
0x37: {  	s22 =	simm.s32 $0x200;
	v11 =	vadd.f32 v11, v13;
	v6 =	vld [tilespmem:s21+$0x160]  }
.LBB2_3:
0x38: {  	s23 =	sshra.s32 s22, $0x2;
	p0 =	sne.s32 s22, $0xFE00;
	v12 =	vmax.f32 v12, $0.0e+00;
	v5 =	vadd.f32 v5, v10;
	v10 =	vld [tilespmem:s21+$0x170]  }
0x39: {  	v13 =	vld [tilespmem:s23+$0x4100];
	[tilespmem:s21+$0x100] =	vst v12;
	v11 =	vmax.f32 v11, $0.0e+00;
	v4 =	vadd.f32 v4, v9  }
0x3a: {  	v14 =	vld [tilespmem:s23+$0x4110];
	[tilespmem:s21+$0x110] =	vst v11;
	v9 =	vmax.f32 v5, $0.0e+00;
	v3 =	vadd.f32 v3, v8  }
0x3b: {  	v5 =	vld [tilespmem:s23+$0x4120];
	[tilespmem:s21+$0x120] =	vst v9;
	v8 =	vmax.f32 v4, $0.0e+00;
	v2 =	vadd.f32 v2, v7  }
0x3c: {  	v4 =	vld [tilespmem:s23+$0x4130];
	[tilespmem:s21+$0x130] =	vst v8;
	v7 =	vmax.f32 v3, $0.0e+00;
	v1 =	vadd.f32 v1, v6  }
0x3d: {  	v3 =	vld [tilespmem:s23+$0x4140];
	[tilespmem:s21+$0x140] =	vst v7;
	v6 =	vmax.f32 v2, $0.0e+00;
	v0 =	vadd.f32 v0, v10  }
0x3e: {  	v2 =	vld [tilespmem:s23+$0x4150];
	[tilespmem:s21+$0x150] =	vst v6;
	v6 =	vmax.f32 v1, $0.0e+00  }
0x3f: {  	v1 =	vld [tilespmem:s23+$0x4160];
	[tilespmem:s21+$0x160] =	vst v6;
	v6 =	vmax.f32 v0, $0.0e+00  }
0x40: {  	v0 =	vld [tilespmem:s23+$0x4170];
	[tilespmem:s21+$0x170] =	vst v6;
	s21 =	smov.u32 s23  }
0x41: {  	v6 =	vld [tilespmem:s21+$0x100]  }
0x42: {  	v11 =	vld [tilespmem:s21+$0x110]  }
.Ltmp0:
0x43: {  	v10 =	vld [tilespmem:s21+$0x120];
	(pc) =	sbr.rel @p0 .LBB2_3-.Ltmp0, $4  }
0x44: {  	v9 =	vld [tilespmem:s21+$0x130]  }
0x45: {  	v8 =	vld [tilespmem:s21+$0x140]  }
0x46: {  	v12 =	vadd.f32 v13, v6;
	v7 =	vld [tilespmem:s21+$0x150]  }
0x47: {  	s22 =	sadd.s32 $0x200, s22;
	v11 =	vadd.f32 v14, v11;
	v6 =	vld [tilespmem:s21+$0x160]  }
0x48: {  	v12 =	vmax.f32 v12, $0.0e+00;
	v5 =	vadd.f32 v5, v10;
	v63 =	vld [tilespmem:s21+$0x170]  }
0x49: {  	[tilespmem:s21+$0x100] =	vst v12;
	v11 =	vmax.f32 v11, $0.0e+00;
	v4 =	vadd.f32 v4, v9  }
0x4a: {  	[tilespmem:s21+$0x110] =	vst v11;
	v5 =	vmax.f32 v5, $0.0e+00;
	v3 =	vadd.f32 v3, v8  }
0x4b: {  	[tilespmem:s21+$0x120] =	vst v5;
	v4 =	vmax.f32 v4, $0.0e+00;
	v2 =	vadd.f32 v2, v7  }
0x4c: {  	[tilespmem:s21+$0x130] =	vst v4;
	v3 =	vmax.f32 v3, $0.0e+00;
	v1 =	vadd.f32 v1, v6  }
0x4d: {  	[tilespmem:s21+$0x140] =	vst v3;
	v2 =	vmax.f32 v2, $0.0e+00;
	v0 =	vadd.f32 v0, v63  }
0x4e: {  	[tilespmem:s21+$0x150] =	vst v2;
	v1 =	vmax.f32 v1, $0.0e+00  }
0x4f: {  	s20 =	sadd.s32 $0x1, s20;
	[tilespmem:s21+$0x160] =	vst v1;
	v0 =	vmax.f32 v0, $0.0e+00  }
0x50: {  	p0 =	sne.s32 s20, $0x50;
	[tilespmem:s21+$0x170] =	vst v0  }
0x51: {  	[spmem:s1] =	stream.indirect.scatter.add.f32 [tilespmem:s16], [sflag:$0x2], $0x80, s15, s15, $0xb8;
	[tilespmem:$0x1BD00] =	vst v63  }
.Ltmp1:
0x52: {  	[smem:$0x1] =	sst s15;
	(pc) =	sbr.rel @p0 .LBB2_2-.Ltmp1, $4  }
0x53: {  	_ =	swait.ge [sflag:s14], $0x4000  }
0x54: {  	[sflag:s14] =	ssyncset.done $0x0  }
0x55: {  	[sflag:s14] =	ssyncadd.s32 $0xFFFFC000  }
0x56: {  	[smem:$0x0] =	sst s20  }
0x57: {  	s19 =	sadd.s32 $0x1, s19  }
0x58: {  	p0 =	sne.s32 s19, s12  }
.Ltmp2:
0x59: {  	[bflag:$0x0] =	sbarrier.arrive $0xFFFF;
	(pc) =	sbr.rel @p0 .LBB2_1-.Ltmp2, $4  }
0x5a: {  	[hbm:s11], [sflag:s9] =	dma.local [spmem:s13], $0x2780  }
0x5b: {  	_ =	swait.ge [sflag:s14], $0x2780  }
0x5c: {  	[sflag:s14] =	ssyncset.done $0x0  }
0x5d: {  	[sflag:s14] =	ssyncadd.s32 $0xFFFFD880  }
0x5e: {  	_ =	sfence.sel $0x180000  }
0x5f: {  	[bflag:$0x0] =	sbarrier.arrive $0xFFFF  }
0x60: {  	p0 =	sne.s32 s3, $0x0;
	_ =	strace $0x9000004D  }
0x61: {  	s0 =	sadd.s32 @!p0 $0x100000, s0;
	[bflag:$0x2] =	sbarrier.arrive $0xFFFF  }
0x62: {  	[sflag:s0] =	ssyncadd.tile.s32 @!p0 $0x1;
	_ =	shalt  }
.Lfunc_end2:
_tile_overlayer_lowered:
.L_overlay_start_2:
0x63: {  	(tag) =	ssettag $0x2  }
0x64: {  	s0 =	rddreg [dreg:$0x0];
	s2 =	stileid.u32  }
0x65: {  	s1 =	rddreg [dreg:$0x1];
	p0 =	sne.s32 s2, $0x0  }
0x66: {  	s3 =	rddreg [dreg:$0x2];
	[bflag:$0x3] =	sbarrier.arrive $0xFFFF;
	s2 =	simm.s32 @!p0 $0x1C02  }
0x67: {  	[timem:s3], [sflag:s2] =	dma.local @!p0 [hbm:s0], s1  }
0x68: {  	s0 =	simm.s32 @!p0 $0x2  }
0x69: {  	_ =	swait.ge @!p0 [sflag:s0], s1  }
0x6a: {  	s1 =	ssub.s32 @!p0 $0x0, s1;
	[sflag:s0] =	ssyncset.done @!p0 $0x0  }
0x6b: {  	[sflag:s0] =	ssyncadd.s32 @!p0 s1  }
0x6c: {  	[bflag:$0x3] =	sbarrier.arrive $0xFFFF  }
0x6d: {  	_ =	shalt  }

// kernel: kernel.21.cloned.1.call-start
scs
__scs_entry_jumppad:
0x0: {  	(pc) =	sbr.rel $0x88, $3  }
0x1: {  	(tag) =	ssettag $0x0;
	lr =	simm.s32 $0x1  }
0x2: {  	[smem:$0x3F90] =	sst lr;
	_ =	strace $0xD0000000  }
0x3: {  	_ = 	snop  }
0x4: {  	_ = 	snop  }
0x5: {  	_ = 	snop  }
0x6: {  	_ = 	snop  }
0x7: {  	_ = 	snop  }
__scs_overlays_trampoline_lowered:
0x8: {  	[smem:$0x3F9F] =	sst s0  }
0x9: {  	[smem:$0x3FA0] =	sst s1  }
0xa: {  	[smem:$0x3FA1] =	sst s2  }
0xb: {  	[smem:$0x3FA2] =	sst s3  }
0xc: {  	[smem:$0x3FA3] =	sst s4  }
0xd: {  	[smem:$0x3FA4] =	sst s5  }
0xe: {  	[smem:$0x3FA5] =	sst s6  }
0xf: {  	[smem:$0x3FA6] =	sst s7  }
0x10: {  	[smem:$0x3FA7] =	sst s8  }
0x11: {  	[smem:$0x3FA8] =	sst s9;
	s0 =	simm.s32 @!p0 $0x0  }
0x12: {  	s1 =	sld [smem:$0x3F8E];
	s0 =	simm.s32 @p0 $0x1  }
0x13: {  	[smem:$0x3FA9] =	sst s0;
	s0 =	simm.s32 @!p1 $0x0  }
0x14: {  	s2 =	sld [smem:$0x3F8D];
	s0 =	simm.s32 @p1 $0x1  }
0x15: {  	[smem:$0x3FAA] =	sst s0;
	s0 =	simm.s32 @!p2 $0x0  }
0x16: {  	s3 =	sld [smem:$0x3FDB];
	s0 =	simm.s32 @p2 $0x1  }
0x17: {  	s4 =	simm.s32 $0x1BF5;
	[smem:$0x3FAC] =	sst s0  }
0x18: {  	s0 =	sld [smem:$0x3F8F];
	_ =	swait.ge [sflag:s4], $0x0  }
0x19: {  	s7 =	sld [smem:$0x3F90]  }
0x1a: {  	s8 =	sadd.s32 $0xFFFFE003, lr  }
0x1b: {  	s9 =	sadd.s32 $0xFFFFFEF7, lr;
	s5 =	simm.s32 $0xFFFFFFFF;
	p2 =	slt.u32 s8, $0xFFFFF086  }
0x1c: {  	p1 =	slt.u32 s9, $0xF7A;
	s5 =	simm.s32 @!p2 $0x0  }
0x1d: {  	s5 =	simm.s32 @p1 $0x1;
	p0 =	seq.s32 s7, s2  }
0x1e: {  	s7 =	smul.u32 @!p0 $0xF7A, s2;
	p2 =	seq.s32 @!p0 s5, $0x0  }
0x1f: {  	s9 =	smul.u32 $0xF7A, s1;
	s8 =	simm.s32 @!p0 $0x1BF5;
	p2 =	por !p2, p0  }
0x20: {  	[sflag:s8] =	ssyncset.s32 @!p0 $0xFFFFF086;
	s6 =	sadd.s32 @!p0 s3, s7;
	s7 =	simm.s32 @!p0 $0x108  }
0x21: {  	s3 =	sadd.s32 s3, s9;
	s6 =	sadd.s32 @!p0 $0x88, s6;
	s7 =	simm.s32 @p2 $0x1082  }
0x22: {  	[simem:s7], [sflag:s8] =	dma.local @!p0 [hbm:s6], $0xF7A  }
0x23: {  	s9 =	sor.u32 $0xD0000000, s2;
	s6 =	simm.s32 $0x108;
	_ =	swait.ge @!p0 [sflag:s8], $0x0  }
0x24: {  	s3 =	sadd.s32 $0x88, s3;
	s6 =	simm.s32 @!p1 $0x1082;
	[sflag:s4] =	ssyncset.s32 $0xFFFFF086  }
0x25: {  	[simem:s6], [sflag:s4] =	dma.local [hbm:s3], $0xF7A  }
0x26: {  	[smem:$0x3F90] =	sst s1;
	(tag) =	ssettag s2;
	_ =	strace s9  }
0x27: {  	s1 =	sld [smem:$0x3FA0]  }
0x28: {  	s2 =	sld [smem:$0x3FA1]  }
0x29: {  	s4 =	sld [smem:$0x3FA3]  }
0x2a: {  	p0 =	seq.s32 s5, $0x0;
	s5 =	sld [smem:$0x3FA4]  }
0x2b: {  	s6 =	sld [smem:$0x3FA5]  }
0x2c: {  	s7 =	sld [smem:$0x3FA6]  }
0x2d: {  	s3 =	simm.s32 $0x108;
	s8 =	sld [smem:$0x3FA7]  }
0x2e: {  	s3 =	simm.s32 @!p0 $0x1082;
	s9 =	sld [smem:$0x3FA8]  }
0x2f: {  	lr =	sadd.s32 s0, s3;
	s0 =	sld [smem:$0x3F9F]  }
0x30: {  	s3 =	sld [smem:$0x3FA2]  }
0x31: {  	[smem:$0x3FAB] =	sst s10  }
0x32: {  	s10 =	sld [smem:$0x3FA9];
	_ =	sdelay $0x3  }
0x33: {  	p0 =	seq.s32 s10, $0x1;
	s10 =	sld [smem:$0x3FAB];
	_ =	sdelay $0x3  }
0x34: {  	[smem:$0x3FAB] =	sst s10  }
0x35: {  	s10 =	sld [smem:$0x3FAA];
	_ =	sdelay $0x3  }
0x36: {  	p1 =	seq.s32 s10, $0x1;
	s10 =	sld [smem:$0x3FAB];
	_ =	sdelay $0x3  }
0x37: {  	[smem:$0x3FAB] =	sst s10  }
0x38: {  	s10 =	sld [smem:$0x3FAC]  }
0x39: {  	_ = 	snop;
	(pc) =	sbr.ind lr, $3  }
0x3a: {  	_ = 	snop  }
0x3b: {  	_ = 	snop  }
0x3c: {  	p2 =	seq.s32 s10, $0x1;
	s10 =	sld [smem:$0x3FAB]  }
0x3d: {  	_ =	shalt  }
0x3e: {  	_ =	shalt  }
0x3f: {  	_ =	shalt  }
0x40: {  	_ =	shalt  }
0x41: {  	_ =	shalt  }
0x42: {  	_ =	shalt  }
0x43: {  	_ =	shalt  }
0x44: {  	_ =	shalt  }
0x45: {  	_ =	shalt  }
0x46: {  	_ =	shalt  }
0x47: {  	_ =	shalt  }
0x48: {  	_ =	shalt  }
0x49: {  	_ =	shalt  }
0x4a: {  	_ =	shalt  }
0x4b: {  	_ =	shalt  }
0x4c: {  	_ =	shalt  }
0x4d: {  	_ =	shalt  }
0x4e: {  	_ =	shalt  }
0x4f: {  	_ =	shalt  }
0x50: {  	_ =	shalt  }
0x51: {  	_ =	shalt  }
0x52: {  	_ =	shalt  }
0x53: {  	_ =	shalt  }
0x54: {  	_ =	shalt  }
0x55: {  	_ =	shalt  }
0x56: {  	_ =	shalt  }
0x57: {  	_ =	shalt  }
0x58: {  	_ =	shalt  }
0x59: {  	_ =	shalt  }
0x5a: {  	_ =	shalt  }
0x5b: {  	_ =	shalt  }
0x5c: {  	_ =	shalt  }
0x5d: {  	_ =	shalt  }
0x5e: {  	_ =	shalt  }
0x5f: {  	_ =	shalt  }
0x60: {  	_ =	shalt  }
0x61: {  	_ =	shalt  }
0x62: {  	_ =	shalt  }
0x63: {  	_ =	shalt  }
0x64: {  	_ =	shalt  }
0x65: {  	_ =	shalt  }
0x66: {  	_ =	shalt  }
0x67: {  	_ =	shalt  }
0x68: {  	_ =	shalt  }
0x69: {  	_ =	shalt  }
0x6a: {  	_ =	shalt  }
0x6b: {  	_ =	shalt  }
0x6c: {  	_ =	shalt  }
0x6d: {  	_ =	shalt  }
0x6e: {  	_ =	shalt  }
0x6f: {  	_ =	shalt  }
0x70: {  	_ =	shalt  }
0x71: {  	_ =	shalt  }
0x72: {  	_ =	shalt  }
0x73: {  	_ =	shalt  }
0x74: {  	_ =	shalt  }
0x75: {  	_ =	shalt  }
0x76: {  	_ =	shalt  }
0x77: {  	_ =	shalt  }
0x78: {  	_ =	shalt  }
0x79: {  	_ =	shalt  }
0x7a: {  	_ =	shalt  }
0x7b: {  	_ =	shalt  }
0x7c: {  	_ =	shalt  }
0x7d: {  	_ =	shalt  }
0x7e: {  	_ =	shalt  }
0x7f: {  	_ =	shalt  }
0x80: {  	_ =	shalt  }
0x81: {  	_ =	shalt  }
0x82: {  	_ =	shalt  }
0x83: {  	_ =	shalt  }
0x84: {  	_ =	shalt  }
0x85: {  	_ =	shalt  }
0x86: {  	_ =	shalt  }
0x87: {  	_ =	shalt  }
.Lfunc_end0:
.L_simem_size_0:
called_computation.3_lowered:
.L_overlay_start_0:
0x88: {  	s2 =	sld [smem:$0x3FD9]  }
0x89: {  	s3 =	sld [smem:$0x3FFE];
	_ =	sdelay $0x1  }
0x8a: {  	s1 =	srdreg.scid  }
0x8b: {  	s0 =	sand.u32 $0x1, s1  }
0x8c: {  	s16 =	sshll.u32 s0, $0xA;
	s2 =	sadd.s32 s3, s2  }
0x8d: {  	s2 =	sadd.s32 s2, s16  }
0x8e: {  	[smem:$0x3FB7] =	sst s2  }
0x8f: {  	_ = 	snop  }
0x90: {  	(tm) =	ssettm $0x1  }
0x91: {  	s17 =	sld [smem:$0x3FFB];
	_ =	sdelay $0x3  }
0x92: {  	_ =	strace s17  }
0x93: {  	s2 =	sld [smem:$0x3FFC];
	_ =	sdelay $0x3  }
0x94: {  	_ =	strace s2  }
0x95: {  	s2 =	sld [smem:$0x3FFD];
	_ =	sdelay $0x3  }
0x96: {  	_ =	strace s2  }
0x97: {  	_ =	strace $0x8FFFFFFF  }
0x98: {  	s18 =	sld [smem:$0x3FDB];
	_ =	sdelay $0x1  }
0x99: {  	s19 =	simm.s32 $_scs_section_size  }
0x9a: {  	s4 =	simm.s32 $_size__tile_overlayer_lowered;
	s5 =	simm.s32 $_tile_overlayer_lowered  }
0x9b: {  	s22 =	simm.s32 $0x1BFF;
	s21 =	sshll.u32 s5, $0x1;
	s2 =	sadd.s32 s19, s18  }
0x9c: {  	s6 =	simm.s32 $0x0;
	s20 =	sshll.u32 s4, $0x1;
	s4 =	sadd.s32 s21, s2  }
0x9d: {  	[timem:s6], [sflag:s22] =	dma.local [hbm:s4], s20  }
0x9e: {  	_ =	swait.ge [sflag:s22], s20  }
0x9f: {  	s3 =	ssub.s32 $0x0, s20;
	[sflag:s22] =	ssyncset.done $0x0  }
0xa0: {  	[sflag:s22] =	ssyncadd.s32 s3;
	_ =	sdelay $0x1  }
0xa1: {  	s23 =	simm.s32 $0x1B8B  }
0xa2: {  	_ =	swait.ge [sflag:s23], $0x1  }
0xa3: {  	[sflag:s23] =	ssyncset.done $0x0  }
0xa4: {  	s25 =	simm.s32 $0x1B8E;
	s24 =	sld [smem:$0x3FFE];
	[sflag:s23] =	ssyncadd.s32 $0xFFFFFFFF  }
0xa5: {  	s26 =	simm.s32 $execute0_lowered;
	[smem:$0x3FD2] =	sst s25  }
0xa6: {  	s4 =	sshll.u32 s26, $0x1;
	_ =	strace $0x8000004F;
	[dreg:$0x1] =	wrdreg $0xFFFFFFFF  }
0xa7: {  	s28 =	simm.s32 $_size_execute0_lowered;
	s2 =	sadd.s32 s2, s4;
	[dreg:$0x0] =	wrdreg $0x0  }
0xa8: {  	s4 =	sshll.u32 s28, $0x1;
	[dreg:$0x2] =	wrdreg s2  }
0xa9: {  	[dreg:$0x3] =	wrdreg s4  }
0xaa: {  	[dreg:$0x4] =	wrdreg $0xC0  }
0xab: {  	_ =	task [dreg:s6], $0x5FFFF  }
0xac: {  	[dreg:$0x1] =	wrdreg $0xFFFFFFFF  }
0xad: {  	[dreg:$0x0] =	wrdreg $0x60  }
0xae: {  	[dreg:$0x2] =	wrdreg s24  }
0xaf: {  	[dreg:$0x3] =	wrdreg $0x51000  }
0xb0: {  	[dreg:$0x4] =	wrdreg $0x9  }
0xb1: {  	_ =	task.clear_ibuf [dreg:s6], $0x5FFFF;
	_ =	strace $0x9000004F  }
0xb2: {  	s29 =	simm.s32 $0x9;
	_ =	strace $0x80000051  }
0xb3: {  	_ =	swait.ge [sflag:s29], $0x1  }
0xb4: {  	[sflag:s29] =	ssyncadd.s32 $0xFFFFFFFF  }
0xb5: {  	_ =	strace $0x90000051  }
0xb6: {  	_ =	sfence  }
0xb7: {  	s30 =	sld [smem:$0x0];
	_ =	sdelay $0x2  }
0xb8: {  	s31 =	sshll.u32 s1, $0xD;
	s1 =	sshrl.u32 s1, $0x2  }
0xb9: {  	s3 =	sand.u32 $0x4000, s31;
	s1 =	sadd.s32 s1, s30  }
0xba: {  	s0 =	sor.u32 s3, s0;
	s1 =	sshll.u32 s1, $0x11  }
0xbb: {  	s0 =	sor.u32 s1, s0  }
0xbc: {  	s0 =	sadd.s32 $0x8F2B, s0  }
0xbd: {  	[sflag:s0] =	ssyncadd.remote.s32 $0x1  }
0xbe: {  	_ =	sfence.sel $0xFFFF  }
0xbf: {  	[dreg:$0x0] =	wrdreg $0xFFFFFFFF;
	(pc) =	sbr.abs _section_cstart, $3  }
0xc0: {  	[dreg:$0x1] =	wrdreg $0xFFFFFFFF  }
0xc1: {  	_ =	task.clear_ibuf [dreg:s6], $0x2FFFF;
	_ =	strace $0x9FFFFFFF  }
0xc2: {  	(tm) =	ssettm $0x7FFFFFFF  }
0xc3: {  	_ =	shalt  }
tec
execute0_lowered:
.L_overlay_start_1:
0x0: {  	(tag) =	ssettag $0x1  }
0x1: {  	s8 =	rddreg [dreg:$0x0]  }
0x2: {  	s1 =	rddreg [dreg:$0x1];
	s2 =	srdreg.scid  }
0x3: {  	s0 =	rddreg [dreg:$0x2];
	s3 =	simm.s32 $0x0;
	s14 =	simm.s32 $0x80  }
0x4: {  	s15 =	simm.s32 $0x100;
	s16 =	simm.s32 $0x1;
	s17 =	simm.s32 $0x20  }
0x5: {  	s18 =	simm.s32 $0x4100;
	s19 =	simm.s32 $0x0;
	s9 =	sand.u32 $0x1, s2  }
0x6: {  	s2 =	stileid.u32;
	[smem:$0x7FF] =	sst s3;
	s4 =	sadd.s32 $0x100E00, s8  }
0x7: {  	s5 =	sadd.s32 $0x58400, s8;
	s6 =	sadd.s32 $0x4000, s8;
	s7 =	smul.u32 $0x13C000, s9  }
0x8: {  	s10 =	smul.u32 $0x13C00, s2;
	_ =	strace $0x80000050;
	s11 =	ssub.s32 $0x2, s9  }
0x9: {  	s12 =	smul.u32 $0x4F000, s2;
	s28 =	sshll.u32 s9, $0x4;
	s31 =	sshll.u32 s2, $0x6  }
0xa: {  	s26 =	sshrl.u32 s11, $0x1;
	s30 =	sor.u32 s2, s28;
	s7 =	sadd.s32 s10, s7  }
0xb: {  	s11 =	ssub.s32 s11, s26;
	s29 =	sshrl.u32 s12, $0x2;
	s9 =	smul.u32 $0x62, s30  }
0xc: {  	s10 =	sshrl.u32 s7, $0x3;
	s7 =	sadd.s32 $0x56B800, s8;
	s13 =	sadd.s32 s29, s1  }
0xd: {  	s11 =	smax.u32 s11, $0x1;
	s10 =	sadd.s32 s10, s8;
	s8 =	sor.u32 $0x1C02, s31  }
0xe: {  	s12 =	sshrl.u32 s13, $0x3;
	s13 =	simm.s32 $0x2;
	s10 =	sadd.s32 $0x7200, s10  }
.LBB2_1:
0xf: {  	[spmem:s12], [sflag:s8] =	dma.local [hbm:s7], $0x2780  }
0x10: {  	_ =	swait.ge [sflag:s13], $0x2780  }
0x11: {  	[sflag:s13] =	ssyncset.done $0x0  }
0x12: {  	[sflag:s13] =	ssyncadd.s32 $0xFFFFD880  }
0x13: {  	[bflag:$0x0] =	sbarrier.arrive $0xFFFF  }
0x14: {  	s20 =	simm.s32 $0x0;
	[smem:$0x0] =	sst s3  }
.LBB2_2:
0x15: {  	s21 =	sadd.s32 s9, s20  }
0x16: {  	s22 =	sshll.u32 s21, $0x4  }
0x17: {  	s23 =	simm.s32 $0x0;
	s22 =	sadd.s32 s5, s22  }
0x18: {  	[tilespmem:s23], [sflag:$0x2] =	stream.linear.gather [hbm4b:s22+s23], $0x80, $0x38;
	[tilespmem:$0x18D00] =	vst v63  }
0x19: {  	_ =	swait.ge [sflag:s13], $0x80  }
0x1a: {  	s21 =	sshll.u32 s21, $0x2;
	[sflag:s13] =	ssyncset.done $0x0  }
0x1b: {  	s21 =	sadd.s32 s6, s21;
	[sflag:s13] =	ssyncadd.s32 $0xFFFFFF80  }
0x1c: {  	[tilespmem:s14], [sflag:$0x2] =	stream.linear.gather [hbm4b:s21+s23], $0x20, $0x38;
	[tilespmem:$0x18D00] =	vst v63  }
0x1d: {  	_ =	swait.ge [sflag:s13], $0x20  }
0x1e: {  	[sflag:s13] =	ssyncset.done $0x0  }
0x1f: {  	[sflag:s13] =	ssyncadd.s32 $0xFFFFFFE0  }
0x20: {  	[tilespmem:s15], [sflag:$0x1] =	stream.indirect.gather [hbm4b:s4+s14], $0x80, s23, s14, $0xb8;
	[tilespmem:$0x18D00] =	vst v63  }
0x21: {  	_ =	swait.ge [sflag:s16], $0x4000  }
0x22: {  	[sflag:s16] =	ssyncset.done $0x0  }
0x23: {  	s22 =	simm.s32 $0x0;
	[sflag:s16] =	ssyncadd.s32 $0xFFFFC000  }
0x24: {  	v0 =	vld [tilespmem:s22+$0x170]  }
0x25: {  	v1 =	vld [tilespmem:s22+$0x1170]  }
0x26: {  	v2 =	vld [tilespmem:s22+$0x100]  }
0x27: {  	v3 =	vld [tilespmem:s22+$0x2170]  }
0x28: {  	v4 =	vld [tilespmem:s22+$0x1100]  }
0x29: {  	v5 =	vld [tilespmem:s22+$0x3170]  }
0x2a: {  	v6 =	vld [tilespmem:s22+$0x110]  }
0x2b: {  	v7 =	vld [tilespmem:s22+$0x120]  }
0x2c: {  	v8 =	vld [tilespmem:s22+$0x130]  }
0x2d: {  	v9 =	vld [tilespmem:s22+$0x140];
	v0 =	vadd.f32 v1, v0  }
0x2e: {  	v11 =	vld [tilespmem:s22+$0x1140]  }
0x2f: {  	v12 =	vld [tilespmem:s22+$0x150];
	v0 =	vadd.f32 v3, v0  }
0x30: {  	v13 =	vld [tilespmem:s22+$0x1150]  }
0x31: {  	v14 =	vld [tilespmem:s22+$0x160];
	v0 =	vadd.f32 v5, v0  }
0x32: {  	v15 =	vld [tilespmem:s22+$0x1160]  }
0x33: {  	v16 =	vld [tilespmem:s22+$0x2100];
	v10 =	vmul.f32 $1.591549370e-01, v0  }
0x34: {  	v1 =	vld [tilespmem:s22+$0x1110]  }
0x35: {  	v3 =	vld [tilespmem:s22+$0x1120];
	v10 =	vadd.f32 $1.258291200e+07, v10  }
0x36: {  	v18 =	vld [tilespmem:s22+$0x2110]  }
0x37: {  	v5 =	vld [tilespmem:s22+$0x1130];
	v10 =	vadd.f32 $-1.258291200e+07, v10  }
0x38: {  	v19 =	vld [tilespmem:s22+$0x2120]  }
0x39: {  	v20 =	vld [tilespmem:s22+$0x2130];
	v2 =	vadd.f32 v4, v2;
	v1 =	vadd.f32 v1, v6;
	v17 =	vmul.f32 $6.281250000e+00, v10  }
0x3a: {  	v3 =	vadd.f32 v3, v7;
	v7 =	vadd.f32 v11, v9;
	v9 =	vld [tilespmem:s22+$0x3110]  }
0x3b: {  	v6 =	vld [tilespmem:s22+$0x2160];
	v11 =	vadd.f32 v15, v14;
	v0 =	vsub.f32 v0, v17;
	v17 =	vmul.f32 $1.935307170e-03, v10  }
0x3c: {  	v1 =	vadd.f32 v18, v1;
	v14 =	vld [tilespmem:s22+$0x3130];
	v5 =	vadd.f32 v5, v8  }
0x3d: {  	v8 =	vadd.f32 v13, v12;
	v13 =	vld [tilespmem:s22+$0x3120];
	v4 =	vmul.f32 $1.025313170e-11, v10;
	v0 =	vsub.f32 v0, v17  }
0x3e: {  	v5 =	vadd.f32 v20, v5  }
0x3f: {  	v21 =	vld [tilespmem:s22+$0x2140];
	v1 =	vadd.f32 v9, v1;
	v0 =	vsub.f32 v0, v4  }
0x40: {  	v3 =	vadd.f32 v19, v3;
	v6 =	vadd.f32 v6, v11;
	v10 =	vld [tilespmem:s22+$0x2150]  }
0x41: {  	v5 =	vadd.f32 v14, v5;
	v11 =	vmul.f32 $1.591549370e-01, v1;
	v4 =	vld [tilespmem:s22+$0x3100];
	v12 =	vsub.f32 $3.141592740e+00, v0  }
0x42: {  	v2 =	vadd.f32 v16, v2;
	v3 =	vadd.f32 v13, v3;
	vm0 =	vgt.f32 v0, $1.570796370e+00  }
0x43: {  	v16 =	vld [tilespmem:s22+$0x3150];
	v14 =	vmul.f32 $1.591549370e-01, v5;
	v11 =	vadd.f32 $1.258291200e+07, v11;
	v0 =	vsel vm0, v12, v0  }
0x44: {  	v7 =	vadd.f32 v21, v7;
	v13 =	vmul.f32 $1.591549370e-01, v3;
	v12 =	vld [tilespmem:s22+$0x3140];
	v15 =	vsub.f32 $-3.141592740e+00, v0  }
0x45: {  	v14 =	vadd.f32 $1.258291200e+07, v14;
	v11 =	vadd.f32 $-1.258291200e+07, v11;
	vm0 =	vlt.f32 v0, $-1.570796370e+00  }
0x46: {  	v8 =	vadd.f32 v10, v8;
	v2 =	vadd.f32 v4, v2;
	v4 =	vld [tilespmem:s22+$0x3160];
	v0 =	vsel vm0, v15, v0  }
0x47: {  	v13 =	vadd.f32 $1.258291200e+07, v13;
	v14 =	vadd.f32 $-1.258291200e+07, v14;
	v10 =	vmul.f32 v0, v0  }
0x48: {  	v18 =	vmul.f32 $6.281250000e+00, v11;
	v8 =	vadd.f32 v16, v8;
	v9 =	vmul.f32 $1.591549370e-01, v2  }
0x49: {  	v13 =	vadd.f32 $-1.258291200e+07, v13;
	v7 =	vadd.f32 v12, v7;
	v12 =	vmul.f32 $2.596136030e-06, v10  }
0x4a: {  	v1 =	vsub.f32 v1, v18;
	v15 =	vmul.f32 $1.591549370e-01, v8;
	v9 =	vadd.f32 $1.258291200e+07, v9  }
0x4b: {  	v19 =	vmul.f32 $6.281250000e+00, v13;
	v4 =	vadd.f32 v4, v6;
	v12 =	vadd.f32 $-1.980382660e-04, v12  }
0x4c: {  	v15 =	vadd.f32 $1.258291200e+07, v15;
	v6 =	vmul.f32 $1.591549370e-01, v7;
	v9 =	vadd.f32 $-1.258291200e+07, v9  }
0x4d: {  	v3 =	vsub.f32 v3, v19;
	v16 =	vmul.f32 $1.591549370e-01, v4;
	v12 =	vmul.f32 v12, v10  }
0x4e: {  	v15 =	vadd.f32 $-1.258291200e+07, v15;
	v6 =	vadd.f32 $1.258291200e+07, v6;
	v17 =	vmul.f32 $6.281250000e+00, v9  }
0x4f: {  	v19 =	vmul.f32 $1.935307170e-03, v9;
	v16 =	vadd.f32 $1.258291200e+07, v16;
	v12 =	vadd.f32 $8.332950060e-03, v12  }
0x50: {  	v6 =	vadd.f32 $-1.258291200e+07, v6;
	v2 =	vsub.f32 v2, v17;
	v17 =	vmul.f32 $6.281250000e+00, v14  }
0x51: {  	v9 =	vmul.f32 $1.025313170e-11, v9;
	v16 =	vadd.f32 $-1.258291200e+07, v16;
	v12 =	vmul.f32 v12, v10  }
0x52: {  	v20 =	vmul.f32 $6.281250000e+00, v6;
	v5 =	vsub.f32 v5, v17;
	v17 =	vmul.f32 $1.935307170e-03, v11  }
0x53: {  	v2 =	vsub.f32 v2, v19;
	v19 =	vmul.f32 $1.935307170e-03, v15;
	v12 =	vadd.f32 $-1.666665080e-01, v12  }
0x54: {  	v18 =	vmul.f32 $6.281250000e+00, v16;
	v7 =	vsub.f32 v7, v20;
	v1 =	vsub.f32 v1, v17  }
0x55: {  	v17 =	vmul.f32 $1.935307170e-03, v16;
	v2 =	vsub.f32 v2, v9;
	v10 =	vmul.f32 v12, v10  }
0x56: {  	v4 =	vsub.f32 v4, v18;
	v18 =	vmul.f32 $1.935307170e-03, v6;
	v12 =	vmul.f32 $6.281250000e+00, v15  }
0x57: {  	v9 =	vmul.f32 $1.025313170e-11, v15;
	v6 =	vmul.f32 $1.025313170e-11, v6;
	v10 =	vadd.f32 $1.000000000e+00, v10  }
0x58: {  	v7 =	vsub.f32 v7, v18;
	v8 =	vsub.f32 v8, v12;
	v12 =	vmul.f32 $1.935307170e-03, v13  }
0x59: {  	v4 =	vsub.f32 v4, v17;
	v0 =	vmul.f32 v10, v0;
	v10 =	vmul.f32 $1.935307170e-03, v14  }
0x5a: {  	vm15 =	vgt.f32 v2, $1.570796370e+00;
	v6 =	vsub.f32 v7, v6;
	v8 =	vsub.f32 v8, v19  }
0x5b: {  	v3 =	vsub.f32 v3, v12;
	v5 =	vsub.f32 v5, v10;
	v10 =	vmul.f32 $1.025313170e-11, v11  }
0x5c: {  	v12 =	vmul.f32 $1.025313170e-11, v14;
	v11 =	vmul.f32 $1.025313170e-11, v13;
	v7 =	vsub.f32 v8, v9  }
0x5d: {  	vm4 =	vgt.f32 v6, $1.570796370e+00;
	v8 =	vsub.f32 $3.141592740e+00, v2;
	v1 =	vsub.f32 v1, v10  }
0x5e: {  	v3 =	vsub.f32 v3, v11;
	v10 =	vmul.f32 $1.025313170e-11, v16;
	v5 =	vsub.f32 v5, v12  }
0x5f: {  	s21 =	simm.s32 $0x80;
	[tilespmem:s22+$0x4170] =	vst v0;
	v12 =	vsub.f32 $3.141592740e+00, v6;
	v13 =	vsub.f32 $3.141592740e+00, v7;
	v2 =	vsel vm15, v8, v2  }
0x60: {  	v17 =	vld [tilespmem:s21+$0x100];
	vm5 =	vgt.f32 v7, $1.570796370e+00;
	vm0 =	vlt.f32 v2, $-1.570796370e+00;
	vm1 =	vgt.f32 v1, $1.570796370e+00  }
0x61: {  	v23 =	vld [tilespmem:s21+$0x1100];
	v4 =	vsub.f32 v4, v10;
	v9 =	vsub.f32 $3.141592740e+00, v1;
	vm2 =	vgt.f32 v3, $1.570796370e+00  }
0x62: {  	v10 =	vsub.f32 $3.141592740e+00, v3;
	vm3 =	vgt.f32 v5, $1.570796370e+00;
	v6 =	vsel vm4, v12, v6  }
0x63: {  	v11 =	vsub.f32 $3.141592740e+00, v5;
	v12 =	vsub.f32 $-3.141592740e+00, v6;
	vm4 =	vlt.f32 v6, $-1.570796370e+00  }
0x64: {  	vm6 =	vgt.f32 v4, $1.570796370e+00;
	v14 =	vsub.f32 $3.141592740e+00, v4;
	v1 =	vsel vm1, v9, v1  }
0x65: {  	v3 =	vsel vm2, v10, v3;
	v8 =	vsel vm3, v11, v5;
	v5 =	vsub.f32 $-3.141592740e+00, v2  }
0x66: {  	v20 =	vld [tilespmem:s21+$0x2170];
	v9 =	vsel vm5, v13, v7;
	v17 =	vadd.f32 v23, v17;
	v7 =	vsub.f32 $-3.141592740e+00, v1  }
0x67: {  	v26 =	vld [tilespmem:s21+$0x3170];
	v10 =	vsub.f32 $-3.141592740e+00, v3;
	v11 =	vsub.f32 $-3.141592740e+00, v8;
	vm1 =	vlt.f32 v1, $-1.570796370e+00  }
0x68: {  	v27 =	vld [tilespmem:s21+$0x110];
	v13 =	vsub.f32 $-3.141592740e+00, v9;
	vm2 =	vlt.f32 v3, $-1.570796370e+00;
	vm3 =	vlt.f32 v8, $-1.570796370e+00  }
0x69: {  	v29 =	vld [tilespmem:s21+$0x130];
	vm5 =	vlt.f32 v9, $-1.570796370e+00;
	v4 =	vsel vm6, v14, v4;
	v15 =	vsel vm0, v5, v2  }
0x6a: {  	v23 =	vld [tilespmem:s21+$0x1130];
	v2 =	vsel vm4, v12, v6;
	v14 =	vsub.f32 $-3.141592740e+00, v4;
	v7 =	vsel vm1, v7, v1  }
0x6b: {  	v28 =	vld [tilespmem:s21+$0x120];
	v5 =	vsel vm2, v10, v3;
	v3 =	vsel vm3, v11, v8;
	v6 =	vmul.f32 v15, v15  }
0x6c: {  	v62 =	vld [tilespmem:s21+$0x2130];
	v1 =	vsel vm5, v13, v9;
	v8 =	vmul.f32 v7, v7;
	v9 =	vmul.f32 v5, v5  }
0x6d: {  	vm6 =	vlt.f32 v4, $-1.570796370e+00;
	v11 =	vld [tilespmem:s21+$0x170];
	v10 =	vmul.f32 v3, v3;
	v12 =	vmul.f32 v1, v1  }
0x6e: {  	v13 =	vld [tilespmem:s21+$0x1170];
	v0 =	vsel vm6, v14, v4;
	v4 =	vmul.f32 v2, v2;
	v14 =	vmul.f32 $2.596136030e-06, v6  }
0x6f: {  	v37 =	vld [tilespmem:s21+$0x3130];
	v23 =	vadd.f32 v23, v29;
	v16 =	vmul.f32 v0, v0;
	v18 =	vmul.f32 $2.596136030e-06, v8  }
0x70: {  	v56 =	vld [tilespmem:s21+$0x140];
	v19 =	vmul.f32 $2.596136030e-06, v9;
	v21 =	vmul.f32 $2.596136030e-06, v10;
	v14 =	vadd.f32 $-1.980382660e-04, v14  }
0x71: {  	v31 =	vld [tilespmem:s21+$0x1140];
	v24 =	vmul.f32 $2.596136030e-06, v12;
	v23 =	vadd.f32 v62, v23;
	v18 =	vadd.f32 $-1.980382660e-04, v18  }
0x72: {  	v57 =	vld [tilespmem:s21+$0x150];
	v22 =	vmul.f32 $2.596136030e-06, v4;
	v19 =	vadd.f32 $-1.980382660e-04, v19;
	v21 =	vadd.f32 $-1.980382660e-04, v21  }
0x73: {  	v32 =	vld [tilespmem:s21+$0x1150];
	v25 =	vmul.f32 $2.596136030e-06, v16;
	v11 =	vadd.f32 v13, v11;
	v24 =	vadd.f32 $-1.980382660e-04, v24  }
0x74: {  	v58 =	vld [tilespmem:s21+$0x160];
	v14 =	vmul.f32 v14, v6;
	v22 =	vadd.f32 $-1.980382660e-04, v22;
	v23 =	vadd.f32 v37, v23  }
0x75: {  	v33 =	vld [tilespmem:s21+$0x1160];
	v18 =	vmul.f32 v18, v8;
	v19 =	vmul.f32 v19, v9;
	v25 =	vadd.f32 $-1.980382660e-04, v25  }
0x76: {  	v13 =	vld [tilespmem:s21+$0x1110];
	v21 =	vmul.f32 v21, v10;
	v11 =	vadd.f32 v20, v11;
	v24 =	vmul.f32 v24, v12  }
0x77: {  	v63 =	vld [tilespmem:s21+$0x2140];
	v14 =	vadd.f32 $8.332950060e-03, v14;
	v22 =	vmul.f32 v22, v4;
	v18 =	vadd.f32 $8.332950060e-03, v18  }
0x78: {  	v20 =	vld [tilespmem:s21+$0x1120];
	v44 =	vmul.f32 $1.591549370e-01, v23;
	v11 =	vadd.f32 v26, v11;
	v19 =	vadd.f32 $8.332950060e-03, v19  }
0x79: {  	v60 =	vld [tilespmem:s21+$0x2110];
	v25 =	vmul.f32 v25, v16;
	v21 =	vadd.f32 $8.332950060e-03, v21;
	v24 =	vadd.f32 $8.332950060e-03, v24  }
0x7a: {  	v35 =	vld [tilespmem:s21+$0x2150];
	v26 =	vadd.f32 v31, v56;
	v14 =	vmul.f32 v14, v6;
	v22 =	vadd.f32 $8.332950060e-03, v22  }
0x7b: {  	v13 =	vadd.f32 v13, v27;
	v27 =	vadd.f32 v32, v57;
	v18 =	vmul.f32 v18, v8  }
0x7c: {  	v30 =	vmul.f32 $1.591549370e-01, v11;
	v25 =	vadd.f32 $8.332950060e-03, v25;
	v36 =	vadd.f32 v63, v26  }
0x7d: {  	v19 =	vmul.f32 v19, v9;
	v20 =	vadd.f32 v20, v28;
	v14 =	vadd.f32 $-1.666665080e-01, v14  }
0x7e: {  	v21 =	vmul.f32 v21, v10;
	v28 =	vadd.f32 v33, v58;
	v13 =	vadd.f32 v60, v13  }
0x7f: {  	v24 =	vmul.f32 v24, v12;
	v38 =	vadd.f32 v35, v27;
	v27 =	vadd.f32 $1.258291200e+07, v44  }
0x80: {  	v22 =	vmul.f32 v22, v4;
	v30 =	vadd.f32 $1.258291200e+07, v30;
	v19 =	vadd.f32 $-1.666665080e-01, v19  }
0x81: {  	v21 =	vadd.f32 $-1.666665080e-01, v21;
	v6 =	vmul.f32 v14, v6;
	v14 =	vadd.f32 $-1.666665080e-01, v18  }
0x82: {  	v25 =	vmul.f32 v25, v16;
	v24 =	vadd.f32 $-1.666665080e-01, v24;
	v30 =	vadd.f32 $-1.258291200e+07, v30  }
0x83: {  	v18 =	vld [tilespmem:s21+$0x2100];
	v9 =	vmul.f32 v19, v9;
	v8 =	vmul.f32 v14, v8;
	v14 =	vadd.f32 $-1.666665080e-01, v22  }
0x84: {  	v19 =	vadd.f32 $-1.666665080e-01, v25;
	v10 =	vmul.f32 v21, v10;
	v22 =	vld [tilespmem:s21+$0x2120];
	v59 =	vmul.f32 $6.281250000e+00, v30  }
0x85: {  	v21 =	vmul.f32 v24, v12;
	v6 =	vadd.f32 $1.000000000e+00, v6;
	v4 =	vmul.f32 v14, v4;
	v14 =	vld [tilespmem:s21+$0x3100]  }
0x86: {  	v61 =	vmul.f32 $1.935307170e-03, v30;
	v12 =	vmul.f32 v19, v16;
	v19 =	vld [tilespmem:s21+$0x3120];
	v11 =	vsub.f32 v11, v59  }
0x87: {  	v9 =	vadd.f32 $1.000000000e+00, v9;
	v10 =	vadd.f32 $1.000000000e+00, v10  }
0x88: {  	v34 =	vmul.f32 $1.025313170e-11, v30;
	v17 =	vadd.f32 v18, v17;
	v18 =	vld [tilespmem:s21+$0x2160];
	v11 =	vsub.f32 v11, v61  }
0x89: {  	v8 =	vadd.f32 $1.000000000e+00, v8;
	v15 =	vmul.f32 v6, v15;
	v20 =	vadd.f32 v22, v20;
	v22 =	vld [tilespmem:s21+$0x3110]  }
0x8a: {  	v5 =	vmul.f32 v9, v5;
	v11 =	vsub.f32 v11, v34;
	v14 =	vadd.f32 v14, v17  }
0x8b: {  	v3 =	vmul.f32 v10, v3;
	v6 =	vadd.f32 $1.000000000e+00, v4;
	v17 =	vld [tilespmem:s21+$0x3150];
	v19 =	vadd.f32 v19, v20  }
0x8c: {  	v4 =	vadd.f32 $1.000000000e+00, v21;
	v16 =	vsub.f32 $3.141592740e+00, v11;
	v40 =	vmul.f32 $1.591549370e-01, v14  }
0x8d: {  	v18 =	vadd.f32 v18, v28;
	vm8 =	vgt.f32 v11, $1.570796370e+00;
	v21 =	vmul.f32 $1.591549370e-01, v19  }
0x8e: {  	v13 =	vadd.f32 v22, v13;
	v11 =	vsel vm8, v16, v11;
	v43 =	vadd.f32 $1.258291200e+07, v40  }
0x8f: {  	v7 =	vmul.f32 v8, v7;
	v22 =	vld [tilespmem:s21+$0x3160];
	v21 =	vadd.f32 $1.258291200e+07, v21;
	v39 =	vsub.f32 $-3.141592740e+00, v11  }
0x90: {  	v16 =	vld [tilespmem:s21+$0x3140];
	vm0 =	vlt.f32 v11, $-1.570796370e+00;
	v41 =	vmul.f32 $1.591549370e-01, v13;
	v17 =	vadd.f32 v17, v38  }
0x91: {  	v9 =	vadd.f32 $-1.258291200e+07, v43;
	v10 =	vadd.f32 $-1.258291200e+07, v21;
	v11 =	vsel vm0, v39, v11  }
0x92: {  	v21 =	vadd.f32 $-1.258291200e+07, v27;
	v46 =	vmul.f32 $1.591549370e-01, v17;
	v20 =	vmul.f32 v11, v11  }
0x93: {  	v45 =	vadd.f32 $1.258291200e+07, v41;
	v49 =	vmul.f32 $6.281250000e+00, v9;
	v52 =	vmul.f32 $6.281250000e+00, v10  }
0x94: {  	v18 =	vadd.f32 v22, v18;
	v53 =	vmul.f32 $6.281250000e+00, v21;
	v57 =	vmul.f32 $1.935307170e-03, v9  }
0x95: {  	v59 =	vmul.f32 $1.935307170e-03, v10;
	v9 =	vmul.f32 $1.025313170e-11, v9;
	v16 =	vadd.f32 v16, v36  }
0x96: {  	v10 =	vmul.f32 $1.025313170e-11, v10;
	v28 =	vadd.f32 $1.258291200e+07, v46;
	v48 =	vadd.f32 $-1.258291200e+07, v45  }
0x97: {  	v42 =	vmul.f32 $2.596136030e-06, v20;
	v47 =	vmul.f32 $1.591549370e-01, v18;
	v14 =	vsub.f32 v14, v49  }
0x98: {  	v19 =	vsub.f32 v19, v52;
	v23 =	vsub.f32 v23, v53;
	v22 =	vmul.f32 $1.591549370e-01, v16  }
0x99: {  	v50 =	vadd.f32 $-1.258291200e+07, v28;
	v51 =	vmul.f32 $6.281250000e+00, v48;
	v24 =	vadd.f32 $-1.980382660e-04, v42  }
0x9a: {  	v58 =	vmul.f32 $1.935307170e-03, v48;
	v8 =	vadd.f32 $1.258291200e+07, v47;
	v14 =	vsub.f32 v14, v57  }
0x9b: {  	v19 =	vsub.f32 v19, v59;
	v22 =	vadd.f32 $1.258291200e+07, v22;
	v24 =	vmul.f32 v24, v20  }
0x9c: {  	v13 =	vsub.f32 v13, v51;
	v55 =	vmul.f32 $6.281250000e+00, v50;
	v8 =	vadd.f32 $-1.258291200e+07, v8  }
0x9d: {  	v61 =	vmul.f32 $1.935307170e-03, v50;
	v9 =	vsub.f32 v14, v9;
	v24 =	vadd.f32 $8.332950060e-03, v24  }
0x9e: {  	v10 =	vsub.f32 v19, v10;
	v22 =	vadd.f32 $-1.258291200e+07, v22;
	v56 =	vmul.f32 $6.281250000e+00, v8  }
0x9f: {  	v17 =	vsub.f32 v17, v55;
	v62 =	vmul.f32 $1.935307170e-03, v8;
	v24 =	vmul.f32 v24, v20  }
0xa0: {  	v13 =	vsub.f32 v13, v58;
	v8 =	vmul.f32 $1.025313170e-11, v8;
	v54 =	vmul.f32 $6.281250000e+00, v22  }
0xa1: {  	vm9 =	vgt.f32 v9, $1.570796370e+00;
	vm11 =	vgt.f32 v10, $1.570796370e+00;
	v24 =	vadd.f32 $-1.666665080e-01, v24  }
0xa2: {  	v60 =	vmul.f32 $1.935307170e-03, v22;
	v18 =	vsub.f32 v18, v56;
	v16 =	vsub.f32 v16, v54  }
0xa3: {  	v19 =	vsub.f32 $3.141592740e+00, v10;
	v17 =	vsub.f32 v17, v61;
	v20 =	vmul.f32 v24, v20  }
0xa4: {  	v14 =	vmul.f32 $1.025313170e-11, v22;
	v18 =	vsub.f32 v18, v62;
	v16 =	vsub.f32 v16, v60  }
0xa5: {  	v22 =	vmul.f32 $1.025313170e-11, v50;
	v10 =	vsel vm11, v19, v10;
	v20 =	vadd.f32 $1.000000000e+00, v20  }
0xa6: {  	vm2 =	vlt.f32 v10, $-1.570796370e+00;
	v8 =	vsub.f32 v18, v8;
	v14 =	vsub.f32 v16, v14  }
0xa7: {  	v16 =	vsub.f32 v17, v22;
	v20 =	vmul.f32 v20, v11;
	v11 =	vmul.f32 $1.935307170e-03, v21  }
0xa8: {  	v17 =	vsub.f32 $3.141592740e+00, v9;
	vm15 =	vgt.f32 v8, $1.570796370e+00;
	v63 =	vsub.f32 $3.141592740e+00, v8  }
0xa9: {  	vm13 =	vgt.f32 v14, $1.570796370e+00;
	v11 =	vsub.f32 v23, v11;
	v23 =	vmul.f32 $1.025313170e-11, v48  }
0xaa: {  	v22 =	vsub.f32 $3.141592740e+00, v14;
	v9 =	vsel vm9, v17, v9;
	v21 =	vmul.f32 $1.025313170e-11, v21  }
0xab: {  	vm14 =	vgt.f32 v16, $1.570796370e+00;
	vm0 =	vlt.f32 v9, $-1.570796370e+00;
	v13 =	vsub.f32 v13, v23  }
0xac: {  	v14 =	vsel vm13, v22, v14;
	v11 =	vsub.f32 v11, v21;
	v23 =	vsub.f32 $3.141592740e+00, v16  }
0xad: {  	v22 =	vsub.f32 $-3.141592740e+00, v14;
	vm4 =	vlt.f32 v14, $-1.570796370e+00;
	vm10 =	vgt.f32 v13, $1.570796370e+00  }
0xae: {  	v18 =	vsub.f32 $3.141592740e+00, v13;
	v21 =	vsub.f32 $3.141592740e+00, v11;
	v16 =	vsel vm14, v23, v16  }
0xaf: {  	vm12 =	vgt.f32 v11, $1.570796370e+00;
	v23 =	vsub.f32 $-3.141592740e+00, v16;
	vm5 =	vlt.f32 v16, $-1.570796370e+00  }
0xb0: {  	v13 =	vsel vm10, v18, v13;
	v17 =	vsel vm12, v21, v11;
	v11 =	vsub.f32 $-3.141592740e+00, v9  }
0xb1: {  	v21 =	vsel vm15, v63, v8;
	v8 =	vsub.f32 $-3.141592740e+00, v10;
	v18 =	vsub.f32 $-3.141592740e+00, v13  }
0xb2: {  	v19 =	vsub.f32 $-3.141592740e+00, v17;
	vm1 =	vlt.f32 v13, $-1.570796370e+00;
	vm3 =	vlt.f32 v17, $-1.570796370e+00  }
0xb3: {  	[tilespmem:s22+$0x4120] =	vst v5;
	v24 =	vsub.f32 $-3.141592740e+00, v21;
	vm6 =	vlt.f32 v21, $-1.570796370e+00;
	v5 =	vsel vm5, v23, v16  }
0xb4: {  	[tilespmem:s22+$0x4100] =	vst v15;
	v11 =	vsel vm0, v11, v9;
	v8 =	vsel vm2, v8, v10;
	v10 =	vsel vm4, v22, v14  }
0xb5: {  	[tilespmem:s22+$0x4110] =	vst v7;
	v14 =	vmul.f32 v5, v5;
	v7 =	vsel vm3, v19, v17;
	v19 =	vmul.f32 v11, v11  }
0xb6: {  	[tilespmem:s22+$0x4130] =	vst v3;
	v9 =	vsel vm1, v18, v13;
	v16 =	vmul.f32 v8, v8;
	v15 =	vmul.f32 v10, v10  }
0xb7: {  	s23 =	simm.s32 $0x100;
	[tilespmem:s21+$0x4170] =	vst v20;
	v3 =	vsel vm6, v24, v21;
	v18 =	vmul.f32 v9, v9;
	v17 =	vmul.f32 v7, v7  }
0xb8: {  	s24 =	simm.s32 $0x600;
	v12 =	vadd.f32 $1.000000000e+00, v12;
	v20 =	vld [tilespmem:s23+$0x170];
	v13 =	vmul.f32 v3, v3;
	v21 =	vmul.f32 $2.596136030e-06, v19  }
.LBB2_3:
0xb9: {  	p0 =	sne.s32 s24, $0x3E00;
	v22 =	vld [tilespmem:s23+$0x1170];
	v23 =	vmul.f32 $2.596136030e-06, v18;
	v24 =	vmul.f32 $2.596136030e-06, v16  }
0xba: {  	v26 =	vmul.f32 $2.596136030e-06, v17;
	v27 =	vmul.f32 $2.596136030e-06, v15;
	v25 =	vld [tilespmem:s23+$0x100];
	v21 =	vadd.f32 $-1.980382660e-04, v21  }
0xbb: {  	v29 =	vmul.f32 $2.596136030e-06, v14;
	v30 =	vmul.f32 $2.596136030e-06, v13;
	v28 =	vld [tilespmem:s23+$0x2170];
	v23 =	vadd.f32 $-1.980382660e-04, v23  }
0xbc: {  	v24 =	vadd.f32 $-1.980382660e-04, v24;
	v26 =	vadd.f32 $-1.980382660e-04, v26;
	v31 =	vld [tilespmem:s23+$0x1100];
	v21 =	vmul.f32 v21, v19  }
0xbd: {  	v27 =	vadd.f32 $-1.980382660e-04, v27;
	v29 =	vadd.f32 $-1.980382660e-04, v29;
	v32 =	vld [tilespmem:s23+$0x3170];
	v23 =	vmul.f32 v23, v18  }
0xbe: {  	v33 =	vld [tilespmem:s23+$0x110];
	v20 =	vadd.f32 v22, v20;
	v22 =	vmul.f32 v24, v16;
	v24 =	vadd.f32 $-1.980382660e-04, v30  }
0xbf: {  	v26 =	vmul.f32 v26, v17;
	v27 =	vmul.f32 v27, v15;
	v21 =	vadd.f32 $8.332950060e-03, v21;
	v30 =	vld [tilespmem:s23+$0x1110]  }
0xc0: {  	v34 =	vld [tilespmem:s23+$0x120];
	v20 =	vadd.f32 v28, v20;
	v28 =	vmul.f32 v29, v14;
	v24 =	vmul.f32 v24, v13  }
0xc1: {  	v23 =	vadd.f32 $8.332950060e-03, v23;
	v21 =	vmul.f32 v21, v19;
	v25 =	vadd.f32 v31, v25;
	v29 =	vld [tilespmem:s23+$0x1120]  }
0xc2: {  	v6 =	vmul.f32 v6, v2;
	v2 =	vmovc v10;
	v22 =	vadd.f32 $8.332950060e-03, v22;
	v31 =	vld [tilespmem:s23+$0x130];
	v20 =	vadd.f32 v32, v20  }
0xc3: {  	v26 =	vadd.f32 $8.332950060e-03, v26;
	v27 =	vadd.f32 $8.332950060e-03, v27;
	v23 =	vmul.f32 v23, v18;
	v10 =	vld [tilespmem:s23+$0x1130]  }
0xc4: {  	v28 =	vadd.f32 $8.332950060e-03, v28;
	v30 =	vadd.f32 v30, v33;
	v32 =	vld [tilespmem:s23+$0x140];
	v33 =	vmul.f32 $1.591549370e-01, v20;
	[tilespmem:s22+$0x4140] =	vst v6  }
0xc5: {  	v26 =	vmul.f32 v26, v17;
	v22 =	vmul.f32 v22, v16;
	v24 =	vadd.f32 $8.332950060e-03, v24;
	v6 =	vld [tilespmem:s23+$0x1140]  }
0xc6: {  	v27 =	vmul.f32 v27, v15;
	v29 =	vadd.f32 v29, v34;
	v34 =	vld [tilespmem:s23+$0x150];
	v33 =	vadd.f32 $1.258291200e+07, v33  }
0xc7: {  	v21 =	vadd.f32 $-1.666665080e-01, v21;
	v28 =	vmul.f32 v28, v14;
	v24 =	vmul.f32 v24, v13;
	v35 =	vld [tilespmem:s23+$0x1150]  }
0xc8: {  	v4 =	vmul.f32 v4, v1;
	v1 =	vmovc v5;
	v10 =	vadd.f32 v10, v31;
	v31 =	vld [tilespmem:s23+$0x160];
	v33 =	vadd.f32 $-1.258291200e+07, v33  }
0xc9: {  	v19 =	vmul.f32 v21, v19;
	v21 =	vadd.f32 $-1.666665080e-01, v23;
	v22 =	vadd.f32 $-1.666665080e-01, v22;
	v5 =	vld [tilespmem:s23+$0x1160]  }
0xca: {  	v26 =	vadd.f32 $-1.666665080e-01, v26;
	v23 =	vld [tilespmem:s23+$0x2100];
	v6 =	vadd.f32 v6, v32;
	v32 =	vmul.f32 $6.281250000e+00, v33;
	[tilespmem:s22+$0x4150] =	vst v4  }
0xcb: {  	v18 =	vmul.f32 v21, v18;
	v21 =	vadd.f32 $-1.666665080e-01, v27;
	v27 =	vadd.f32 $-1.666665080e-01, v28;
	v4 =	vld [tilespmem:s23+$0x2110]  }
0xcc: {  	v28 =	vld [tilespmem:s23+$0x2120];
	v34 =	vadd.f32 v35, v34;
	v20 =	vsub.f32 v20, v32;
	v32 =	vmul.f32 $1.935307170e-03, v33  }
0xcd: {  	v17 =	vmul.f32 v26, v17;
	v16 =	vmul.f32 v22, v16;
	v22 =	vadd.f32 $-1.666665080e-01, v24;
	v35 =	vld [tilespmem:s23+$0x2130]  }
0xce: {  	v26 =	vmul.f32 $1.025313170e-11, v33;
	v24 =	vld [tilespmem:s23+$0x2140];
	v5 =	vadd.f32 v5, v31;
	v20 =	vsub.f32 v20, v32  }
0xcf: {  	v15 =	vmul.f32 v21, v15;
	v14 =	vmul.f32 v27, v14;
	v23 =	vadd.f32 v23, v25;
	v25 =	vld [tilespmem:s23+$0x2150]  }
0xd0: {  	v13 =	vmul.f32 v22, v13;
	v4 =	vadd.f32 v4, v30;
	v21 =	vld [tilespmem:s23+$0x2160];
	v20 =	vsub.f32 v20, v26  }
0xd1: {  	v12 =	vmul.f32 v12, v0;
	v0 =	vmovc v3;
	v19 =	vadd.f32 $1.000000000e+00, v19;
	v22 =	vld [tilespmem:s23+$0x3100];
	v26 =	vadd.f32 v28, v29  }
0xd2: {  	v3 =	vld [tilespmem:s23+$0x3110];
	v10 =	vadd.f32 v35, v10;
	v27 =	vsub.f32 $3.141592740e+00, v20  }
0xd3: {  	v18 =	vadd.f32 $1.000000000e+00, v18;
	vm0 =	vgt.f32 v20, $1.570796370e+00;
	v28 =	vld [tilespmem:s23+$0x3120];
	v24 =	vadd.f32 v24, v6;
	[tilespmem:s22+$0x4160] =	vst v12;
	s22 =	smov.u32 s21;
	s21 =	smov.u32 s23  }
0xd4: {  	v16 =	vadd.f32 $1.000000000e+00, v16;
	v12 =	vld [tilespmem:s21+$0x3130];
	v25 =	vadd.f32 v25, v34;
	v6 =	vsel vm0, v27, v20  }
0xd5: {  	v11 =	vmul.f32 v19, v11;
	v20 =	vld [tilespmem:s21+$0x3140];
	v5 =	vadd.f32 v21, v5;
	v21 =	vsub.f32 $-3.141592740e+00, v6  }
0xd6: {  	v17 =	vadd.f32 $1.000000000e+00, v17;
	vm0 =	vlt.f32 v6, $-1.570796370e+00;
	v19 =	vadd.f32 v22, v23;
	v22 =	vld [tilespmem:s21+$0x3150]  }
0xd7: {  	v3 =	vadd.f32 v3, v4;
	v23 =	vld [tilespmem:s21+$0x3160];
	v21 =	vsel vm0, v21, v6;
	[tilespmem:s22+$0x4100] =	vst v11;
	v6 =	vadd.f32 $1.000000000e+00, v15  }
0xd8: {  	v11 =	vmul.f32 $1.591549370e-01, v19;
	v15 =	vadd.f32 v28, v26;
	v26 =	vmul.f32 v21, v21  }
0xd9: {  	v4 =	vadd.f32 $1.000000000e+00, v14;
	v27 =	vmul.f32 $1.591549370e-01, v3;
	v10 =	vadd.f32 v12, v10  }
0xda: {  	v12 =	vmul.f32 $1.591549370e-01, v15;
	v14 =	vadd.f32 v20, v24;
	v20 =	vmul.f32 $2.596136030e-06, v26  }
0xdb: {  	v11 =	vadd.f32 $1.258291200e+07, v11;
	v24 =	vmul.f32 $1.591549370e-01, v10;
	v22 =	vadd.f32 v22, v25  }
0xdc: {  	v25 =	vmul.f32 $1.591549370e-01, v14;
	v5 =	vadd.f32 v23, v5;
	v20 =	vadd.f32 $-1.980382660e-04, v20  }
0xdd: {  	v23 =	vadd.f32 $1.258291200e+07, v27;
	v12 =	vadd.f32 $1.258291200e+07, v12;
	v27 =	vmul.f32 $1.591549370e-01, v22  }
0xde: {  	v24 =	vadd.f32 $1.258291200e+07, v24;
	v28 =	vmul.f32 $1.591549370e-01, v5;
	v20 =	vmul.f32 v20, v26  }
0xdf: {  	v9 =	vmul.f32 v18, v9;
	v25 =	vadd.f32 $1.258291200e+07, v25;
	v27 =	vadd.f32 $1.258291200e+07, v27  }
0xe0: {  	v8 =	vmul.f32 v16, v8;
	v18 =	vadd.f32 $1.258291200e+07, v28;
	v20 =	vadd.f32 $8.332950060e-03, v20  }
0xe1: {  	v7 =	vmul.f32 v17, v7;
	v11 =	vadd.f32 $-1.258291200e+07, v11;
	v16 =	vadd.f32 $-1.258291200e+07, v23;
	[tilespmem:s22+$0x4110] =	vst v9  }
0xe2: {  	v9 =	vadd.f32 $-1.258291200e+07, v12;
	v12 =	vadd.f32 $-1.258291200e+07, v24;
	v17 =	vmul.f32 v20, v26;
	[tilespmem:s22+$0x4120] =	vst v8  }
0xe3: {  	v23 =	vadd.f32 $-1.258291200e+07, v27;
	v8 =	vmul.f32 $6.281250000e+00, v11;
	v20 =	vadd.f32 $-1.258291200e+07, v25;
	[tilespmem:s22+$0x4130] =	vst v7  }
0xe4: {  	v18 =	vadd.f32 $-1.258291200e+07, v18;
	v7 =	vmul.f32 $6.281250000e+00, v16;
	v17 =	vadd.f32 $-1.666665080e-01, v17  }
0xe5: {  	v24 =	vmul.f32 $6.281250000e+00, v12;
	v8 =	vsub.f32 v19, v8;
	v19 =	vmul.f32 $6.281250000e+00, v9  }
0xe6: {  	v3 =	vsub.f32 v3, v7;
	v7 =	vmul.f32 $6.281250000e+00, v20;
	v17 =	vmul.f32 v17, v26  }
0xe7: {  	v25 =	vmul.f32 $6.281250000e+00, v18;
	v15 =	vsub.f32 v15, v19;
	v19 =	vmul.f32 $6.281250000e+00, v23  }
0xe8: {  	v10 =	vsub.f32 v10, v24;
	v26 =	vmul.f32 $1.935307170e-03, v11;
	v17 =	vadd.f32 $1.000000000e+00, v17  }
0xe9: {  	v24 =	vmul.f32 $1.935307170e-03, v16;
	v7 =	vsub.f32 v14, v7;
	v14 =	vsub.f32 v22, v19  }
0xea: {  	v5 =	vsub.f32 v5, v25;
	v19 =	vmul.f32 $1.935307170e-03, v9;
	v17 =	vmul.f32 v17, v21  }
0xeb: {  	v8 =	vsub.f32 v8, v26;
	v22 =	vmul.f32 $1.935307170e-03, v20;
	v21 =	vmul.f32 $1.935307170e-03, v12  }
0xec: {  	v25 =	vmul.f32 $1.935307170e-03, v18;
	v3 =	vsub.f32 v3, v24;
	v24 =	vmul.f32 $1.935307170e-03, v23;
	[tilespmem:s21+$0x4170] =	vst v17  }
0xed: {  	v11 =	vmul.f32 $1.025313170e-11, v11;
	v15 =	vsub.f32 v15, v19;
	v10 =	vsub.f32 v10, v21  }
0xee: {  	v16 =	vmul.f32 $1.025313170e-11, v16;
	v7 =	vsub.f32 v7, v22;
	v14 =	vsub.f32 v14, v24  }
0xef: {  	v9 =	vmul.f32 $1.025313170e-11, v9;
	v5 =	vsub.f32 v5, v25;
	v12 =	vmul.f32 $1.025313170e-11, v12  }
0xf0: {  	v8 =	vsub.f32 v8, v11;
	v11 =	vmul.f32 $1.025313170e-11, v20;
	v17 =	vmul.f32 $1.025313170e-11, v23  }
0xf1: {  	v3 =	vsub.f32 v3, v16;
	v9 =	vsub.f32 v15, v9;
	v15 =	vmul.f32 $1.025313170e-11, v18  }
0xf2: {  	vm0 =	vgt.f32 v8, $1.570796370e+00;
	v7 =	vsub.f32 v7, v11;
	v10 =	vsub.f32 v10, v12  }
0xf3: {  	vm1 =	vgt.f32 v3, $1.570796370e+00;
	v11 =	vsub.f32 v14, v17;
	v5 =	vsub.f32 v5, v15  }
0xf4: {  	v12 =	vsub.f32 $3.141592740e+00, v8;
	v14 =	vsub.f32 $3.141592740e+00, v3;
	vm2 =	vgt.f32 v9, $1.570796370e+00  }
0xf5: {  	v15 =	vsub.f32 $3.141592740e+00, v9;
	vm3 =	vgt.f32 v10, $1.570796370e+00;
	v16 =	vsub.f32 $3.141592740e+00, v10  }
0xf6: {  	vm4 =	vgt.f32 v7, $1.570796370e+00;
	v17 =	vsub.f32 $3.141592740e+00, v7;
	v18 =	vsub.f32 $3.141592740e+00, v11  }
0xf7: {  	vm5 =	vgt.f32 v11, $1.570796370e+00;
	vm6 =	vgt.f32 v5, $1.570796370e+00;
	v19 =	vsub.f32 $3.141592740e+00, v5  }
0xf8: {  	v8 =	vsel vm0, v12, v8;
	v3 =	vsel vm1, v14, v3;
	v12 =	vsel vm2, v15, v9  }
0xf9: {  	v14 =	vsel vm4, v17, v7;
	v10 =	vsel vm3, v16, v10;
	v15 =	vsel vm5, v18, v11  }
0xfa: {  	v7 =	vsub.f32 $-3.141592740e+00, v8;
	v9 =	vsub.f32 $-3.141592740e+00, v3;
	v16 =	vsel vm6, v19, v5  }
0xfb: {  	vm0 =	vlt.f32 v8, $-1.570796370e+00;
	v5 =	vsub.f32 $-3.141592740e+00, v12;
	v17 =	vsub.f32 $-3.141592740e+00, v10  }
0xfc: {  	vm1 =	vlt.f32 v3, $-1.570796370e+00;
	v18 =	vsub.f32 $-3.141592740e+00, v14;
	v19 =	vsub.f32 $-3.141592740e+00, v15  }
0xfd: {  	vm2 =	vlt.f32 v12, $-1.570796370e+00;
	vm3 =	vlt.f32 v10, $-1.570796370e+00;
	v20 =	vsub.f32 $-3.141592740e+00, v16  }
0xfe: {  	vm4 =	vlt.f32 v14, $-1.570796370e+00;
	vm5 =	vlt.f32 v15, $-1.570796370e+00;
	vm6 =	vlt.f32 v16, $-1.570796370e+00  }
0xff: {  	v11 =	vsel vm0, v7, v8;
	v9 =	vsel vm1, v9, v3;
	v8 =	vsel vm2, v5, v12  }
.Ltmp0:
0x100: {  	v7 =	vsel vm3, v17, v10;
	v10 =	vsel vm4, v18, v14;
	v5 =	vsel vm5, v19, v15;
	(pc) =	sbr.rel @p0 .LBB2_3-.Ltmp0, $4  }
0x101: {  	v19 =	vmul.f32 v11, v11;
	v18 =	vmul.f32 v9, v9;
	v3 =	vsel vm6, v20, v16  }
0x102: {  	v12 =	vadd.f32 $1.000000000e+00, v13;
	v16 =	vmul.f32 v8, v8;
	v17 =	vmul.f32 v7, v7  }
0x103: {  	s23 =	sshra.s32 s24, $0x2;
	v15 =	vmul.f32 v10, v10;
	v14 =	vmul.f32 v5, v5  }
0x104: {  	s24 =	sadd.s32 $0x200, s24;
	v13 =	vmul.f32 v3, v3;
	v21 =	vmul.f32 $2.596136030e-06, v19;
	v20 =	vld [tilespmem:s23+$0x170]  }
0x105: {  	v22 =	vld [tilespmem:s23+$0x1170]  }
0x106: {  	v23 =	vld [tilespmem:s23+$0x100]  }
0x107: {  	v24 =	vld [tilespmem:s23+$0x2170]  }
0x108: {  	v26 =	vld [tilespmem:s23+$0x1100]  }
0x109: {  	v29 =	vld [tilespmem:s23+$0x3170]  }
0x10a: {  	v32 =	vld [tilespmem:s23+$0x110]  }
0x10b: {  	v34 =	vld [tilespmem:s23+$0x1110]  }
0x10c: {  	v41 =	vld [tilespmem:s23+$0x120]  }
0x10d: {  	v25 =	vmul.f32 $2.596136030e-06, v18;
	v35 =	vld [tilespmem:s23+$0x1120]  }
0x10e: {  	v27 =	vmul.f32 $2.596136030e-06, v16;
	v42 =	vld [tilespmem:s23+$0x130];
	v2 =	vmul.f32 v6, v2  }
0x10f: {  	v28 =	vmul.f32 $2.596136030e-06, v17;
	v30 =	vmul.f32 $2.596136030e-06, v15;
	v43 =	vld [tilespmem:s23+$0x1130]  }
0x110: {  	v31 =	vmul.f32 $2.596136030e-06, v14;
	v44 =	vld [tilespmem:s23+$0x140];
	v1 =	vmul.f32 v4, v1;
	v21 =	vadd.f32 $-1.980382660e-04, v21;
	[tilespmem:s22+$0x4140] =	vst v2  }
0x111: {  	v33 =	vmul.f32 $2.596136030e-06, v13;
	v25 =	vadd.f32 $-1.980382660e-04, v25;
	v27 =	vadd.f32 $-1.980382660e-04, v27;
	v49 =	vld [tilespmem:s23+$0x1140]  }
0x112: {  	v28 =	vadd.f32 $-1.980382660e-04, v28;
	v30 =	vadd.f32 $-1.980382660e-04, v30;
	v21 =	vmul.f32 v21, v19;
	v50 =	vld [tilespmem:s23+$0x150]  }
0x113: {  	v31 =	vadd.f32 $-1.980382660e-04, v31;
	v33 =	vadd.f32 $-1.980382660e-04, v33;
	v51 =	vld [tilespmem:s23+$0x1150];
	v25 =	vmul.f32 v25, v18  }
0x114: {  	v52 =	vld [tilespmem:s23+$0x160];
	v27 =	vmul.f32 v27, v16;
	v20 =	vadd.f32 v22, v20;
	v21 =	vadd.f32 $8.332950060e-03, v21  }
0x115: {  	v53 =	vld [tilespmem:s23+$0x1160];
	v28 =	vmul.f32 v28, v17;
	v23 =	vadd.f32 v26, v23;
	v32 =	vadd.f32 v34, v32  }
0x116: {  	v55 =	vld [tilespmem:s23+$0x2100];
	[tilespmem:s22+$0x4150] =	vst v1;
	v30 =	vmul.f32 v30, v15;
	v22 =	vadd.f32 v35, v41;
	v6 =	vadd.f32 v43, v42  }
0x117: {  	v31 =	vmul.f32 v31, v14;
	v58 =	vld [tilespmem:s23+$0x2110];
	v25 =	vadd.f32 $8.332950060e-03, v25;
	v27 =	vadd.f32 $8.332950060e-03, v27  }
0x118: {  	v61 =	vld [tilespmem:s23+$0x2120];
	v45 =	vmul.f32 v33, v13;
	v46 =	vadd.f32 $8.332950060e-03, v28;
	v47 =	vadd.f32 $8.332950060e-03, v30  }
0x119: {  	v63 =	vld [tilespmem:s23+$0x2130];
	v31 =	vadd.f32 $8.332950060e-03, v31;
	v20 =	vadd.f32 v24, v20;
	v21 =	vmul.f32 v21, v19  }
0x11a: {  	v25 =	vmul.f32 v25, v18;
	v26 =	vadd.f32 v49, v44;
	v34 =	vadd.f32 v51, v50  }
0x11b: {  	v27 =	vmul.f32 v27, v16;
	v4 =	vadd.f32 v53, v52;
	v20 =	vadd.f32 v29, v20  }
0x11c: {  	v36 =	vld [tilespmem:s23+$0x2140];
	v2 =	vmul.f32 v46, v17;
	v21 =	vadd.f32 $-1.666665080e-01, v21;
	v29 =	vadd.f32 $8.332950060e-03, v45  }
0x11d: {  	v41 =	vld [tilespmem:s23+$0x2160];
	v28 =	vmul.f32 v47, v15;
	v43 =	vadd.f32 v58, v32;
	v22 =	vadd.f32 v61, v22  }
0x11e: {  	v39 =	vld [tilespmem:s23+$0x2150];
	v31 =	vmul.f32 v31, v14;
	v6 =	vadd.f32 v63, v6;
	v25 =	vadd.f32 $-1.666665080e-01, v25  }
0x11f: {  	v12 =	vmul.f32 v12, v0;
	v44 =	vld [tilespmem:s23+$0x3100];
	v56 =	vadd.f32 $-1.666665080e-01, v27;
	v2 =	vadd.f32 $-1.666665080e-01, v2  }
0x120: {  	v47 =	vld [tilespmem:s23+$0x3120];
	v60 =	vadd.f32 $-1.666665080e-01, v28;
	v31 =	vadd.f32 $-1.666665080e-01, v31;
	v48 =	vmul.f32 $1.591549370e-01, v20  }
0x121: {  	v54 =	vmul.f32 v21, v19;
	v29 =	vmul.f32 v29, v13;
	v21 =	vadd.f32 v55, v23  }
0x122: {  	v45 =	vld [tilespmem:s23+$0x3110];
	v23 =	vadd.f32 v41, v4;
	v1 =	vmul.f32 v56, v16;
	v16 =	vadd.f32 v36, v26  }
0x123: {  	v59 =	vmul.f32 v25, v18;
	v30 =	vadd.f32 $1.258291200e+07, v48;
	v37 =	vadd.f32 $-1.666665080e-01, v29  }
0x124: {  	[tilespmem:s22+$0x4160] =	vst v12;
	v2 =	vmul.f32 v2, v17;
	v19 =	vadd.f32 $1.000000000e+00, v54;
	v48 =	vadd.f32 v39, v34  }
0x125: {  	v12 =	vld [tilespmem:s23+$0x3130];
	v40 =	vmul.f32 v60, v15;
	v52 =	vadd.f32 v44, v21;
	v17 =	vadd.f32 v47, v22  }
0x126: {  	v50 =	vld [tilespmem:s23+$0x3140];
	v42 =	vmul.f32 v31, v14;
	v18 =	vadd.f32 $1.000000000e+00, v59;
	v49 =	vadd.f32 $1.000000000e+00, v1  }
0x127: {  	v53 =	vld [tilespmem:s23+$0x3150];
	v54 =	vadd.f32 $1.000000000e+00, v2;
	v24 =	vadd.f32 v45, v43  }
0x128: {  	v55 =	vld [tilespmem:s23+$0x3160];
	v4 =	vadd.f32 $1.000000000e+00, v40;
	v2 =	vadd.f32 $1.000000000e+00, v42;
	v0 =	vmul.f32 v37, v13  }
0x129: {  	v30 =	vadd.f32 $-1.258291200e+07, v30;
	v1 =	vmul.f32 v19, v11;
	v56 =	vmul.f32 $1.591549370e-01, v52  }
0x12a: {  	v12 =	vadd.f32 v12, v6;
	v58 =	vmul.f32 $1.591549370e-01, v17;
	v27 =	vmul.f32 $1.591549370e-01, v24  }
0x12b: {  	v59 =	vadd.f32 v50, v16;
	v9 =	vmul.f32 v18, v9;
	v8 =	vmul.f32 v49, v8  }
0x12c: {  	v19 =	vadd.f32 v53, v48;
	v6 =	vmul.f32 v54, v7;
	v4 =	vmul.f32 v4, v10  }
0x12d: {  	v23 =	vadd.f32 v55, v23;
	v2 =	vmul.f32 v2, v5;
	v57 =	vmul.f32 $6.281250000e+00, v30  }
0x12e: {  	v62 =	vmul.f32 $1.935307170e-03, v30;
	v15 =	vadd.f32 $1.258291200e+07, v56;
	v61 =	vmul.f32 $1.591549370e-01, v12  }
0x12f: {  	v33 =	vadd.f32 $1.258291200e+07, v58;
	v34 =	vmul.f32 $1.591549370e-01, v19;
	v0 =	vadd.f32 $1.000000000e+00, v0  }
0x130: {  	v38 =	vmul.f32 $1.025313170e-11, v30;
	v63 =	vadd.f32 $1.258291200e+07, v27;
	v20 =	vsub.f32 v20, v57  }
0x131: {  	v35 =	vmul.f32 $1.591549370e-01, v23;
	v28 =	vadd.f32 $1.258291200e+07, v61;
	v36 =	vadd.f32 $1.258291200e+07, v34  }
0x132: {  	v15 =	vadd.f32 $-1.258291200e+07, v15;
	v39 =	vadd.f32 $-1.258291200e+07, v33;
	v0 =	vmul.f32 v0, v3  }
0x133: {  	v37 =	vadd.f32 $1.258291200e+07, v35;
	v20 =	vsub.f32 v20, v62;
	v62 =	vmul.f32 $1.591549370e-01, v59  }
0x134: {  	v40 =	vadd.f32 $-1.258291200e+07, v28;
	v41 =	vmul.f32 $6.281250000e+00, v15;
	v44 =	vmul.f32 $6.281250000e+00, v39  }
0x135: {  	v42 =	vadd.f32 $-1.258291200e+07, v36;
	v49 =	vmul.f32 $1.935307170e-03, v15;
	v15 =	vmul.f32 $1.025313170e-11, v15  }
0x136: {  	v7 =	vmul.f32 $1.025313170e-11, v39;
	v18 =	vadd.f32 $-1.258291200e+07, v37;
	v20 =	vsub.f32 v20, v38  }
0x137: {  	v26 =	vadd.f32 $1.258291200e+07, v62;
	v38 =	vadd.f32 $-1.258291200e+07, v63;
	v45 =	vmul.f32 $6.281250000e+00, v40  }
0x138: {  	v11 =	vsub.f32 v52, v41;
	v47 =	vmul.f32 $6.281250000e+00, v42;
	v52 =	vmul.f32 $1.935307170e-03, v40  }
0x139: {  	v17 =	vsub.f32 v17, v44;
	v54 =	vmul.f32 $1.935307170e-03, v42;
	v48 =	vmul.f32 $6.281250000e+00, v18  }
0x13a: {  	v55 =	vmul.f32 $1.935307170e-03, v18;
	v61 =	vmul.f32 $1.025313170e-11, v18;
	v46 =	vsub.f32 $3.141592740e+00, v20  }
0x13b: {  	vm0 =	vgt.f32 v20, $1.570796370e+00;
	v26 =	vadd.f32 $-1.258291200e+07, v26;
	v43 =	vmul.f32 $6.281250000e+00, v38  }
0x13c: {  	v12 =	vsub.f32 v12, v45;
	v50 =	vmul.f32 $1.935307170e-03, v38;
	v19 =	vsub.f32 v19, v47  }
0x13d: {  	v11 =	vsub.f32 v11, v49;
	v56 =	vmul.f32 $1.025313170e-11, v38;
	v23 =	vsub.f32 v23, v48  }
0x13e: {  	v13 =	vsel vm0, v46, v20;
	v24 =	vsub.f32 v24, v43;
	v46 =	vmul.f32 $6.281250000e+00, v26  }
0x13f: {  	v53 =	vmul.f32 $1.935307170e-03, v26;
	v12 =	vsub.f32 v12, v52;
	v19 =	vsub.f32 v19, v54  }
0x140: {  	v11 =	vsub.f32 v11, v15;
	v51 =	vsub.f32 $-3.141592740e+00, v13;
	vm0 =	vlt.f32 v13, $-1.570796370e+00  }
0x141: {  	v58 =	vsub.f32 v23, v55;
	v14 =	vsub.f32 v59, v46;
	v59 =	vmul.f32 $1.025313170e-11, v26  }
0x142: {  	v63 =	vsub.f32 $3.141592740e+00, v11;
	v13 =	vsel vm0, v51, v13;
	v51 =	vmul.f32 $1.935307170e-03, v39  }
0x143: {  	vm15 =	vgt.f32 v11, $1.570796370e+00;
	v57 =	vmul.f32 v13, v13;
	v14 =	vsub.f32 v14, v53  }
0x144: {  	v24 =	vsub.f32 v24, v50;
	v11 =	vsel vm15, v63, v11;
	v17 =	vsub.f32 v17, v51  }
0x145: {  	v18 =	vsub.f32 $-3.141592740e+00, v11;
	v60 =	vmul.f32 $2.596136030e-06, v57;
	v14 =	vsub.f32 v14, v59  }
0x146: {  	vm0 =	vlt.f32 v11, $-1.570796370e+00;
	v7 =	vsub.f32 v17, v7;
	v17 =	vsub.f32 v58, v61  }
0x147: {  	v11 =	vsel vm0, v18, v11;
	v16 =	vadd.f32 $-1.980382660e-04, v60;
	v60 =	vmul.f32 $1.025313170e-11, v42  }
0x148: {  	vm4 =	vgt.f32 v14, $1.570796370e+00;
	v31 =	vsub.f32 $3.141592740e+00, v14;
	v18 =	vmul.f32 v11, v11  }
0x149: {  	vm2 =	vgt.f32 v7, $1.570796370e+00;
	v29 =	vsub.f32 $3.141592740e+00, v7;
	vm6 =	vgt.f32 v17, $1.570796370e+00  }
0x14a: {  	v33 =	vsub.f32 $3.141592740e+00, v17;
	v16 =	vmul.f32 v16, v57;
	v62 =	vsub.f32 v19, v60  }
0x14b: {  	v14 =	vsel vm4, v31, v14;
	v34 =	vmul.f32 $2.596136030e-06, v18;
	v7 =	vsel vm2, v29, v7  }
0x14c: {  	v17 =	vsel vm6, v33, v17;
	v22 =	vsub.f32 $-3.141592740e+00, v14;
	v16 =	vadd.f32 $8.332950060e-03, v16  }
0x14d: {  	vm4 =	vlt.f32 v14, $-1.570796370e+00;
	v32 =	vsub.f32 $3.141592740e+00, v62;
	v20 =	vsub.f32 $-3.141592740e+00, v7  }
0x14e: {  	vm5 =	vgt.f32 v62, $1.570796370e+00;
	vm2 =	vlt.f32 v7, $-1.570796370e+00;
	v16 =	vmul.f32 v16, v57  }
0x14f: {  	v14 =	vsel vm4, v22, v14;
	v15 =	vsel vm5, v32, v62;
	v7 =	vsel vm2, v20, v7  }
0x150: {  	v23 =	vsub.f32 $-3.141592740e+00, v15;
	v20 =	vmul.f32 v7, v7;
	v16 =	vadd.f32 $-1.666665080e-01, v16  }
0x151: {  	vm6 =	vlt.f32 v17, $-1.570796370e+00;
	v22 =	vmul.f32 v14, v14;
	vm5 =	vlt.f32 v15, $-1.570796370e+00  }
0x152: {  	v15 =	vsel vm5, v23, v15;
	v38 =	vmul.f32 $2.596136030e-06, v20;
	v16 =	vmul.f32 v16, v57  }
0x153: {  	v23 =	vadd.f32 $-1.980382660e-04, v34;
	v57 =	vmul.f32 $1.025313170e-11, v40;
	v35 =	vmul.f32 v15, v15  }
0x154: {  	v40 =	vmul.f32 $2.596136030e-06, v22;
	v27 =	vadd.f32 $-1.980382660e-04, v38;
	v16 =	vadd.f32 $1.000000000e+00, v16  }
0x155: {  	v23 =	vmul.f32 v23, v18;
	v12 =	vsub.f32 v12, v57;
	v41 =	vmul.f32 $2.596136030e-06, v35  }
0x156: {  	v29 =	vadd.f32 $-1.980382660e-04, v40;
	v13 =	vmul.f32 v16, v13;
	v16 =	vsub.f32 v24, v56  }
0x157: {  	v27 =	vmul.f32 v27, v20;
	v23 =	vadd.f32 $8.332950060e-03, v23;
	v30 =	vsub.f32 $3.141592740e+00, v12  }
0x158: {  	vm3 =	vgt.f32 v12, $1.570796370e+00;
	v24 =	vsub.f32 $-3.141592740e+00, v17;
	v28 =	vsub.f32 $3.141592740e+00, v16  }
0x159: {  	v29 =	vmul.f32 v29, v22;
	vm1 =	vgt.f32 v16, $1.570796370e+00;
	v12 =	vsel vm3, v30, v12  }
0x15a: {  	v23 =	vmul.f32 v23, v18;
	v21 =	vsub.f32 $-3.141592740e+00, v12;
	v16 =	vsel vm1, v28, v16  }
0x15b: {  	v17 =	vsel vm6, v24, v17;
	vm3 =	vlt.f32 v12, $-1.570796370e+00;
	v19 =	vsub.f32 $-3.141592740e+00, v16  }
0x15c: {  	v37 =	vmul.f32 v17, v17;
	vm1 =	vlt.f32 v16, $-1.570796370e+00;
	v12 =	vsel vm3, v21, v12  }
0x15d: {  	v27 =	vadd.f32 $8.332950060e-03, v27;
	v21 =	vmul.f32 v12, v12;
	v16 =	vsel vm1, v19, v16  }
0x15e: {  	v30 =	vadd.f32 $-1.980382660e-04, v41;
	v42 =	vmul.f32 $2.596136030e-06, v37;
	v19 =	vmul.f32 v16, v16  }
0x15f: {  	v44 =	vadd.f32 $8.332950060e-03, v29;
	v27 =	vmul.f32 v27, v20;
	v39 =	vmul.f32 $2.596136030e-06, v21  }
0x160: {  	v23 =	vadd.f32 $-1.666665080e-01, v23;
	v31 =	vadd.f32 $-1.980382660e-04, v42;
	v36 =	vmul.f32 $2.596136030e-06, v19  }
0x161: {  	v30 =	vmul.f32 v30, v35;
	v47 =	vmul.f32 v44, v22;
	v28 =	vadd.f32 $-1.980382660e-04, v39  }
0x162: {  	v51 =	vmul.f32 v23, v18;
	v31 =	vmul.f32 v31, v37;
	v25 =	vadd.f32 $-1.980382660e-04, v36  }
0x163: {  	v52 =	vadd.f32 $-1.666665080e-01, v27;
	v45 =	vadd.f32 $8.332950060e-03, v30;
	v28 =	vmul.f32 v28, v21  }
0x164: {  	[tilespmem:s21+$0x4100] =	vst v1;
	v1 =	vadd.f32 $-1.666665080e-01, v47;
	v46 =	vadd.f32 $8.332950060e-03, v31;
	v25 =	vmul.f32 v25, v19  }
0x165: {  	[tilespmem:s21+$0x4110] =	vst v9;
	v54 =	vmul.f32 v52, v20;
	v48 =	vmul.f32 v45, v35;
	v43 =	vadd.f32 $8.332950060e-03, v28  }
0x166: {  	[tilespmem:s21+$0x4120] =	vst v8;
	v8 =	vadd.f32 $1.000000000e+00, v51;
	v49 =	vmul.f32 v46, v37;
	v25 =	vadd.f32 $8.332950060e-03, v25  }
0x167: {  	[tilespmem:s21+$0x4130] =	vst v6;
	v1 =	vmul.f32 v1, v22;
	v53 =	vadd.f32 $-1.666665080e-01, v48;
	v10 =	vmul.f32 v43, v21  }
0x168: {  	[tilespmem:s23+$0x4170] =	vst v13;
	v57 =	vadd.f32 $1.000000000e+00, v54;
	v55 =	vadd.f32 $-1.666665080e-01, v49;
	v25 =	vmul.f32 v25, v19  }
0x169: {  	[tilespmem:s21+$0x4140] =	vst v4;
	v58 =	vmul.f32 v8, v11;
	v6 =	vmul.f32 v53, v35;
	v10 =	vadd.f32 $-1.666665080e-01, v10  }
0x16a: {  	[tilespmem:s21+$0x4150] =	vst v2;
	v1 =	vadd.f32 $1.000000000e+00, v1;
	v4 =	vmul.f32 v55, v37;
	v50 =	vadd.f32 $-1.666665080e-01, v25  }
0x16b: {  	[tilespmem:s21+$0x4160] =	vst v0;
	v2 =	vmul.f32 v57, v7;
	v60 =	vadd.f32 $1.000000000e+00, v6;
	v10 =	vmul.f32 v10, v21  }
0x16c: {  	[tilespmem:s23+$0x4100] =	vst v58;
	v1 =	vmul.f32 v1, v14;
	v61 =	vadd.f32 $1.000000000e+00, v4;
	v5 =	vmul.f32 v50, v19  }
0x16d: {  	[tilespmem:s23+$0x4120] =	vst v2;
	v62 =	vmul.f32 v60, v15;
	v59 =	vadd.f32 $1.000000000e+00, v10  }
0x16e: {  	[tilespmem:s23+$0x4140] =	vst v1;
	v63 =	vmul.f32 v61, v17;
	v56 =	vadd.f32 $1.000000000e+00, v5  }
0x16f: {  	[tilespmem:s23+$0x4150] =	vst v62;
	v0 =	vmul.f32 v59, v12  }
0x170: {  	[tilespmem:s23+$0x4160] =	vst v63;
	v3 =	vmul.f32 v56, v16  }
0x171: {  	s20 =	sadd.s32 $0x1, s20;
	[tilespmem:s23+$0x4130] =	vst v0  }
0x172: {  	p0 =	sne.s32 s20, $0x62;
	[tilespmem:s23+$0x4110] =	vst v3  }
0x173: {  	[spmem:s1] =	stream.indirect.scatter.add.f32 [tilespmem:s18], [sflag:$0x2], $0x80, s14, s17, $0xb8;
	[tilespmem:$0x18D00] =	vst v63  }
.Ltmp1:
0x174: {  	[smem:$0x1] =	sst s17;
	(pc) =	sbr.rel @p0 .LBB2_2-.Ltmp1, $4  }
0x175: {  	_ =	swait.ge [sflag:s13], $0x1000  }
0x176: {  	[sflag:s13] =	ssyncset.done $0x0  }
0x177: {  	[sflag:s13] =	ssyncadd.s32 $0xFFFFF000  }
0x178: {  	[smem:$0x0] =	sst s20  }
0x179: {  	s19 =	sadd.s32 $0x1, s19  }
0x17a: {  	p0 =	sne.s32 s19, s11  }
.Ltmp2:
0x17b: {  	[bflag:$0x0] =	sbarrier.arrive $0xFFFF;
	(pc) =	sbr.rel @p0 .LBB2_1-.Ltmp2, $4  }
0x17c: {  	[hbm:s10], [sflag:s8] =	dma.local [spmem:s12], $0x2780  }
0x17d: {  	_ =	swait.ge [sflag:s13], $0x2780  }
0x17e: {  	[sflag:s13] =	ssyncset.done $0x0  }
0x17f: {  	[sflag:s13] =	ssyncadd.s32 $0xFFFFD880  }
0x180: {  	_ =	sfence.sel $0x180000  }
0x181: {  	[bflag:$0x0] =	sbarrier.arrive $0xFFFF  }
0x182: {  	p0 =	sne.s32 s2, $0x0;
	_ =	strace $0x90000050  }
0x183: {  	s0 =	sadd.s32 @!p0 $0x100000, s0;
	[bflag:$0x2] =	sbarrier.arrive $0xFFFF  }
0x184: {  	[sflag:s0] =	ssyncadd.tile.s32 @!p0 $0x1;
	_ =	shalt  }
.Lfunc_end2:
_tile_overlayer_lowered:
.L_overlay_start_2:
0x185: {  	(tag) =	ssettag $0x2  }
0x186: {  	s0 =	rddreg [dreg:$0x0];
	s2 =	stileid.u32  }
0x187: {  	s1 =	rddreg [dreg:$0x1];
	p0 =	sne.s32 s2, $0x0  }
0x188: {  	s3 =	rddreg [dreg:$0x2];
	[bflag:$0x3] =	sbarrier.arrive $0xFFFF;
	s2 =	simm.s32 @!p0 $0x1C02  }
0x189: {  	[timem:s3], [sflag:s2] =	dma.local @!p0 [hbm:s0], s1  }
0x18a: {  	s0 =	simm.s32 @!p0 $0x2  }
0x18b: {  	_ =	swait.ge @!p0 [sflag:s0], s1  }
0x18c: {  	s1 =	ssub.s32 @!p0 $0x0, s1;
	[sflag:s0] =	ssyncset.done @!p0 $0x0  }
0x18d: {  	[sflag:s0] =	ssyncadd.s32 @!p0 s1  }
0x18e: {  	[bflag:$0x3] =	sbarrier.arrive $0xFFFF  }
0x18f: {  	_ =	shalt  }

</sc_bundles>
